<compile_context>
chip_gen: v7x
topology: tpu7x:2x2x1
jax: 0.10.2.dev20260603
libtpu: 0.0.44.dev20260713+nightly
codegen_flags: <defaults>
</compile_context>

<pallas_src>
import functools

import numpy as np
import jax
import jax.numpy as jnp
from jax import lax
from jax.experimental import pallas as pl
from jax.experimental.pallas import tpu as pltpu
from jax.experimental.pallas import tpu_sc as plsc

_H = 24
_W = 24
_NH = 12
_B = 8
_SEQ = _H * _W + 1
_NR = (2 * _H - 1) * (2 * _W - 1) + 3
_LANES = 16
_CH_ROWS = 16
_NCH = (_SEQ + _CH_ROWS - 1) // _CH_ROWS
_CHE = _CH_ROWS * _SEQ
_NWORK = 32
_TOT = _NH * _NCH
_ITERS = (_TOT + _NWORK - 1) // _NWORK


def _build_idx_chunks() -> np.ndarray:
    hh, ww = np.meshgrid(np.arange(_H), np.arange(_W))
    coords = np.stack([hh, ww], axis=-1).reshape(-1, 2)
    rel = coords[:, None, :] - coords[None, :, :]
    idx_img = (rel[:, :, 0] + _H - 1) + (rel[:, :, 1] + _W - 1) * (2 * _H - 1)
    idx = np.empty((_SEQ, _SEQ), dtype=np.int64)
    idx[0, 0] = _NR - 1
    idx[0, 1:] = _NR - 3
    idx[1:, 0] = _NR - 2
    idx[1:, 1:] = idx_img
    flat = idx.reshape(-1)
    padded = np.zeros((_NCH * _CHE,), dtype=np.int32)
    padded[: flat.size] = flat.astype(np.int32)
    return padded.reshape(_NCH, _CHE)


_IDX_CHUNKS = _build_idx_chunks()


def _sc_gather(table: jax.Array, idx_chunks: jax.Array) -> jax.Array:
    mesh = plsc.VectorSubcoreMesh(
        core_axis_name="c", subcore_axis_name="s", num_cores=2, num_subcores=16
    )

    @functools.partial(
        pl.kernel,
        mesh=mesh,
        out_type=jax.ShapeDtypeStruct((_NH, _NCH, _CHE), jnp.float32),
        compiler_params=pltpu.CompilerParams(needs_layout_passes=False),
        scratch_types=[
            pltpu.VMEM((_NH * _NR,), jnp.float32),
            pltpu.VMEM((2, _CHE), jnp.int32),
            pltpu.VMEM((2, _CHE), jnp.float32),
            pltpu.SemaphoreType.DMA,
            pltpu.SemaphoreType.DMA,
            pltpu.SemaphoreType.DMA,
            pltpu.SemaphoreType.DMA,
        ],
    )
    def body(table_hbm, idx_hbm, out_hbm, table_v, idx_v, bias_v, si0, si1, so0, so1):
        wid = lax.axis_index("s") * 2 + lax.axis_index("c")
        sin = (si0, si1)
        sout = (so0, so1)
        pltpu.sync_copy(table_hbm, table_v)

        def hc(t):
            ci = jnp.minimum(wid + t * _NWORK, _TOT - 1)
            h = ci // _NCH
            return h, ci - h * _NCH

        in_cp, out_cp = {}, {}
        h0, c0 = hc(0)
        in_cp[0] = pltpu.async_copy(idx_hbm.at[c0], idx_v.at[0], sin[0])
        for t in range(_ITERS):
            buf = t % 2
            h, c = hc(t)
            if t + 1 < _ITERS:
                hn, cn = hc(t + 1)
                in_cp[t + 1] = pltpu.async_copy(
                    idx_hbm.at[cn], idx_v.at[1 - buf], sin[1 - buf]
                )
            in_cp[t].wait()
            hbase = h * _NR

            @plsc.parallel_loop(0, _CHE // _LANES, unroll=8)
            def _(k):
                iv = idx_v[buf, pl.ds(k * _LANES, _LANES)] + hbase
                bias_v[buf, pl.ds(k * _LANES, _LANES)] = plsc.load_gather(
                    table_v, [iv]
                )

            if t - 1 >= 0:
                out_cp[t - 1].wait()
            out_cp[t] = pltpu.async_copy(bias_v.at[buf], out_hbm.at[h, c], sout[buf])
        out_cp[_ITERS - 1].wait()

    return body(table, idx_chunks)


def _add_body(s_ref, p_ref, o_ref):
    o_ref[...] = s_ref[...] + p_ref[...]


_ROWS_PER_BLK = 592


_BATCH_BLK = 4


def _tc_add(scores: jax.Array, pos: jax.Array) -> jax.Array:
    nblk = (_NCH * _CH_ROWS) // _ROWS_PER_BLK
    return pl.pallas_call(
        _add_body,
        grid=(_NH, nblk, _B // _BATCH_BLK),
        in_specs=[
            pl.BlockSpec(
                (_BATCH_BLK, 1, _ROWS_PER_BLK, _SEQ), lambda h, c, b: (b, h, c, 0)
            ),
            pl.BlockSpec((1, _ROWS_PER_BLK, _SEQ), lambda h, c, b: (h, c, 0)),
        ],
        out_specs=pl.BlockSpec(
            (_BATCH_BLK, 1, _ROWS_PER_BLK, _SEQ), lambda h, c, b: (b, h, c, 0)
        ),
        out_shape=jax.ShapeDtypeStruct((_B, _NH, _SEQ, _SEQ), jnp.float32),
    )(scores, pos)


def kernel(attention_scores, relative_position_bias_table):
    idx_chunks = jnp.asarray(_IDX_CHUNKS)
    pos = _sc_gather(relative_position_bias_table.reshape(-1), idx_chunks)
    pos = pos.reshape(_NH, _NCH * _CH_ROWS, _SEQ)
    return _tc_add(attention_scores, pos)

# --- scband reference (transcript-rebuilt; emitter-appended) ---
"""Pipeline reference for scband-multi-head-relative-positional-embedding-54322746360530 (READ-ONLY COPY).

The authoritative reference and input builder live on the scoring server;
editing this copy changes nothing except your own understanding.
"""

import jax, jax.numpy as jnp
import numpy as np

HEIGHT = 24
WIDTH = 24
NUM_HEADS = 12
BATCH = 8
SEQ = HEIGHT * WIDTH + 1  # 577 with cls token
NUM_REL = (2 * HEIGHT - 1) * (2 * WIDTH - 1) + 3  # 2212


def _rel_pos_index(height, width):
    num_rel = (2 * height - 1) * (2 * width - 1) + 3
    hh, ww = np.meshgrid(np.arange(height), np.arange(width))  # 'xy' indexing, matches tf.meshgrid
    coords = np.stack([hh, ww], axis=-1).reshape(-1, 2)
    rel = coords[:, None, :] - coords[None, :, :]
    rel_hh = rel[:, :, 0] + height - 1
    rel_ww = (rel[:, :, 1] + width - 1) * (2 * height - 1)
    idx = rel_hh + rel_ww
    top = np.full((1, idx.shape[1]), num_rel - 3, dtype=idx.dtype)
    left = np.full((idx.shape[0], 1), num_rel - 2, dtype=idx.dtype)
    corner = np.full((1, 1), num_rel - 1, dtype=idx.dtype)
    left_corner = np.concatenate([corner, left], axis=0)
    idx = np.concatenate([top, idx], axis=0)
    idx = np.concatenate([left_corner, idx], axis=1)
    return idx.astype(np.int32)


def setup_inputs(seed: int = 0) -> dict:
    key = jax.random.key(seed)
    k1, k2 = jax.random.split(key)
    attention_scores = jax.random.normal(k1, (BATCH, NUM_HEADS, SEQ, SEQ), dtype=jnp.float32)
    relative_position_bias_table = jax.random.normal(k2, (NUM_HEADS, NUM_REL), dtype=jnp.float32) * 0.02
    return {
        'attention_scores': attention_scores,
        'relative_position_bias_table': relative_position_bias_table,
    }


def reference(attention_scores, relative_position_bias_table):
    idx = jnp.asarray(_rel_pos_index(HEIGHT, WIDTH))  # (SEQ, SEQ)
    pos_emb = jnp.take(relative_position_bias_table, idx, axis=1)  # (H, SEQ, SEQ)
    return attention_scores + pos_emb

if __name__ == "__main__":
    import jax
    _d = setup_inputs()
    print(jax.jit(kernel)(*tuple(_d.values())))

</pallas_src>

<mosaic_0001>
#map = affine_map<(d0, d1) -> (0)>
#map1 = affine_map<(d0, d1) -> (0, 0)>
#map2 = affine_map<(d0, d1) -> (0, 0, 0)>
module attributes {stable_mosaic.version = 14 : i64} {
  func.func @body(%arg0: i32, %arg1: i32, %arg2: memref<26544xf32, #tpu.memory_space<hbm>>, %arg3: memref<37x9232xi32, #tpu.memory_space<hbm>>, %arg4: memref<12x37x9232xf32, #tpu.memory_space<hbm>>, %arg5: memref<26544xf32, #tpu.memory_space<vmem>>, %arg6: memref<2x9232xi32, #tpu.memory_space<vmem>>, %arg7: memref<2x9232xf32, #tpu.memory_space<vmem>>, %arg8: memref<!tpu.dma_semaphore, #tpu.memory_space<semaphore_mem>>, %arg9: memref<!tpu.dma_semaphore, #tpu.memory_space<semaphore_mem>>, %arg10: memref<!tpu.dma_semaphore, #tpu.memory_space<semaphore_mem>>, %arg11: memref<!tpu.dma_semaphore, #tpu.memory_space<semaphore_mem>>) attributes {dimension_semantics = [#tpu.dimension_semantics<core_parallel>, #tpu.dimension_semantics<subcore_parallel>], iteration_bounds = array<i64: 2, 16>, scalar_prefetch = 0 : i64, scratch_operands = 7 : i64, tpu.core_type = #tpu.core_type<sc_vector_subcore>, window_params = [{transform_indices = #map}, {transform_indices = #map1}, {transform_indices = #map2}]} {
    %mul3A = arith.constant 2 : i32
    %mul3A_0 = arith.muli %arg1, %mul3A : i32
    %add3A = arith.addi %mul3A_0, %arg0 : i32
    "tpu.region"() ({
      %run_scoped3A = tpu.sem_alloc : memref<!tpu.dma_semaphore, #tpu.memory_space<semaphore_mem>>
      tpu.enqueue_dma source(%arg2 : memref<26544xf32, #tpu.memory_space<hbm>>) target(%arg5 : memref<26544xf32, #tpu.memory_space<vmem>>) target_semaphore(%run_scoped3A : memref<!tpu.dma_semaphore, #tpu.memory_space<semaphore_mem>>)
      tpu.wait_dma2 semaphore(%run_scoped3A : memref<!tpu.dma_semaphore, #tpu.memory_space<semaphore_mem>>) src(%arg2 : memref<26544xf32, #tpu.memory_space<hbm>>) dst(%arg5 : memref<26544xf32, #tpu.memory_space<vmem>>)
      tpu.yield
    }) : () -> ()
    %add3A_1 = arith.constant 0 : i32
    %add3A_2 = arith.addi %add3A, %add3A_1 : i32
    %min3A = arith.constant 443 : i32
    %min3A_3 = arith.minsi %add3A_2, %min3A : i32
    %jit3A = arith.constant 37 : i32
    %div3A = arith.divsi %min3A_3, %jit3A : i32
    %sign3A = arith.constant 0 : i32
    %sign3A_4 = arith.cmpi sgt, %min3A_3, %sign3A : i32
    %sign3A_5 = arith.extui %sign3A_4 : i1 to i32
    %sign3A_6 = arith.constant 0 : i32
    %sign3A_7 = arith.cmpi slt, %min3A_3, %sign3A_6 : i32
    %sign3A_8 = arith.extui %sign3A_7 : i1 to i32
    %sign3A_9 = arith.subi %sign3A_5, %sign3A_8 : i32
    %sign3A_10 = arith.constant 0 : i32
    %sign3A_11 = arith.cmpi sgt, %jit3A, %sign3A_10 : i32
    %sign3A_12 = arith.extui %sign3A_11 : i1 to i32
    %sign3A_13 = arith.constant 0 : i32
    %sign3A_14 = arith.cmpi slt, %jit3A, %sign3A_13 : i32
    %sign3A_15 = arith.extui %sign3A_14 : i1 to i32
    %sign3A_16 = arith.subi %sign3A_12, %sign3A_15 : i32
    %ne3A = arith.cmpi ne, %sign3A_9, %sign3A_16 : i32
    %rem3A = arith.remsi %min3A_3, %jit3A : i32
    %ne3A_17 = arith.constant 0 : i32
    %ne3A_18 = arith.cmpi ne, %rem3A, %ne3A_17 : i32
    %and3A = arith.andi %ne3A, %ne3A_18 : i1
    %sub3A = arith.constant 1 : i32
    %sub3A_19 = arith.subi %div3A, %sub3A : i32
    %select_n3A = arith.select %and3A, %sub3A_19, %div3A : i32
    %mul3A_20 = arith.constant 37 : i32
    %mul3A_21 = arith.muli %select_n3A, %mul3A_20 : i32
    %sub3A_22 = arith.subi %min3A_3, %mul3A_21 : i32
    %dma_start3A = arith.constant 0 : i32
    %dma_start3A_23 = arith.constant 0 : i32
    %dma_start3A_24 = tpu.memref_slice %arg6[%dma_start3A, %dma_start3A_23] : memref<2x9232xi32, #tpu.memory_space<vmem>> -> memref<1x9232xi32, #tpu.memory_space<vmem>>
    %dma_start3A_25 = tpu.memref_squeeze %dma_start3A_24 : memref<1x9232xi32, #tpu.memory_space<vmem>> -> memref<9232xi32, #tpu.memory_space<vmem>>
    %dma_start3A_26 = arith.constant 0 : i32
    %dma_start3A_27 = tpu.memref_slice %arg3[%sub3A_22, %dma_start3A_26] : memref<37x9232xi32, #tpu.memory_space<hbm>> -> memref<1x9232xi32, #tpu.memory_space<hbm>>
    %dma_start3A_28 = tpu.memref_squeeze %dma_start3A_27 : memref<1x9232xi32, #tpu.memory_space<hbm>> -> memref<9232xi32, #tpu.memory_space<hbm>>
    %dma_start3A_29 = arith.constant 0 : i32
    %dma_start3A_30 = tpu.memref_slice %arg6[%dma_start3A, %dma_start3A_29] : memref<2x9232xi32, #tpu.memory_space<vmem>> -> memref<1x9232xi32, #tpu.memory_space<vmem>>
    %dma_start3A_31 = tpu.memref_squeeze %dma_start3A_30 : memref<1x9232xi32, #tpu.memory_space<vmem>> -> memref<9232xi32, #tpu.memory_space<vmem>>
    %dma_start3A_32 = arith.constant 0 : i32
    %dma_start3A_33 = tpu.memref_slice %arg3[%sub3A_22, %dma_start3A_32] : memref<37x9232xi32, #tpu.memory_space<hbm>> -> memref<1x9232xi32, #tpu.memory_space<hbm>>
    %dma_start3A_34 = tpu.memref_squeeze %dma_start3A_33 : memref<1x9232xi32, #tpu.memory_space<hbm>> -> memref<9232xi32, #tpu.memory_space<hbm>>
    tpu.enqueue_dma source(%dma_start3A_34 : memref<9232xi32, #tpu.memory_space<hbm>>) target(%dma_start3A_31 : memref<9232xi32, #tpu.memory_space<vmem>>) target_semaphore(%arg8 : memref<!tpu.dma_semaphore, #tpu.memory_space<semaphore_mem>>)
    %add3A_35 = arith.constant 0 : i32
    %add3A_36 = arith.addi %add3A, %add3A_35 : i32
    %min3A_37 = arith.constant 443 : i32
    %min3A_38 = arith.minsi %add3A_36, %min3A_37 : i32
    %jit3A_39 = arith.constant 37 : i32
    %div3A_40 = arith.divsi %min3A_38, %jit3A_39 : i32
    %sign3A_41 = arith.constant 0 : i32
    %sign3A_42 = arith.cmpi sgt, %min3A_38, %sign3A_41 : i32
    %sign3A_43 = arith.extui %sign3A_42 : i1 to i32
    %sign3A_44 = arith.constant 0 : i32
    %sign3A_45 = arith.cmpi slt, %min3A_38, %sign3A_44 : i32
    %sign3A_46 = arith.extui %sign3A_45 : i1 to i32
    %sign3A_47 = arith.subi %sign3A_43, %sign3A_46 : i32
    %sign3A_48 = arith.constant 0 : i32
    %sign3A_49 = arith.cmpi sgt, %jit3A_39, %sign3A_48 : i32
    %sign3A_50 = arith.extui %sign3A_49 : i1 to i32
    %sign3A_51 = arith.constant 0 : i32
    %sign3A_52 = arith.cmpi slt, %jit3A_39, %sign3A_51 : i32
    %sign3A_53 = arith.extui %sign3A_52 : i1 to i32
    %sign3A_54 = arith.subi %sign3A_50, %sign3A_53 : i32
    %ne3A_55 = arith.cmpi ne, %sign3A_47, %sign3A_54 : i32
    %rem3A_56 = arith.remsi %min3A_38, %jit3A_39 : i32
    %ne3A_57 = arith.constant 0 : i32
    %ne3A_58 = arith.cmpi ne, %rem3A_56, %ne3A_57 : i32
    %and3A_59 = arith.andi %ne3A_55, %ne3A_58 : i1
    %sub3A_60 = arith.constant 1 : i32
    %sub3A_61 = arith.subi %div3A_40, %sub3A_60 : i32
    %select_n3A_62 = arith.select %and3A_59, %sub3A_61, %div3A_40 : i32
    %mul3A_63 = arith.constant 37 : i32
    %mul3A_64 = arith.muli %select_n3A_62, %mul3A_63 : i32
    %sub3A_65 = arith.subi %min3A_38, %mul3A_64 : i32
    %add3A_66 = arith.constant 32 : i32
    %add3A_67 = arith.addi %add3A, %add3A_66 : i32
    %min3A_68 = arith.constant 443 : i32
    %min3A_69 = arith.minsi %add3A_67, %min3A_68 : i32
    %jit3A_70 = arith.constant 37 : i32
    %div3A_71 = arith.divsi %min3A_69, %jit3A_70 : i32
    %sign3A_72 = arith.constant 0 : i32
    %sign3A_73 = arith.cmpi sgt, %min3A_69, %sign3A_72 : i32
    %sign3A_74 = arith.extui %sign3A_73 : i1 to i32
    %sign3A_75 = arith.constant 0 : i32
    %sign3A_76 = arith.cmpi slt, %min3A_69, %sign3A_75 : i32
    %sign3A_77 = arith.extui %sign3A_76 : i1 to i32
    %sign3A_78 = arith.subi %sign3A_74, %sign3A_77 : i32
    %sign3A_79 = arith.constant 0 : i32
    %sign3A_80 = arith.cmpi sgt, %jit3A_70, %sign3A_79 : i32
    %sign3A_81 = arith.extui %sign3A_80 : i1 to i32
    %sign3A_82 = arith.constant 0 : i32
    %sign3A_83 = arith.cmpi slt, %jit3A_70, %sign3A_82 : i32
    %sign3A_84 = arith.extui %sign3A_83 : i1 to i32
    %sign3A_85 = arith.subi %sign3A_81, %sign3A_84 : i32
    %ne3A_86 = arith.cmpi ne, %sign3A_78, %sign3A_85 : i32
    %rem3A_87 = arith.remsi %min3A_69, %jit3A_70 : i32
    %ne3A_88 = arith.constant 0 : i32
    %ne3A_89 = arith.cmpi ne, %rem3A_87, %ne3A_88 : i32
    %and3A_90 = arith.andi %ne3A_86, %ne3A_89 : i1
    %sub3A_91 = arith.constant 1 : i32
    %sub3A_92 = arith.subi %div3A_71, %sub3A_91 : i32
    %select_n3A_93 = arith.select %and3A_90, %sub3A_92, %div3A_71 : i32
    %mul3A_94 = arith.constant 37 : i32
    %mul3A_95 = arith.muli %select_n3A_93, %mul3A_94 : i32
    %sub3A_96 = arith.subi %min3A_69, %mul3A_95 : i32
    %dma_start3A_97 = arith.constant 1 : i32
    %dma_start3A_98 = arith.constant 0 : i32
    %dma_start3A_99 = tpu.memref_slice %arg6[%dma_start3A_97, %dma_start3A_98] : memref<2x9232xi32, #tpu.memory_space<vmem>> -> memref<1x9232xi32, #tpu.memory_space<vmem>>
    %dma_start3A_100 = tpu.memref_squeeze %dma_start3A_99 : memref<1x9232xi32, #tpu.memory_space<vmem>> -> memref<9232xi32, #tpu.memory_space<vmem>>
    %dma_start3A_101 = arith.constant 0 : i32
    %dma_start3A_102 = tpu.memref_slice %arg3[%sub3A_96, %dma_start3A_101] : memref<37x9232xi32, #tpu.memory_space<hbm>> -> memref<1x9232xi32, #tpu.memory_space<hbm>>
    %dma_start3A_103 = tpu.memref_squeeze %dma_start3A_102 : memref<1x9232xi32, #tpu.memory_space<hbm>> -> memref<9232xi32, #tpu.memory_space<hbm>>
    %dma_start3A_104 = arith.constant 0 : i32
    %dma_start3A_105 = tpu.memref_slice %arg6[%dma_start3A_97, %dma_start3A_104] : memref<2x9232xi32, #tpu.memory_space<vmem>> -> memref<1x9232xi32, #tpu.memory_space<vmem>>
    %dma_start3A_106 = tpu.memref_squeeze %dma_start3A_105 : memref<1x9232xi32, #tpu.memory_space<vmem>> -> memref<9232xi32, #tpu.memory_space<vmem>>
    %dma_start3A_107 = arith.constant 0 : i32
    %dma_start3A_108 = tpu.memref_slice %arg3[%sub3A_96, %dma_start3A_107] : memref<37x9232xi32, #tpu.memory_space<hbm>> -> memref<1x9232xi32, #tpu.memory_space<hbm>>
    %dma_start3A_109 = tpu.memref_squeeze %dma_start3A_108 : memref<1x9232xi32, #tpu.memory_space<hbm>> -> memref<9232xi32, #tpu.memory_space<hbm>>
    tpu.enqueue_dma source(%dma_start3A_109 : memref<9232xi32, #tpu.memory_space<hbm>>) target(%dma_start3A_106 : memref<9232xi32, #tpu.memory_space<vmem>>) target_semaphore(%arg9 : memref<!tpu.dma_semaphore, #tpu.memory_space<semaphore_mem>>)
    %dma_wait3A = arith.constant 0 : i32
    %dma_wait3A_110 = arith.constant 0 : i32
    %dma_wait3A_111 = tpu.memref_slice %arg6[%dma_wait3A, %dma_wait3A_110] : memref<2x9232xi32, #tpu.memory_space<vmem>> -> memref<1x9232xi32, #tpu.memory_space<vmem>>
    %dma_wait3A_112 = tpu.memref_squeeze %dma_wait3A_111 : memref<1x9232xi32, #tpu.memory_space<vmem>> -> memref<9232xi32, #tpu.memory_space<vmem>>
    %dma_wait3A_113 = arith.constant 0 : i32
    %dma_wait3A_114 = tpu.memref_slice %arg3[%sub3A_22, %dma_wait3A_113] : memref<37x9232xi32, #tpu.memory_space<hbm>> -> memref<1x9232xi32, #tpu.memory_space<hbm>>
    %dma_wait3A_115 = tpu.memref_squeeze %dma_wait3A_114 : memref<1x9232xi32, #tpu.memory_space<hbm>> -> memref<9232xi32, #tpu.memory_space<hbm>>
    %dma_wait3A_116 = arith.constant 0 : i32
    %dma_wait3A_117 = tpu.memref_slice %arg6[%dma_wait3A, %dma_wait3A_116] : memref<2x9232xi32, #tpu.memory_space<vmem>> -> memref<1x9232xi32, #tpu.memory_space<vmem>>
    %dma_wait3A_118 = tpu.memref_squeeze %dma_wait3A_117 : memref<1x9232xi32, #tpu.memory_space<vmem>> -> memref<9232xi32, #tpu.memory_space<vmem>>
    %dma_wait3A_119 = arith.constant 0 : i32
    %dma_wait3A_120 = tpu.memref_slice %arg3[%sub3A_22, %dma_wait3A_119] : memref<37x9232xi32, #tpu.memory_space<hbm>> -> memref<1x9232xi32, #tpu.memory_space<hbm>>
    %dma_wait3A_121 = tpu.memref_squeeze %dma_wait3A_120 : memref<1x9232xi32, #tpu.memory_space<hbm>> -> memref<9232xi32, #tpu.memory_space<hbm>>
    tpu.wait_dma2 semaphore(%arg8 : memref<!tpu.dma_semaphore, #tpu.memory_space<semaphore_mem>>) src(%dma_wait3A_121 : memref<9232xi32, #tpu.memory_space<hbm>>) dst(%dma_wait3A_118 : memref<9232xi32, #tpu.memory_space<vmem>>)
    %mul3A_122 = arith.constant 2212 : i32
    %mul3A_123 = arith.muli %select_n3A_62, %mul3A_122 : i32
    %parallel_loop3A = arith.constant 0 : i32
    %parallel_loop3A_124 = arith.constant 577 : i32
    %parallel_loop3A_125 = arith.constant 1 : i32
    scf.for %parallel_loop3A_1655 = %parallel_loop3A to %parallel_loop3A_124 step %parallel_loop3A_125  : i32 {
      %parallel_loop3A_1656 = arith.constant 16 : i32
      %parallel_loop3A_1657 = arith.muli %parallel_loop3A_1655, %parallel_loop3A_1656 : i32
      %parallel_loop3A_1658 = arith.constant 0 : i32
      %parallel_loop3A_1659 = arith.index_cast %parallel_loop3A_1658 : i32 to index
      %parallel_loop3A_1660 = arith.index_cast %parallel_loop3A_1657 : i32 to index
      %parallel_loop3A_1661 = tpu.vector_load %arg6[%parallel_loop3A_1659, %parallel_loop3A_1660] {strides = array<i32>} : memref<2x9232xi32, #tpu.memory_space<vmem>>, vector<16xi32>,
      %parallel_loop3A_1662 = vector.broadcast %mul3A_123 : i32 to vector<16xi32>
      %parallel_loop3A_1663 = arith.addi %parallel_loop3A_1661, %parallel_loop3A_1662 : vector<16xi32>
      %parallel_loop3A_1664 = tpu.vector_load_idx %arg5[%parallel_loop3A_1663] : memref<26544xf32, #tpu.memory_space<vmem>>[vector<16xi32>], vector<16xf32>,
      %parallel_loop3A_1665 = arith.constant 16 : i32
      %parallel_loop3A_1666 = arith.muli %parallel_loop3A_1655, %parallel_loop3A_1665 : i32
      %parallel_loop3A_1667 = arith.constant 0 : i32
      %parallel_loop3A_1668 = arith.index_cast %parallel_loop3A_1667 : i32 to index
      %parallel_loop3A_1669 = arith.index_cast %parallel_loop3A_1666 : i32 to index
      %parallel_loop3A_1670 = tpu.vector_load %arg7[%parallel_loop3A_1668, %parallel_loop3A_1669] {strides = array<i32>} : memref<2x9232xf32, #tpu.memory_space<vmem>>, vector<16xf32>,
      tpu.vector_store %arg7[%parallel_loop3A_1668, %parallel_loop3A_1669], %parallel_loop3A_1664 {strides = array<i32>} : memref<2x9232xf32, #tpu.memory_space<vmem>>, vector<16xf32>,
    } {sc.loop_unroll_factor = 8 : i64, sc.parallel_access}
    %dma_start3A_126 = arith.constant 0 : i32
    %dma_start3A_127 = arith.constant 0 : i32
    %dma_start3A_128 = tpu.memref_slice %arg7[%dma_start3A_126, %dma_start3A_127] : memref<2x9232xf32, #tpu.memory_space<vmem>> -> memref<1x9232xf32, #tpu.memory_space<vmem>>
    %dma_start3A_129 = tpu.memref_squeeze %dma_start3A_128 : memref<1x9232xf32, #tpu.memory_space<vmem>> -> memref<9232xf32, #tpu.memory_space<vmem>>
    %dma_start3A_130 = arith.constant 0 : i32
    %dma_start3A_131 = tpu.memref_slice %arg4[%select_n3A_62, %sub3A_65, %dma_start3A_130] : memref<12x37x9232xf32, #tpu.memory_space<hbm>> -> memref<1x1x9232xf32, #tpu.memory_space<hbm>>
    %dma_start3A_132 = tpu.memref_squeeze %dma_start3A_131 : memref<1x1x9232xf32, #tpu.memory_space<hbm>> -> memref<9232xf32, #tpu.memory_space<hbm>>
    %dma_start3A_133 = arith.constant 0 : i32
    %dma_start3A_134 = tpu.memref_slice %arg4[%select_n3A_62, %sub3A_65, %dma_start3A_133] : memref<12x37x9232xf32, #tpu.memory_space<hbm>> -> memref<1x1x9232xf32, #tpu.memory_space<hbm>>
    %dma_start3A_135 = tpu.memref_squeeze %dma_start3A_134 : memref<1x1x9232xf32, #tpu.memory_space<hbm>> -> memref<9232xf32, #tpu.memory_space<hbm>>
    %dma_start3A_136 = arith.constant 0 : i32
    %dma_start3A_137 = tpu.memref_slice %arg7[%dma_start3A_126, %dma_start3A_136] : memref<2x9232xf32, #tpu.memory_space<vmem>> -> memref<1x9232xf32, #tpu.memory_space<vmem>>
    %dma_start3A_138 = tpu.memref_squeeze %dma_start3A_137 : memref<1x9232xf32, #tpu.memory_space<vmem>> -> memref<9232xf32, #tpu.memory_space<vmem>>
    tpu.enqueue_dma source(%dma_start3A_138 : memref<9232xf32, #tpu.memory_space<vmem>>) target(%dma_start3A_135 : memref<9232xf32, #tpu.memory_space<hbm>>) target_semaphore(%arg10 : memref<!tpu.dma_semaphore, #tpu.memory_space<semaphore_mem>>)
    %add3A_139 = arith.constant 32 : i32
    %add3A_140 = arith.addi %add3A, %add3A_139 : i32
    %min3A_141 = arith.constant 443 : i32
    %min3A_142 = arith.minsi %add3A_140, %min3A_141 : i32
    %jit3A_143 = arith.constant 37 : i32
    %div3A_144 = arith.divsi %min3A_142, %jit3A_143 : i32
    %sign3A_145 = arith.constant 0 : i32
    %sign3A_146 = arith.cmpi sgt, %min3A_142, %sign3A_145 : i32
    %sign3A_147 = arith.extui %sign3A_146 : i1 to i32
    %sign3A_148 = arith.constant 0 : i32
    %sign3A_149 = arith.cmpi slt, %min3A_142, %sign3A_148 : i32
    %sign3A_150 = arith.extui %sign3A_149 : i1 to i32
    %sign3A_151 = arith.subi %sign3A_147, %sign3A_150 : i32
    %sign3A_152 = arith.constant 0 : i32
    %sign3A_153 = arith.cmpi sgt, %jit3A_143, %sign3A_152 : i32
    %sign3A_154 = arith.extui %sign3A_153 : i1 to i32
    %sign3A_155 = arith.constant 0 : i32
    %sign3A_156 = arith.cmpi slt, %jit3A_143, %sign3A_155 : i32
    %sign3A_157 = arith.extui %sign3A_156 : i1 to i32
    %sign3A_158 = arith.subi %sign3A_154, %sign3A_157 : i32
    %ne3A_159 = arith.cmpi ne, %sign3A_151, %sign3A_158 : i32
    %rem3A_160 = arith.remsi %min3A_142, %jit3A_143 : i32
    %ne3A_161 = arith.constant 0 : i32
    %ne3A_162 = arith.cmpi ne, %rem3A_160, %ne3A_161 : i32
    %and3A_163 = arith.andi %ne3A_159, %ne3A_162 : i1
    %sub3A_164 = arith.constant 1 : i32
    %sub3A_165 = arith.subi %div3A_144, %sub3A_164 : i32
    %select_n3A_166 = arith.select %and3A_163, %sub3A_165, %div3A_144 : i32
    %mul3A_167 = arith.constant 37 : i32
    %mul3A_168 = arith.muli %select_n3A_166, %mul3A_167 : i32
    %sub3A_169 = arith.subi %min3A_142, %mul3A_168 : i32
    %add3A_170 = arith.constant 64 : i32
    %add3A_171 = arith.addi %add3A, %add3A_170 : i32
    %min3A_172 = arith.constant 443 : i32
    %min3A_173 = arith.minsi %add3A_171, %min3A_172 : i32
    %jit3A_174 = arith.constant 37 : i32
    %div3A_175 = arith.divsi %min3A_173, %jit3A_174 : i32
    %sign3A_176 = arith.constant 0 : i32
    %sign3A_177 = arith.cmpi sgt, %min3A_173, %sign3A_176 : i32
    %sign3A_178 = arith.extui %sign3A_177 : i1 to i32
    %sign3A_179 = arith.constant 0 : i32
    %sign3A_180 = arith.cmpi slt, %min3A_173, %sign3A_179 : i32
    %sign3A_181 = arith.extui %sign3A_180 : i1 to i32
    %sign3A_182 = arith.subi %sign3A_178, %sign3A_181 : i32
    %sign3A_183 = arith.constant 0 : i32
    %sign3A_184 = arith.cmpi sgt, %jit3A_174, %sign3A_183 : i32
    %sign3A_185 = arith.extui %sign3A_184 : i1 to i32
    %sign3A_186 = arith.constant 0 : i32
    %sign3A_187 = arith.cmpi slt, %jit3A_174, %sign3A_186 : i32
    %sign3A_188 = arith.extui %sign3A_187 : i1 to i32
    %sign3A_189 = arith.subi %sign3A_185, %sign3A_188 : i32
    %ne3A_190 = arith.cmpi ne, %sign3A_182, %sign3A_189 : i32
    %rem3A_191 = arith.remsi %min3A_173, %jit3A_174 : i32
    %ne3A_192 = arith.constant 0 : i32
    %ne3A_193 = arith.cmpi ne, %rem3A_191, %ne3A_192 : i32
    %and3A_194 = arith.andi %ne3A_190, %ne3A_193 : i1
    %sub3A_195 = arith.constant 1 : i32
    %sub3A_196 = arith.subi %div3A_175, %sub3A_195 : i32
    %select_n3A_197 = arith.select %and3A_194, %sub3A_196, %div3A_175 : i32
    %mul3A_198 = arith.constant 37 : i32
    %mul3A_199 = arith.muli %select_n3A_197, %mul3A_198 : i32
    %sub3A_200 = arith.subi %min3A_173, %mul3A_199 : i32
    %dma_start3A_201 = arith.constant 0 : i32
    %dma_start3A_202 = arith.constant 0 : i32
    %dma_start3A_203 = tpu.memref_slice %arg6[%dma_start3A_201, %dma_start3A_202] : memref<2x9232xi32, #tpu.memory_space<vmem>> -> memref<1x9232xi32, #tpu.memory_space<vmem>>
    %dma_start3A_204 = tpu.memref_squeeze %dma_start3A_203 : memref<1x9232xi32, #tpu.memory_space<vmem>> -> memref<9232xi32, #tpu.memory_space<vmem>>
    %dma_start3A_205 = arith.constant 0 : i32
    %dma_start3A_206 = tpu.memref_slice %arg3[%sub3A_200, %dma_start3A_205] : memref<37x9232xi32, #tpu.memory_space<hbm>> -> memref<1x9232xi32, #tpu.memory_space<hbm>>
    %dma_start3A_207 = tpu.memref_squeeze %dma_start3A_206 : memref<1x9232xi32, #tpu.memory_space<hbm>> -> memref<9232xi32, #tpu.memory_space<hbm>>
    %dma_start3A_208 = arith.constant 0 : i32
    %dma_start3A_209 = tpu.memref_slice %arg6[%dma_start3A_201, %dma_start3A_208] : memref<2x9232xi32, #tpu.memory_space<vmem>> -> memref<1x9232xi32, #tpu.memory_space<vmem>>
    %dma_start3A_210 = tpu.memref_squeeze %dma_start3A_209 : memref<1x9232xi32, #tpu.memory_space<vmem>> -> memref<9232xi32, #tpu.memory_space<vmem>>
    %dma_start3A_211 = arith.constant 0 : i32
    %dma_start3A_212 = tpu.memref_slice %arg3[%sub3A_200, %dma_start3A_211] : memref<37x9232xi32, #tpu.memory_space<hbm>> -> memref<1x9232xi32, #tpu.memory_space<hbm>>
    %dma_start3A_213 = tpu.memref_squeeze %dma_start3A_212 : memref<1x9232xi32, #tpu.memory_space<hbm>> -> memref<9232xi32, #tpu.memory_space<hbm>>
    tpu.enqueue_dma source(%dma_start3A_213 : memref<9232xi32, #tpu.memory_space<hbm>>) target(%dma_start3A_210 : memref<9232xi32, #tpu.memory_space<vmem>>) target_semaphore(%arg8 : memref<!tpu.dma_semaphore, #tpu.memory_space<semaphore_mem>>)
    %dma_wait3A_214 = arith.constant 1 : i32
    %dma_wait3A_215 = arith.constant 0 : i32
    %dma_wait3A_216 = tpu.memref_slice %arg6[%dma_wait3A_214, %dma_wait3A_215] : memref<2x9232xi32, #tpu.memory_space<vmem>> -> memref<1x9232xi32, #tpu.memory_space<vmem>>
    %dma_wait3A_217 = tpu.memref_squeeze %dma_wait3A_216 : memref<1x9232xi32, #tpu.memory_space<vmem>> -> memref<9232xi32, #tpu.memory_space<vmem>>
    %dma_wait3A_218 = arith.constant 0 : i32
    %dma_wait3A_219 = tpu.memref_slice %arg3[%sub3A_96, %dma_wait3A_218] : memref<37x9232xi32, #tpu.memory_space<hbm>> -> memref<1x9232xi32, #tpu.memory_space<hbm>>
    %dma_wait3A_220 = tpu.memref_squeeze %dma_wait3A_219 : memref<1x9232xi32, #tpu.memory_space<hbm>> -> memref<9232xi32, #tpu.memory_space<hbm>>
    %dma_wait3A_221 = arith.constant 0 : i32
    %dma_wait3A_222 = tpu.memref_slice %arg6[%dma_wait3A_214, %dma_wait3A_221] : memref<2x9232xi32, #tpu.memory_space<vmem>> -> memref<1x9232xi32, #tpu.memory_space<vmem>>
    %dma_wait3A_223 = tpu.memref_squeeze %dma_wait3A_222 : memref<1x9232xi32, #tpu.memory_space<vmem>> -> memref<9232xi32, #tpu.memory_space<vmem>>
    %dma_wait3A_224 = arith.constant 0 : i32
    %dma_wait3A_225 = tpu.memref_slice %arg3[%sub3A_96, %dma_wait3A_224] : memref<37x9232xi32, #tpu.memory_space<hbm>> -> memref<1x9232xi32, #tpu.memory_space<hbm>>
    %dma_wait3A_226 = tpu.memref_squeeze %dma_wait3A_225 : memref<1x9232xi32, #tpu.memory_space<hbm>> -> memref<9232xi32, #tpu.memory_space<hbm>>
    tpu.wait_dma2 semaphore(%arg9 : memref<!tpu.dma_semaphore, #tpu.memory_space<semaphore_mem>>) src(%dma_wait3A_226 : memref<9232xi32, #tpu.memory_space<hbm>>) dst(%dma_wait3A_223 : memref<9232xi32, #tpu.memory_space<vmem>>)
    %mul3A_227 = arith.constant 2212 : i32
    %mul3A_228 = arith.muli %select_n3A_166, %mul3A_227 : i32
    %parallel_loop3A_229 = arith.constant 0 : i32
    %parallel_loop3A_230 = arith.constant 577 : i32
    %parallel_loop3A_231 = arith.constant 1 : i32
    scf.for %parallel_loop3A_1655 = %parallel_loop3A_229 to %parallel_loop3A_230 step %parallel_loop3A_231  : i32 {
      %parallel_loop3A_1656 = arith.constant 16 : i32
      %parallel_loop3A_1657 = arith.muli %parallel_loop3A_1655, %parallel_loop3A_1656 : i32
      %parallel_loop3A_1658 = arith.constant 1 : i32
      %parallel_loop3A_1659 = arith.index_cast %parallel_loop3A_1658 : i32 to index
      %parallel_loop3A_1660 = arith.index_cast %parallel_loop3A_1657 : i32 to index
      %parallel_loop3A_1661 = tpu.vector_load %arg6[%parallel_loop3A_1659, %parallel_loop3A_1660] {strides = array<i32>} : memref<2x9232xi32, #tpu.memory_space<vmem>>, vector<16xi32>,
      %parallel_loop3A_1662 = vector.broadcast %mul3A_228 : i32 to vector<16xi32>
      %parallel_loop3A_1663 = arith.addi %parallel_loop3A_1661, %parallel_loop3A_1662 : vector<16xi32>
      %parallel_loop3A_1664 = tpu.vector_load_idx %arg5[%parallel_loop3A_1663] : memref<26544xf32, #tpu.memory_space<vmem>>[vector<16xi32>], vector<16xf32>,
      %parallel_loop3A_1665 = arith.constant 16 : i32
      %parallel_loop3A_1666 = arith.muli %parallel_loop3A_1655, %parallel_loop3A_1665 : i32
      %parallel_loop3A_1667 = arith.constant 1 : i32
      %parallel_loop3A_1668 = arith.index_cast %parallel_loop3A_1667 : i32 to index
      %parallel_loop3A_1669 = arith.index_cast %parallel_loop3A_1666 : i32 to index
      %parallel_loop3A_1670 = tpu.vector_load %arg7[%parallel_loop3A_1668, %parallel_loop3A_1669] {strides = array<i32>} : memref<2x9232xf32, #tpu.memory_space<vmem>>, vector<16xf32>,
      tpu.vector_store %arg7[%parallel_loop3A_1668, %parallel_loop3A_1669], %parallel_loop3A_1664 {strides = array<i32>} : memref<2x9232xf32, #tpu.memory_space<vmem>>, vector<16xf32>,
    } {sc.loop_unroll_factor = 8 : i64, sc.parallel_access}
    %dma_wait3A_232 = arith.constant 0 : i32
    %dma_wait3A_233 = arith.constant 0 : i32
    %dma_wait3A_234 = tpu.memref_slice %arg7[%dma_wait3A_232, %dma_wait3A_233] : memref<2x9232xf32, #tpu.memory_space<vmem>> -> memref<1x9232xf32, #tpu.memory_space<vmem>>
    %dma_wait3A_235 = tpu.memref_squeeze %dma_wait3A_234 : memref<1x9232xf32, #tpu.memory_space<vmem>> -> memref<9232xf32, #tpu.memory_space<vmem>>
    %dma_wait3A_236 = arith.constant 0 : i32
    %dma_wait3A_237 = tpu.memref_slice %arg4[%select_n3A_62, %sub3A_65, %dma_wait3A_236] : memref<12x37x9232xf32, #tpu.memory_space<hbm>> -> memref<1x1x9232xf32, #tpu.memory_space<hbm>>
    %dma_wait3A_238 = tpu.memref_squeeze %dma_wait3A_237 : memref<1x1x9232xf32, #tpu.memory_space<hbm>> -> memref<9232xf32, #tpu.memory_space<hbm>>
    %dma_wait3A_239 = arith.constant 0 : i32
    %dma_wait3A_240 = tpu.memref_slice %arg4[%select_n3A_62, %sub3A_65, %dma_wait3A_239] : memref<12x37x9232xf32, #tpu.memory_space<hbm>> -> memref<1x1x9232xf32, #tpu.memory_space<hbm>>
    %dma_wait3A_241 = tpu.memref_squeeze %dma_wait3A_240 : memref<1x1x9232xf32, #tpu.memory_space<hbm>> -> memref<9232xf32, #tpu.memory_space<hbm>>
    %dma_wait3A_242 = arith.constant 0 : i32
    %dma_wait3A_243 = tpu.memref_slice %arg7[%dma_wait3A_232, %dma_wait3A_242] : memref<2x9232xf32, #tpu.memory_space<vmem>> -> memref<1x9232xf32, #tpu.memory_space<vmem>>
    %dma_wait3A_244 = tpu.memref_squeeze %dma_wait3A_243 : memref<1x9232xf32, #tpu.memory_space<vmem>> -> memref<9232xf32, #tpu.memory_space<vmem>>
    tpu.wait_dma2 semaphore(%arg10 : memref<!tpu.dma_semaphore, #tpu.memory_space<semaphore_mem>>) src(%dma_wait3A_244 : memref<9232xf32, #tpu.memory_space<vmem>>) dst(%dma_wait3A_241 : memref<9232xf32, #tpu.memory_space<hbm>>)
    %dma_start3A_245 = arith.constant 1 : i32
    %dma_start3A_246 = arith.constant 0 : i32
    %dma_start3A_247 = tpu.memref_slice %arg7[%dma_start3A_245, %dma_start3A_246] : memref<2x9232xf32, #tpu.memory_space<vmem>> -> memref<1x9232xf32, #tpu.memory_space<vmem>>
    %dma_start3A_248 = tpu.memref_squeeze %dma_start3A_247 : memref<1x9232xf32, #tpu.memory_space<vmem>> -> memref<9232xf32, #tpu.memory_space<vmem>>
    %dma_start3A_249 = arith.constant 0 : i32
    %dma_start3A_250 = tpu.memref_slice %arg4[%select_n3A_166, %sub3A_169, %dma_start3A_249] : memref<12x37x9232xf32, #tpu.memory_space<hbm>> -> memref<1x1x9232xf32, #tpu.memory_space<hbm>>
    %dma_start3A_251 = tpu.memref_squeeze %dma_start3A_250 : memref<1x1x9232xf32, #tpu.memory_space<hbm>> -> memref<9232xf32, #tpu.memory_space<hbm>>
    %dma_start3A_252 = arith.constant 0 : i32
    %dma_start3A_253 = tpu.memref_slice %arg4[%select_n3A_166, %sub3A_169, %dma_start3A_252] : memref<12x37x9232xf32, #tpu.memory_space<hbm>> -> memref<1x1x9232xf32, #tpu.memory_space<hbm>>
    %dma_start3A_254 = tpu.memref_squeeze %dma_start3A_253 : memref<1x1x9232xf32, #tpu.memory_space<hbm>> -> memref<9232xf32, #tpu.memory_space<hbm>>
    %dma_start3A_255 = arith.constant 0 : i32
    %dma_start3A_256 = tpu.memref_slice %arg7[%dma_start3A_245, %dma_start3A_255] : memref<2x9232xf32, #tpu.memory_space<vmem>> -> memref<1x9232xf32, #tpu.memory_space<vmem>>
    %dma_start3A_257 = tpu.memref_squeeze %dma_start3A_256 : memref<1x9232xf32, #tpu.memory_space<vmem>> -> memref<9232xf32, #tpu.memory_space<vmem>>
    tpu.enqueue_dma source(%dma_start3A_257 : memref<9232xf32, #tpu.memory_space<vmem>>) target(%dma_start3A_254 : memref<9232xf32, #tpu.memory_space<hbm>>) target_semaphore(%arg11 : memref<!tpu.dma_semaphore, #tpu.memory_space<semaphore_mem>>)
    %add3A_258 = arith.constant 64 : i32
    %add3A_259 = arith.addi %add3A, %add3A_258 : i32
    %min3A_260 = arith.constant 443 : i32
    %min3A_261 = arith.minsi %add3A_259, %min3A_260 : i32
    %jit3A_262 = arith.constant 37 : i32
    %div3A_263 = arith.divsi %min3A_261, %jit3A_262 : i32
    %sign3A_264 = arith.constant 0 : i32
    %sign3A_265 = arith.cmpi sgt, %min3A_261, %sign3A_264 : i32
    %sign3A_266 = arith.extui %sign3A_265 : i1 to i32
    %sign3A_267 = arith.constant 0 : i32
    %sign3A_268 = arith.cmpi slt, %min3A_261, %sign3A_267 : i32
    %sign3A_269 = arith.extui %sign3A_268 : i1 to i32
    %sign3A_270 = arith.subi %sign3A_266, %sign3A_269 : i32
    %sign3A_271 = arith.constant 0 : i32
    %sign3A_272 = arith.cmpi sgt, %jit3A_262, %sign3A_271 : i32
    %sign3A_273 = arith.extui %sign3A_272 : i1 to i32
    %sign3A_274 = arith.constant 0 : i32
    %sign3A_275 = arith.cmpi slt, %jit3A_262, %sign3A_274 : i32
    %sign3A_276 = arith.extui %sign3A_275 : i1 to i32
    %sign3A_277 = arith.subi %sign3A_273, %sign3A_276 : i32
    %ne3A_278 = arith.cmpi ne, %sign3A_270, %sign3A_277 : i32
    %rem3A_279 = arith.remsi %min3A_261, %jit3A_262 : i32
    %ne3A_280 = arith.constant 0 : i32
    %ne3A_281 = arith.cmpi ne, %rem3A_279, %ne3A_280 : i32
    %and3A_282 = arith.andi %ne3A_278, %ne3A_281 : i1
    %sub3A_283 = arith.constant 1 : i32
    %sub3A_284 = arith.subi %div3A_263, %sub3A_283 : i32
    %select_n3A_285 = arith.select %and3A_282, %sub3A_284, %div3A_263 : i32
    %mul3A_286 = arith.constant 37 : i32
    %mul3A_287 = arith.muli %select_n3A_285, %mul3A_286 : i32
    %sub3A_288 = arith.subi %min3A_261, %mul3A_287 : i32
    %add3A_289 = arith.constant 96 : i32
    %add3A_290 = arith.addi %add3A, %add3A_289 : i32
    %min3A_291 = arith.constant 443 : i32
    %min3A_292 = arith.minsi %add3A_290, %min3A_291 : i32
    %jit3A_293 = arith.constant 37 : i32
    %div3A_294 = arith.divsi %min3A_292, %jit3A_293 : i32
    %sign3A_295 = arith.constant 0 : i32
    %sign3A_296 = arith.cmpi sgt, %min3A_292, %sign3A_295 : i32
    %sign3A_297 = arith.extui %sign3A_296 : i1 to i32
    %sign3A_298 = arith.constant 0 : i32
    %sign3A_299 = arith.cmpi slt, %min3A_292, %sign3A_298 : i32
    %sign3A_300 = arith.extui %sign3A_299 : i1 to i32
    %sign3A_301 = arith.subi %sign3A_297, %sign3A_300 : i32
    %sign3A_302 = arith.constant 0 : i32
    %sign3A_303 = arith.cmpi sgt, %jit3A_293, %sign3A_302 : i32
    %sign3A_304 = arith.extui %sign3A_303 : i1 to i32
    %sign3A_305 = arith.constant 0 : i32
    %sign3A_306 = arith.cmpi slt, %jit3A_293, %sign3A_305 : i32
    %sign3A_307 = arith.extui %sign3A_306 : i1 to i32
    %sign3A_308 = arith.subi %sign3A_304, %sign3A_307 : i32
    %ne3A_309 = arith.cmpi ne, %sign3A_301, %sign3A_308 : i32
    %rem3A_310 = arith.remsi %min3A_292, %jit3A_293 : i32
    %ne3A_311 = arith.constant 0 : i32
    %ne3A_312 = arith.cmpi ne, %rem3A_310, %ne3A_311 : i32
    %and3A_313 = arith.andi %ne3A_309, %ne3A_312 : i1
    %sub3A_314 = arith.constant 1 : i32
    %sub3A_315 = arith.subi %div3A_294, %sub3A_314 : i32
    %select_n3A_316 = arith.select %and3A_313, %sub3A_315, %div3A_294 : i32
    %mul3A_317 = arith.constant 37 : i32
    %mul3A_318 = arith.muli %select_n3A_316, %mul3A_317 : i32
    %sub3A_319 = arith.subi %min3A_292, %mul3A_318 : i32
    %dma_start3A_320 = arith.constant 1 : i32
    %dma_start3A_321 = arith.constant 0 : i32
    %dma_start3A_322 = tpu.memref_slice %arg6[%dma_start3A_320, %dma_start3A_321] : memref<2x9232xi32, #tpu.memory_space<vmem>> -> memref<1x9232xi32, #tpu.memory_space<vmem>>
    %dma_start3A_323 = tpu.memref_squeeze %dma_start3A_322 : memref<1x9232xi32, #tpu.memory_space<vmem>> -> memref<9232xi32, #tpu.memory_space<vmem>>
    %dma_start3A_324 = arith.constant 0 : i32
    %dma_start3A_325 = tpu.memref_slice %arg3[%sub3A_319, %dma_start3A_324] : memref<37x9232xi32, #tpu.memory_space<hbm>> -> memref<1x9232xi32, #tpu.memory_space<hbm>>
    %dma_start3A_326 = tpu.memref_squeeze %dma_start3A_325 : memref<1x9232xi32, #tpu.memory_space<hbm>> -> memref<9232xi32, #tpu.memory_space<hbm>>
    %dma_start3A_327 = arith.constant 0 : i32
    %dma_start3A_328 = tpu.memref_slice %arg6[%dma_start3A_320, %dma_start3A_327] : memref<2x9232xi32, #tpu.memory_space<vmem>> -> memref<1x9232xi32, #tpu.memory_space<vmem>>
    %dma_start3A_329 = tpu.memref_squeeze %dma_start3A_328 : memref<1x9232xi32, #tpu.memory_space<vmem>> -> memref<9232xi32, #tpu.memory_space<vmem>>
    %dma_start3A_330 = arith.constant 0 : i32
    %dma_start3A_331 = tpu.memref_slice %arg3[%sub3A_319, %dma_start3A_330] : memref<37x9232xi32, #tpu.memory_space<hbm>> -> memref<1x9232xi32, #tpu.memory_space<hbm>>
    %dma_start3A_332 = tpu.memref_squeeze %dma_start3A_331 : memref<1x9232xi32, #tpu.memory_space<hbm>> -> memref<9232xi32, #tpu.memory_space<hbm>>
    tpu.enqueue_dma source(%dma_start3A_332 : memref<9232xi32, #tpu.memory_space<hbm>>) target(%dma_start3A_329 : memref<9232xi32, #tpu.memory_space<vmem>>) target_semaphore(%arg9 : memref<!tpu.dma_semaphore, #tpu.memory_space<semaphore_mem>>)
    %dma_wait3A_333 = arith.constant 0 : i32
    %dma_wait3A_334 = arith.constant 0 : i32
    %dma_wait3A_335 = tpu.memref_slice %arg6[%dma_wait3A_333, %dma_wait3A_334] : memref<2x9232xi32, #tpu.memory_space<vmem>> -> memref<1x9232xi32, #tpu.memory_space<vmem>>
    %dma_wait3A_336 = tpu.memref_squeeze %dma_wait3A_335 : memref<1x9232xi32, #tpu.memory_space<vmem>> -> memref<9232xi32, #tpu.memory_space<vmem>>
    %dma_wait3A_337 = arith.constant 0 : i32
    %dma_wait3A_338 = tpu.memref_slice %arg3[%sub3A_200, %dma_wait3A_337] : memref<37x9232xi32, #tpu.memory_space<hbm>> -> memref<1x9232xi32, #tpu.memory_space<hbm>>
    %dma_wait3A_339 = tpu.memref_squeeze %dma_wait3A_338 : memref<1x9232xi32, #tpu.memory_space<hbm>> -> memref<9232xi32, #tpu.memory_space<hbm>>
    %dma_wait3A_340 = arith.constant 0 : i32
    %dma_wait3A_341 = tpu.memref_slice %arg6[%dma_wait3A_333, %dma_wait3A_340] : memref<2x9232xi32, #tpu.memory_space<vmem>> -> memref<1x9232xi32, #tpu.memory_space<vmem>>
    %dma_wait3A_342 = tpu.memref_squeeze %dma_wait3A_341 : memref<1x9232xi32, #tpu.memory_space<vmem>> -> memref<9232xi32, #tpu.memory_space<vmem>>
    %dma_wait3A_343 = arith.constant 0 : i32
    %dma_wait3A_344 = tpu.memref_slice %arg3[%sub3A_200, %dma_wait3A_343] : memref<37x9232xi32, #tpu.memory_space<hbm>> -> memref<1x9232xi32, #tpu.memory_space<hbm>>
    %dma_wait3A_345 = tpu.memref_squeeze %dma_wait3A_344 : memref<1x9232xi32, #tpu.memory_space<hbm>> -> memref<9232xi32, #tpu.memory_space<hbm>>
    tpu.wait_dma2 semaphore(%arg8 : memref<!tpu.dma_semaphore, #tpu.memory_space<semaphore_mem>>) src(%dma_wait3A_345 : memref<9232xi32, #tpu.memory_space<hbm>>) dst(%dma_wait3A_342 : memref<9232xi32, #tpu.memory_space<vmem>>)
    %mul3A_346 = arith.constant 2212 : i32
    %mul3A_347 = arith.muli %select_n3A_285, %mul3A_346 : i32
    %parallel_loop3A_348 = arith.constant 0 : i32
    %parallel_loop3A_349 = arith.constant 577 : i32
    %parallel_loop3A_350 = arith.constant 1 : i32
    scf.for %parallel_loop3A_1655 = %parallel_loop3A_348 to %parallel_loop3A_349 step %parallel_loop3A_350  : i32 {
      %parallel_loop3A_1656 = arith.constant 16 : i32
      %parallel_loop3A_1657 = arith.muli %parallel_loop3A_1655, %parallel_loop3A_1656 : i32
      %parallel_loop3A_1658 = arith.constant 0 : i32
      %parallel_loop3A_1659 = arith.index_cast %parallel_loop3A_1658 : i32 to index
      %parallel_loop3A_1660 = arith.index_cast %parallel_loop3A_1657 : i32 to index
      %parallel_loop3A_1661 = tpu.vector_load %arg6[%parallel_loop3A_1659, %parallel_loop3A_1660] {strides = array<i32>} : memref<2x9232xi32, #tpu.memory_space<vmem>>, vector<16xi32>,
      %parallel_loop3A_1662 = vector.broadcast %mul3A_347 : i32 to vector<16xi32>
      %parallel_loop3A_1663 = arith.addi %parallel_loop3A_1661, %parallel_loop3A_1662 : vector<16xi32>
      %parallel_loop3A_1664 = tpu.vector_load_idx %arg5[%parallel_loop3A_1663] : memref<26544xf32, #tpu.memory_space<vmem>>[vector<16xi32>], vector<16xf32>,
      %parallel_loop3A_1665 = arith.constant 16 : i32
      %parallel_loop3A_1666 = arith.muli %parallel_loop3A_1655, %parallel_loop3A_1665 : i32
      %parallel_loop3A_1667 = arith.constant 0 : i32
      %parallel_loop3A_1668 = arith.index_cast %parallel_loop3A_1667 : i32 to index
      %parallel_loop3A_1669 = arith.index_cast %parallel_loop3A_1666 : i32 to index
      %parallel_loop3A_1670 = tpu.vector_load %arg7[%parallel_loop3A_1668, %parallel_loop3A_1669] {strides = array<i32>} : memref<2x9232xf32, #tpu.memory_space<vmem>>, vector<16xf32>,
      tpu.vector_store %arg7[%parallel_loop3A_1668, %parallel_loop3A_1669], %parallel_loop3A_1664 {strides = array<i32>} : memref<2x9232xf32, #tpu.memory_space<vmem>>, vector<16xf32>,
    } {sc.loop_unroll_factor = 8 : i64, sc.parallel_access}
    %dma_wait3A_351 = arith.constant 1 : i32
    %dma_wait3A_352 = arith.constant 0 : i32
    %dma_wait3A_353 = tpu.memref_slice %arg7[%dma_wait3A_351, %dma_wait3A_352] : memref<2x9232xf32, #tpu.memory_space<vmem>> -> memref<1x9232xf32, #tpu.memory_space<vmem>>
    %dma_wait3A_354 = tpu.memref_squeeze %dma_wait3A_353 : memref<1x9232xf32, #tpu.memory_space<vmem>> -> memref<9232xf32, #tpu.memory_space<vmem>>
    %dma_wait3A_355 = arith.constant 0 : i32
    %dma_wait3A_356 = tpu.memref_slice %arg4[%select_n3A_166, %sub3A_169, %dma_wait3A_355] : memref<12x37x9232xf32, #tpu.memory_space<hbm>> -> memref<1x1x9232xf32, #tpu.memory_space<hbm>>
    %dma_wait3A_357 = tpu.memref_squeeze %dma_wait3A_356 : memref<1x1x9232xf32, #tpu.memory_space<hbm>> -> memref<9232xf32, #tpu.memory_space<hbm>>
    %dma_wait3A_358 = arith.constant 0 : i32
    %dma_wait3A_359 = tpu.memref_slice %arg4[%select_n3A_166, %sub3A_169, %dma_wait3A_358] : memref<12x37x9232xf32, #tpu.memory_space<hbm>> -> memref<1x1x9232xf32, #tpu.memory_space<hbm>>
    %dma_wait3A_360 = tpu.memref_squeeze %dma_wait3A_359 : memref<1x1x9232xf32, #tpu.memory_space<hbm>> -> memref<9232xf32, #tpu.memory_space<hbm>>
    %dma_wait3A_361 = arith.constant 0 : i32
    %dma_wait3A_362 = tpu.memref_slice %arg7[%dma_wait3A_351, %dma_wait3A_361] : memref<2x9232xf32, #tpu.memory_space<vmem>> -> memref<1x9232xf32, #tpu.memory_space<vmem>>
    %dma_wait3A_363 = tpu.memref_squeeze %dma_wait3A_362 : memref<1x9232xf32, #tpu.memory_space<vmem>> -> memref<9232xf32, #tpu.memory_space<vmem>>
    tpu.wait_dma2 semaphore(%arg11 : memref<!tpu.dma_semaphore, #tpu.memory_space<semaphore_mem>>) src(%dma_wait3A_363 : memref<9232xf32, #tpu.memory_space<vmem>>) dst(%dma_wait3A_360 : memref<9232xf32, #tpu.memory_space<hbm>>)
    %dma_start3A_364 = arith.constant 0 : i32
    %dma_start3A_365 = arith.constant 0 : i32
    %dma_start3A_366 = tpu.memref_slice %arg7[%dma_start3A_364, %dma_start3A_365] : memref<2x9232xf32, #tpu.memory_space<vmem>> -> memref<1x9232xf32, #tpu.memory_space<vmem>>
    %dma_start3A_367 = tpu.memref_squeeze %dma_start3A_366 : memref<1x9232xf32, #tpu.memory_space<vmem>> -> memref<9232xf32, #tpu.memory_space<vmem>>
    %dma_start3A_368 = arith.constant 0 : i32
    %dma_start3A_369 = tpu.memref_slice %arg4[%select_n3A_285, %sub3A_288, %dma_start3A_368] : memref<12x37x9232xf32, #tpu.memory_space<hbm>> -> memref<1x1x9232xf32, #tpu.memory_space<hbm>>
    %dma_start3A_370 = tpu.memref_squeeze %dma_start3A_369 : memref<1x1x9232xf32, #tpu.memory_space<hbm>> -> memref<9232xf32, #tpu.memory_space<hbm>>
    %dma_start3A_371 = arith.constant 0 : i32
    %dma_start3A_372 = tpu.memref_slice %arg4[%select_n3A_285, %sub3A_288, %dma_start3A_371] : memref<12x37x9232xf32, #tpu.memory_space<hbm>> -> memref<1x1x9232xf32, #tpu.memory_space<hbm>>
    %dma_start3A_373 = tpu.memref_squeeze %dma_start3A_372 : memref<1x1x9232xf32, #tpu.memory_space<hbm>> -> memref<9232xf32, #tpu.memory_space<hbm>>
    %dma_start3A_374 = arith.constant 0 : i32
    %dma_start3A_375 = tpu.memref_slice %arg7[%dma_start3A_364, %dma_start3A_374] : memref<2x9232xf32, #tpu.memory_space<vmem>> -> memref<1x9232xf32, #tpu.memory_space<vmem>>
    %dma_start3A_376 = tpu.memref_squeeze %dma_start3A_375 : memref<1x9232xf32, #tpu.memory_space<vmem>> -> memref<9232xf32, #tpu.memory_space<vmem>>
    tpu.enqueue_dma source(%dma_start3A_376 : memref<9232xf32, #tpu.memory_space<vmem>>) target(%dma_start3A_373 : memref<9232xf32, #tpu.memory_space<hbm>>) target_semaphore(%arg10 : memref<!tpu.dma_semaphore, #tpu.memory_space<semaphore_mem>>)
    %add3A_377 = arith.constant 96 : i32
    %add3A_378 = arith.addi %add3A, %add3A_377 : i32
    %min3A_379 = arith.constant 443 : i32
    %min3A_380 = arith.minsi %add3A_378, %min3A_379 : i32
    %jit3A_381 = arith.constant 37 : i32
    %div3A_382 = arith.divsi %min3A_380, %jit3A_381 : i32
    %sign3A_383 = arith.constant 0 : i32
    %sign3A_384 = arith.cmpi sgt, %min3A_380, %sign3A_383 : i32
    %sign3A_385 = arith.extui %sign3A_384 : i1 to i32
    %sign3A_386 = arith.constant 0 : i32
    %sign3A_387 = arith.cmpi slt, %min3A_380, %sign3A_386 : i32
    %sign3A_388 = arith.extui %sign3A_387 : i1 to i32
    %sign3A_389 = arith.subi %sign3A_385, %sign3A_388 : i32
    %sign3A_390 = arith.constant 0 : i32
    %sign3A_391 = arith.cmpi sgt, %jit3A_381, %sign3A_390 : i32
    %sign3A_392 = arith.extui %sign3A_391 : i1 to i32
    %sign3A_393 = arith.constant 0 : i32
    %sign3A_394 = arith.cmpi slt, %jit3A_381, %sign3A_393 : i32
    %sign3A_395 = arith.extui %sign3A_394 : i1 to i32
    %sign3A_396 = arith.subi %sign3A_392, %sign3A_395 : i32
    %ne3A_397 = arith.cmpi ne, %sign3A_389, %sign3A_396 : i32
    %rem3A_398 = arith.remsi %min3A_380, %jit3A_381 : i32
    %ne3A_399 = arith.constant 0 : i32
    %ne3A_400 = arith.cmpi ne, %rem3A_398, %ne3A_399 : i32
    %and3A_401 = arith.andi %ne3A_397, %ne3A_400 : i1
    %sub3A_402 = arith.constant 1 : i32
    %sub3A_403 = arith.subi %div3A_382, %sub3A_402 : i32
    %select_n3A_404 = arith.select %and3A_401, %sub3A_403, %div3A_382 : i32
    %mul3A_405 = arith.constant 37 : i32
    %mul3A_406 = arith.muli %select_n3A_404, %mul3A_405 : i32
    %sub3A_407 = arith.subi %min3A_380, %mul3A_406 : i32
    %add3A_408 = arith.constant 128 : i32
    %add3A_409 = arith.addi %add3A, %add3A_408 : i32
    %min3A_410 = arith.constant 443 : i32
    %min3A_411 = arith.minsi %add3A_409, %min3A_410 : i32
    %jit3A_412 = arith.constant 37 : i32
    %div3A_413 = arith.divsi %min3A_411, %jit3A_412 : i32
    %sign3A_414 = arith.constant 0 : i32
    %sign3A_415 = arith.cmpi sgt, %min3A_411, %sign3A_414 : i32
    %sign3A_416 = arith.extui %sign3A_415 : i1 to i32
    %sign3A_417 = arith.constant 0 : i32
    %sign3A_418 = arith.cmpi slt, %min3A_411, %sign3A_417 : i32
    %sign3A_419 = arith.extui %sign3A_418 : i1 to i32
    %sign3A_420 = arith.subi %sign3A_416, %sign3A_419 : i32
    %sign3A_421 = arith.constant 0 : i32
    %sign3A_422 = arith.cmpi sgt, %jit3A_412, %sign3A_421 : i32
    %sign3A_423 = arith.extui %sign3A_422 : i1 to i32
    %sign3A_424 = arith.constant 0 : i32
    %sign3A_425 = arith.cmpi slt, %jit3A_412, %sign3A_424 : i32
    %sign3A_426 = arith.extui %sign3A_425 : i1 to i32
    %sign3A_427 = arith.subi %sign3A_423, %sign3A_426 : i32
    %ne3A_428 = arith.cmpi ne, %sign3A_420, %sign3A_427 : i32
    %rem3A_429 = arith.remsi %min3A_411, %jit3A_412 : i32
    %ne3A_430 = arith.constant 0 : i32
    %ne3A_431 = arith.cmpi ne, %rem3A_429, %ne3A_430 : i32
    %and3A_432 = arith.andi %ne3A_428, %ne3A_431 : i1
    %sub3A_433 = arith.constant 1 : i32
    %sub3A_434 = arith.subi %div3A_413, %sub3A_433 : i32
    %select_n3A_435 = arith.select %and3A_432, %sub3A_434, %div3A_413 : i32
    %mul3A_436 = arith.constant 37 : i32
    %mul3A_437 = arith.muli %select_n3A_435, %mul3A_436 : i32
    %sub3A_438 = arith.subi %min3A_411, %mul3A_437 : i32
    %dma_start3A_439 = arith.constant 0 : i32
    %dma_start3A_440 = arith.constant 0 : i32
    %dma_start3A_441 = tpu.memref_slice %arg6[%dma_start3A_439, %dma_start3A_440] : memref<2x9232xi32, #tpu.memory_space<vmem>> -> memref<1x9232xi32, #tpu.memory_space<vmem>>
    %dma_start3A_442 = tpu.memref_squeeze %dma_start3A_441 : memref<1x9232xi32, #tpu.memory_space<vmem>> -> memref<9232xi32, #tpu.memory_space<vmem>>
    %dma_start3A_443 = arith.constant 0 : i32
    %dma_start3A_444 = tpu.memref_slice %arg3[%sub3A_438, %dma_start3A_443] : memref<37x9232xi32, #tpu.memory_space<hbm>> -> memref<1x9232xi32, #tpu.memory_space<hbm>>
    %dma_start3A_445 = tpu.memref_squeeze %dma_start3A_444 : memref<1x9232xi32, #tpu.memory_space<hbm>> -> memref<9232xi32, #tpu.memory_space<hbm>>
    %dma_start3A_446 = arith.constant 0 : i32
    %dma_start3A_447 = tpu.memref_slice %arg6[%dma_start3A_439, %dma_start3A_446] : memref<2x9232xi32, #tpu.memory_space<vmem>> -> memref<1x9232xi32, #tpu.memory_space<vmem>>
    %dma_start3A_448 = tpu.memref_squeeze %dma_start3A_447 : memref<1x9232xi32, #tpu.memory_space<vmem>> -> memref<9232xi32, #tpu.memory_space<vmem>>
    %dma_start3A_449 = arith.constant 0 : i32
    %dma_start3A_450 = tpu.memref_slice %arg3[%sub3A_438, %dma_start3A_449] : memref<37x9232xi32, #tpu.memory_space<hbm>> -> memref<1x9232xi32, #tpu.memory_space<hbm>>
    %dma_start3A_451 = tpu.memref_squeeze %dma_start3A_450 : memref<1x9232xi32, #tpu.memory_space<hbm>> -> memref<9232xi32, #tpu.memory_space<hbm>>
    tpu.enqueue_dma source(%dma_start3A_451 : memref<9232xi32, #tpu.memory_space<hbm>>) target(%dma_start3A_448 : memref<9232xi32, #tpu.memory_space<vmem>>) target_semaphore(%arg8 : memref<!tpu.dma_semaphore, #tpu.memory_space<semaphore_mem>>)
    %dma_wait3A_452 = arith.constant 1 : i32
    %dma_wait3A_453 = arith.constant 0 : i32
    %dma_wait3A_454 = tpu.memref_slice %arg6[%dma_wait3A_452, %dma_wait3A_453] : memref<2x9232xi32, #tpu.memory_space<vmem>> -> memref<1x9232xi32, #tpu.memory_space<vmem>>
    %dma_wait3A_455 = tpu.memref_squeeze %dma_wait3A_454 : memref<1x9232xi32, #tpu.memory_space<vmem>> -> memref<9232xi32, #tpu.memory_space<vmem>>
    %dma_wait3A_456 = arith.constant 0 : i32
    %dma_wait3A_457 = tpu.memref_slice %arg3[%sub3A_319, %dma_wait3A_456] : memref<37x9232xi32, #tpu.memory_space<hbm>> -> memref<1x9232xi32, #tpu.memory_space<hbm>>
    %dma_wait3A_458 = tpu.memref_squeeze %dma_wait3A_457 : memref<1x9232xi32, #tpu.memory_space<hbm>> -> memref<9232xi32, #tpu.memory_space<hbm>>
    %dma_wait3A_459 = arith.constant 0 : i32
    %dma_wait3A_460 = tpu.memref_slice %arg6[%dma_wait3A_452, %dma_wait3A_459] : memref<2x9232xi32, #tpu.memory_space<vmem>> -> memref<1x9232xi32, #tpu.memory_space<vmem>>
    %dma_wait3A_461 = tpu.memref_squeeze %dma_wait3A_460 : memref<1x9232xi32, #tpu.memory_space<vmem>> -> memref<9232xi32, #tpu.memory_space<vmem>>
    %dma_wait3A_462 = arith.constant 0 : i32
    %dma_wait3A_463 = tpu.memref_slice %arg3[%sub3A_319, %dma_wait3A_462] : memref<37x9232xi32, #tpu.memory_space<hbm>> -> memref<1x9232xi32, #tpu.memory_space<hbm>>
    %dma_wait3A_464 = tpu.memref_squeeze %dma_wait3A_463 : memref<1x9232xi32, #tpu.memory_space<hbm>> -> memref<9232xi32, #tpu.memory_space<hbm>>
    tpu.wait_dma2 semaphore(%arg9 : memref<!tpu.dma_semaphore, #tpu.memory_space<semaphore_mem>>) src(%dma_wait3A_464 : memref<9232xi32, #tpu.memory_space<hbm>>) dst(%dma_wait3A_461 : memref<9232xi32, #tpu.memory_space<vmem>>)
    %mul3A_465 = arith.constant 2212 : i32
    %mul3A_466 = arith.muli %select_n3A_404, %mul3A_465 : i32
    %parallel_loop3A_467 = arith.constant 0 : i32
    %parallel_loop3A_468 = arith.constant 577 : i32
    %parallel_loop3A_469 = arith.constant 1 : i32
    scf.for %parallel_loop3A_1655 = %parallel_loop3A_467 to %parallel_loop3A_468 step %parallel_loop3A_469  : i32 {
      %parallel_loop3A_1656 = arith.constant 16 : i32
      %parallel_loop3A_1657 = arith.muli %parallel_loop3A_1655, %parallel_loop3A_1656 : i32
      %parallel_loop3A_1658 = arith.constant 1 : i32
      %parallel_loop3A_1659 = arith.index_cast %parallel_loop3A_1658 : i32 to index
      %parallel_loop3A_1660 = arith.index_cast %parallel_loop3A_1657 : i32 to index
      %parallel_loop3A_1661 = tpu.vector_load %arg6[%parallel_loop3A_1659, %parallel_loop3A_1660] {strides = array<i32>} : memref<2x9232xi32, #tpu.memory_space<vmem>>, vector<16xi32>,
      %parallel_loop3A_1662 = vector.broadcast %mul3A_466 : i32 to vector<16xi32>
      %parallel_loop3A_1663 = arith.addi %parallel_loop3A_1661, %parallel_loop3A_1662 : vector<16xi32>
      %parallel_loop3A_1664 = tpu.vector_load_idx %arg5[%parallel_loop3A_1663] : memref<26544xf32, #tpu.memory_space<vmem>>[vector<16xi32>], vector<16xf32>,
      %parallel_loop3A_1665 = arith.constant 16 : i32
      %parallel_loop3A_1666 = arith.muli %parallel_loop3A_1655, %parallel_loop3A_1665 : i32
      %parallel_loop3A_1667 = arith.constant 1 : i32
      %parallel_loop3A_1668 = arith.index_cast %parallel_loop3A_1667 : i32 to index
      %parallel_loop3A_1669 = arith.index_cast %parallel_loop3A_1666 : i32 to index
      %parallel_loop3A_1670 = tpu.vector_load %arg7[%parallel_loop3A_1668, %parallel_loop3A_1669] {strides = array<i32>} : memref<2x9232xf32, #tpu.memory_space<vmem>>, vector<16xf32>,
      tpu.vector_store %arg7[%parallel_loop3A_1668, %parallel_loop3A_1669], %parallel_loop3A_1664 {strides = array<i32>} : memref<2x9232xf32, #tpu.memory_space<vmem>>, vector<16xf32>,
    } {sc.loop_unroll_factor = 8 : i64, sc.parallel_access}
    %dma_wait3A_470 = arith.constant 0 : i32
    %dma_wait3A_471 = arith.constant 0 : i32
    %dma_wait3A_472 = tpu.memref_slice %arg7[%dma_wait3A_470, %dma_wait3A_471] : memref<2x9232xf32, #tpu.memory_space<vmem>> -> memref<1x9232xf32, #tpu.memory_space<vmem>>
    %dma_wait3A_473 = tpu.memref_squeeze %dma_wait3A_472 : memref<1x9232xf32, #tpu.memory_space<vmem>> -> memref<9232xf32, #tpu.memory_space<vmem>>
    %dma_wait3A_474 = arith.constant 0 : i32
    %dma_wait3A_475 = tpu.memref_slice %arg4[%select_n3A_285, %sub3A_288, %dma_wait3A_474] : memref<12x37x9232xf32, #tpu.memory_space<hbm>> -> memref<1x1x9232xf32, #tpu.memory_space<hbm>>
    %dma_wait3A_476 = tpu.memref_squeeze %dma_wait3A_475 : memref<1x1x9232xf32, #tpu.memory_space<hbm>> -> memref<9232xf32, #tpu.memory_space<hbm>>
    %dma_wait3A_477 = arith.constant 0 : i32
    %dma_wait3A_478 = tpu.memref_slice %arg4[%select_n3A_285, %sub3A_288, %dma_wait3A_477] : memref<12x37x9232xf32, #tpu.memory_space<hbm>> -> memref<1x1x9232xf32, #tpu.memory_space<hbm>>
    %dma_wait3A_479 = tpu.memref_squeeze %dma_wait3A_478 : memref<1x1x9232xf32, #tpu.memory_space<hbm>> -> memref<9232xf32, #tpu.memory_space<hbm>>
    %dma_wait3A_480 = arith.constant 0 : i32
    %dma_wait3A_481 = tpu.memref_slice %arg7[%dma_wait3A_470, %dma_wait3A_480] : memref<2x9232xf32, #tpu.memory_space<vmem>> -> memref<1x9232xf32, #tpu.memory_space<vmem>>
    %dma_wait3A_482 = tpu.memref_squeeze %dma_wait3A_481 : memref<1x9232xf32, #tpu.memory_space<vmem>> -> memref<9232xf32, #tpu.memory_space<vmem>>
    tpu.wait_dma2 semaphore(%arg10 : memref<!tpu.dma_semaphore, #tpu.memory_space<semaphore_mem>>) src(%dma_wait3A_482 : memref<9232xf32, #tpu.memory_space<vmem>>) dst(%dma_wait3A_479 : memref<9232xf32, #tpu.memory_space<hbm>>)
    %dma_start3A_483 = arith.constant 1 : i32
    %dma_start3A_484 = arith.constant 0 : i32
    %dma_start3A_485 = tpu.memref_slice %arg7[%dma_start3A_483, %dma_start3A_484] : memref<2x9232xf32, #tpu.memory_space<vmem>> -> memref<1x9232xf32, #tpu.memory_space<vmem>>
    %dma_start3A_486 = tpu.memref_squeeze %dma_start3A_485 : memref<1x9232xf32, #tpu.memory_space<vmem>> -> memref<9232xf32, #tpu.memory_space<vmem>>
    %dma_start3A_487 = arith.constant 0 : i32
    %dma_start3A_488 = tpu.memref_slice %arg4[%select_n3A_404, %sub3A_407, %dma_start3A_487] : memref<12x37x9232xf32, #tpu.memory_space<hbm>> -> memref<1x1x9232xf32, #tpu.memory_space<hbm>>
    %dma_start3A_489 = tpu.memref_squeeze %dma_start3A_488 : memref<1x1x9232xf32, #tpu.memory_space<hbm>> -> memref<9232xf32, #tpu.memory_space<hbm>>
    %dma_start3A_490 = arith.constant 0 : i32
    %dma_start3A_491 = tpu.memref_slice %arg4[%select_n3A_404, %sub3A_407, %dma_start3A_490] : memref<12x37x9232xf32, #tpu.memory_space<hbm>> -> memref<1x1x9232xf32, #tpu.memory_space<hbm>>
    %dma_start3A_492 = tpu.memref_squeeze %dma_start3A_491 : memref<1x1x9232xf32, #tpu.memory_space<hbm>> -> memref<9232xf32, #tpu.memory_space<hbm>>
    %dma_start3A_493 = arith.constant 0 : i32
    %dma_start3A_494 = tpu.memref_slice %arg7[%dma_start3A_483, %dma_start3A_493] : memref<2x9232xf32, #tpu.memory_space<vmem>> -> memref<1x9232xf32, #tpu.memory_space<vmem>>
    %dma_start3A_495 = tpu.memref_squeeze %dma_start3A_494 : memref<1x9232xf32, #tpu.memory_space<vmem>> -> memref<9232xf32, #tpu.memory_space<vmem>>
    tpu.enqueue_dma source(%dma_start3A_495 : memref<9232xf32, #tpu.memory_space<vmem>>) target(%dma_start3A_492 : memref<9232xf32, #tpu.memory_space<hbm>>) target_semaphore(%arg11 : memref<!tpu.dma_semaphore, #tpu.memory_space<semaphore_mem>>)
    %add3A_496 = arith.constant 128 : i32
    %add3A_497 = arith.addi %add3A, %add3A_496 : i32
    %min3A_498 = arith.constant 443 : i32
    %min3A_499 = arith.minsi %add3A_497, %min3A_498 : i32
    %jit3A_500 = arith.constant 37 : i32
    %div3A_501 = arith.divsi %min3A_499, %jit3A_500 : i32
    %sign3A_502 = arith.constant 0 : i32
    %sign3A_503 = arith.cmpi sgt, %min3A_499, %sign3A_502 : i32
    %sign3A_504 = arith.extui %sign3A_503 : i1 to i32
    %sign3A_505 = arith.constant 0 : i32
    %sign3A_506 = arith.cmpi slt, %min3A_499, %sign3A_505 : i32
    %sign3A_507 = arith.extui %sign3A_506 : i1 to i32
    %sign3A_508 = arith.subi %sign3A_504, %sign3A_507 : i32
    %sign3A_509 = arith.constant 0 : i32
    %sign3A_510 = arith.cmpi sgt, %jit3A_500, %sign3A_509 : i32
    %sign3A_511 = arith.extui %sign3A_510 : i1 to i32
    %sign3A_512 = arith.constant 0 : i32
    %sign3A_513 = arith.cmpi slt, %jit3A_500, %sign3A_512 : i32
    %sign3A_514 = arith.extui %sign3A_513 : i1 to i32
    %sign3A_515 = arith.subi %sign3A_511, %sign3A_514 : i32
    %ne3A_516 = arith.cmpi ne, %sign3A_508, %sign3A_515 : i32
    %rem3A_517 = arith.remsi %min3A_499, %jit3A_500 : i32
    %ne3A_518 = arith.constant 0 : i32
    %ne3A_519 = arith.cmpi ne, %rem3A_517, %ne3A_518 : i32
    %and3A_520 = arith.andi %ne3A_516, %ne3A_519 : i1
    %sub3A_521 = arith.constant 1 : i32
    %sub3A_522 = arith.subi %div3A_501, %sub3A_521 : i32
    %select_n3A_523 = arith.select %and3A_520, %sub3A_522, %div3A_501 : i32
    %mul3A_524 = arith.constant 37 : i32
    %mul3A_525 = arith.muli %select_n3A_523, %mul3A_524 : i32
    %sub3A_526 = arith.subi %min3A_499, %mul3A_525 : i32
    %add3A_527 = arith.constant 160 : i32
    %add3A_528 = arith.addi %add3A, %add3A_527 : i32
    %min3A_529 = arith.constant 443 : i32
    %min3A_530 = arith.minsi %add3A_528, %min3A_529 : i32
    %jit3A_531 = arith.constant 37 : i32
    %div3A_532 = arith.divsi %min3A_530, %jit3A_531 : i32
    %sign3A_533 = arith.constant 0 : i32
    %sign3A_534 = arith.cmpi sgt, %min3A_530, %sign3A_533 : i32
    %sign3A_535 = arith.extui %sign3A_534 : i1 to i32
    %sign3A_536 = arith.constant 0 : i32
    %sign3A_537 = arith.cmpi slt, %min3A_530, %sign3A_536 : i32
    %sign3A_538 = arith.extui %sign3A_537 : i1 to i32
    %sign3A_539 = arith.subi %sign3A_535, %sign3A_538 : i32
    %sign3A_540 = arith.constant 0 : i32
    %sign3A_541 = arith.cmpi sgt, %jit3A_531, %sign3A_540 : i32
    %sign3A_542 = arith.extui %sign3A_541 : i1 to i32
    %sign3A_543 = arith.constant 0 : i32
    %sign3A_544 = arith.cmpi slt, %jit3A_531, %sign3A_543 : i32
    %sign3A_545 = arith.extui %sign3A_544 : i1 to i32
    %sign3A_546 = arith.subi %sign3A_542, %sign3A_545 : i32
    %ne3A_547 = arith.cmpi ne, %sign3A_539, %sign3A_546 : i32
    %rem3A_548 = arith.remsi %min3A_530, %jit3A_531 : i32
    %ne3A_549 = arith.constant 0 : i32
    %ne3A_550 = arith.cmpi ne, %rem3A_548, %ne3A_549 : i32
    %and3A_551 = arith.andi %ne3A_547, %ne3A_550 : i1
    %sub3A_552 = arith.constant 1 : i32
    %sub3A_553 = arith.subi %div3A_532, %sub3A_552 : i32
    %select_n3A_554 = arith.select %and3A_551, %sub3A_553, %div3A_532 : i32
    %mul3A_555 = arith.constant 37 : i32
    %mul3A_556 = arith.muli %select_n3A_554, %mul3A_555 : i32
    %sub3A_557 = arith.subi %min3A_530, %mul3A_556 : i32
    %dma_start3A_558 = arith.constant 1 : i32
    %dma_start3A_559 = arith.constant 0 : i32
    %dma_start3A_560 = tpu.memref_slice %arg6[%dma_start3A_558, %dma_start3A_559] : memref<2x9232xi32, #tpu.memory_space<vmem>> -> memref<1x9232xi32, #tpu.memory_space<vmem>>
    %dma_start3A_561 = tpu.memref_squeeze %dma_start3A_560 : memref<1x9232xi32, #tpu.memory_space<vmem>> -> memref<9232xi32, #tpu.memory_space<vmem>>
    %dma_start3A_562 = arith.constant 0 : i32
    %dma_start3A_563 = tpu.memref_slice %arg3[%sub3A_557, %dma_start3A_562] : memref<37x9232xi32, #tpu.memory_space<hbm>> -> memref<1x9232xi32, #tpu.memory_space<hbm>>
    %dma_start3A_564 = tpu.memref_squeeze %dma_start3A_563 : memref<1x9232xi32, #tpu.memory_space<hbm>> -> memref<9232xi32, #tpu.memory_space<hbm>>
    %dma_start3A_565 = arith.constant 0 : i32
    %dma_start3A_566 = tpu.memref_slice %arg6[%dma_start3A_558, %dma_start3A_565] : memref<2x9232xi32, #tpu.memory_space<vmem>> -> memref<1x9232xi32, #tpu.memory_space<vmem>>
    %dma_start3A_567 = tpu.memref_squeeze %dma_start3A_566 : memref<1x9232xi32, #tpu.memory_space<vmem>> -> memref<9232xi32, #tpu.memory_space<vmem>>
    %dma_start3A_568 = arith.constant 0 : i32
    %dma_start3A_569 = tpu.memref_slice %arg3[%sub3A_557, %dma_start3A_568] : memref<37x9232xi32, #tpu.memory_space<hbm>> -> memref<1x9232xi32, #tpu.memory_space<hbm>>
    %dma_start3A_570 = tpu.memref_squeeze %dma_start3A_569 : memref<1x9232xi32, #tpu.memory_space<hbm>> -> memref<9232xi32, #tpu.memory_space<hbm>>
    tpu.enqueue_dma source(%dma_start3A_570 : memref<9232xi32, #tpu.memory_space<hbm>>) target(%dma_start3A_567 : memref<9232xi32, #tpu.memory_space<vmem>>) target_semaphore(%arg9 : memref<!tpu.dma_semaphore, #tpu.memory_space<semaphore_mem>>)
    %dma_wait3A_571 = arith.constant 0 : i32
    %dma_wait3A_572 = arith.constant 0 : i32
    %dma_wait3A_573 = tpu.memref_slice %arg6[%dma_wait3A_571, %dma_wait3A_572] : memref<2x9232xi32, #tpu.memory_space<vmem>> -> memref<1x9232xi32, #tpu.memory_space<vmem>>
    %dma_wait3A_574 = tpu.memref_squeeze %dma_wait3A_573 : memref<1x9232xi32, #tpu.memory_space<vmem>> -> memref<9232xi32, #tpu.memory_space<vmem>>
    %dma_wait3A_575 = arith.constant 0 : i32
    %dma_wait3A_576 = tpu.memref_slice %arg3[%sub3A_438, %dma_wait3A_575] : memref<37x9232xi32, #tpu.memory_space<hbm>> -> memref<1x9232xi32, #tpu.memory_space<hbm>>
    %dma_wait3A_577 = tpu.memref_squeeze %dma_wait3A_576 : memref<1x9232xi32, #tpu.memory_space<hbm>> -> memref<9232xi32, #tpu.memory_space<hbm>>
    %dma_wait3A_578 = arith.constant 0 : i32
    %dma_wait3A_579 = tpu.memref_slice %arg6[%dma_wait3A_571, %dma_wait3A_578] : memref<2x9232xi32, #tpu.memory_space<vmem>> -> memref<1x9232xi32, #tpu.memory_space<vmem>>
    %dma_wait3A_580 = tpu.memref_squeeze %dma_wait3A_579 : memref<1x9232xi32, #tpu.memory_space<vmem>> -> memref<9232xi32, #tpu.memory_space<vmem>>
    %dma_wait3A_581 = arith.constant 0 : i32
    %dma_wait3A_582 = tpu.memref_slice %arg3[%sub3A_438, %dma_wait3A_581] : memref<37x9232xi32, #tpu.memory_space<hbm>> -> memref<1x9232xi32, #tpu.memory_space<hbm>>
    %dma_wait3A_583 = tpu.memref_squeeze %dma_wait3A_582 : memref<1x9232xi32, #tpu.memory_space<hbm>> -> memref<9232xi32, #tpu.memory_space<hbm>>
    tpu.wait_dma2 semaphore(%arg8 : memref<!tpu.dma_semaphore, #tpu.memory_space<semaphore_mem>>) src(%dma_wait3A_583 : memref<9232xi32, #tpu.memory_space<hbm>>) dst(%dma_wait3A_580 : memref<9232xi32, #tpu.memory_space<vmem>>)
    %mul3A_584 = arith.constant 2212 : i32
    %mul3A_585 = arith.muli %select_n3A_523, %mul3A_584 : i32
    %parallel_loop3A_586 = arith.constant 0 : i32
    %parallel_loop3A_587 = arith.constant 577 : i32
    %parallel_loop3A_588 = arith.constant 1 : i32
    scf.for %parallel_loop3A_1655 = %parallel_loop3A_586 to %parallel_loop3A_587 step %parallel_loop3A_588  : i32 {
      %parallel_loop3A_1656 = arith.constant 16 : i32
      %parallel_loop3A_1657 = arith.muli %parallel_loop3A_1655, %parallel_loop3A_1656 : i32
      %parallel_loop3A_1658 = arith.constant 0 : i32
      %parallel_loop3A_1659 = arith.index_cast %parallel_loop3A_1658 : i32 to index
      %parallel_loop3A_1660 = arith.index_cast %parallel_loop3A_1657 : i32 to index
      %parallel_loop3A_1661 = tpu.vector_load %arg6[%parallel_loop3A_1659, %parallel_loop3A_1660] {strides = array<i32>} : memref<2x9232xi32, #tpu.memory_space<vmem>>, vector<16xi32>,
      %parallel_loop3A_1662 = vector.broadcast %mul3A_585 : i32 to vector<16xi32>
      %parallel_loop3A_1663 = arith.addi %parallel_loop3A_1661, %parallel_loop3A_1662 : vector<16xi32>
      %parallel_loop3A_1664 = tpu.vector_load_idx %arg5[%parallel_loop3A_1663] : memref<26544xf32, #tpu.memory_space<vmem>>[vector<16xi32>], vector<16xf32>,
      %parallel_loop3A_1665 = arith.constant 16 : i32
      %parallel_loop3A_1666 = arith.muli %parallel_loop3A_1655, %parallel_loop3A_1665 : i32
      %parallel_loop3A_1667 = arith.constant 0 : i32
      %parallel_loop3A_1668 = arith.index_cast %parallel_loop3A_1667 : i32 to index
      %parallel_loop3A_1669 = arith.index_cast %parallel_loop3A_1666 : i32 to index
      %parallel_loop3A_1670 = tpu.vector_load %arg7[%parallel_loop3A_1668, %parallel_loop3A_1669] {strides = array<i32>} : memref<2x9232xf32, #tpu.memory_space<vmem>>, vector<16xf32>,
      tpu.vector_store %arg7[%parallel_loop3A_1668, %parallel_loop3A_1669], %parallel_loop3A_1664 {strides = array<i32>} : memref<2x9232xf32, #tpu.memory_space<vmem>>, vector<16xf32>,
    } {sc.loop_unroll_factor = 8 : i64, sc.parallel_access}
    %dma_wait3A_589 = arith.constant 1 : i32
    %dma_wait3A_590 = arith.constant 0 : i32
    %dma_wait3A_591 = tpu.memref_slice %arg7[%dma_wait3A_589, %dma_wait3A_590] : memref<2x9232xf32, #tpu.memory_space<vmem>> -> memref<1x9232xf32, #tpu.memory_space<vmem>>
    %dma_wait3A_592 = tpu.memref_squeeze %dma_wait3A_591 : memref<1x9232xf32, #tpu.memory_space<vmem>> -> memref<9232xf32, #tpu.memory_space<vmem>>
    %dma_wait3A_593 = arith.constant 0 : i32
    %dma_wait3A_594 = tpu.memref_slice %arg4[%select_n3A_404, %sub3A_407, %dma_wait3A_593] : memref<12x37x9232xf32, #tpu.memory_space<hbm>> -> memref<1x1x9232xf32, #tpu.memory_space<hbm>>
    %dma_wait3A_595 = tpu.memref_squeeze %dma_wait3A_594 : memref<1x1x9232xf32, #tpu.memory_space<hbm>> -> memref<9232xf32, #tpu.memory_space<hbm>>
    %dma_wait3A_596 = arith.constant 0 : i32
    %dma_wait3A_597 = tpu.memref_slice %arg4[%select_n3A_404, %sub3A_407, %dma_wait3A_596] : memref<12x37x9232xf32, #tpu.memory_space<hbm>> -> memref<1x1x9232xf32, #tpu.memory_space<hbm>>
    %dma_wait3A_598 = tpu.memref_squeeze %dma_wait3A_597 : memref<1x1x9232xf32, #tpu.memory_space<hbm>> -> memref<9232xf32, #tpu.memory_space<hbm>>
    %dma_wait3A_599 = arith.constant 0 : i32
    %dma_wait3A_600 = tpu.memref_slice %arg7[%dma_wait3A_589, %dma_wait3A_599] : memref<2x9232xf32, #tpu.memory_space<vmem>> -> memref<1x9232xf32, #tpu.memory_space<vmem>>
    %dma_wait3A_601 = tpu.memref_squeeze %dma_wait3A_600 : memref<1x9232xf32, #tpu.memory_space<vmem>> -> memref<9232xf32, #tpu.memory_space<vmem>>
    tpu.wait_dma2 semaphore(%arg11 : memref<!tpu.dma_semaphore, #tpu.memory_space<semaphore_mem>>) src(%dma_wait3A_601 : memref<9232xf32, #tpu.memory_space<vmem>>) dst(%dma_wait3A_598 : memref<9232xf32, #tpu.memory_space<hbm>>)
    %dma_start3A_602 = arith.constant 0 : i32
    %dma_start3A_603 = arith.constant 0 : i32
    %dma_start3A_604 = tpu.memref_slice %arg7[%dma_start3A_602, %dma_start3A_603] : memref<2x9232xf32, #tpu.memory_space<vmem>> -> memref<1x9232xf32, #tpu.memory_space<vmem>>
    %dma_start3A_605 = tpu.memref_squeeze %dma_start3A_604 : memref<1x9232xf32, #tpu.memory_space<vmem>> -> memref<9232xf32, #tpu.memory_space<vmem>>
    %dma_start3A_606 = arith.constant 0 : i32
    %dma_start3A_607 = tpu.memref_slice %arg4[%select_n3A_523, %sub3A_526, %dma_start3A_606] : memref<12x37x9232xf32, #tpu.memory_space<hbm>> -> memref<1x1x9232xf32, #tpu.memory_space<hbm>>
    %dma_start3A_608 = tpu.memref_squeeze %dma_start3A_607 : memref<1x1x9232xf32, #tpu.memory_space<hbm>> -> memref<9232xf32, #tpu.memory_space<hbm>>
    %dma_start3A_609 = arith.constant 0 : i32
    %dma_start3A_610 = tpu.memref_slice %arg4[%select_n3A_523, %sub3A_526, %dma_start3A_609] : memref<12x37x9232xf32, #tpu.memory_space<hbm>> -> memref<1x1x9232xf32, #tpu.memory_space<hbm>>
    %dma_start3A_611 = tpu.memref_squeeze %dma_start3A_610 : memref<1x1x9232xf32, #tpu.memory_space<hbm>> -> memref<9232xf32, #tpu.memory_space<hbm>>
    %dma_start3A_612 = arith.constant 0 : i32
    %dma_start3A_613 = tpu.memref_slice %arg7[%dma_start3A_602, %dma_start3A_612] : memref<2x9232xf32, #tpu.memory_space<vmem>> -> memref<1x9232xf32, #tpu.memory_space<vmem>>
    %dma_start3A_614 = tpu.memref_squeeze %dma_start3A_613 : memref<1x9232xf32, #tpu.memory_space<vmem>> -> memref<9232xf32, #tpu.memory_space<vmem>>
    tpu.enqueue_dma source(%dma_start3A_614 : memref<9232xf32, #tpu.memory_space<vmem>>) target(%dma_start3A_611 : memref<9232xf32, #tpu.memory_space<hbm>>) target_semaphore(%arg10 : memref<!tpu.dma_semaphore, #tpu.memory_space<semaphore_mem>>)
    %add3A_615 = arith.constant 160 : i32
    %add3A_616 = arith.addi %add3A, %add3A_615 : i32
    %min3A_617 = arith.constant 443 : i32
    %min3A_618 = arith.minsi %add3A_616, %min3A_617 : i32
    %jit3A_619 = arith.constant 37 : i32
    %div3A_620 = arith.divsi %min3A_618, %jit3A_619 : i32
    %sign3A_621 = arith.constant 0 : i32
    %sign3A_622 = arith.cmpi sgt, %min3A_618, %sign3A_621 : i32
    %sign3A_623 = arith.extui %sign3A_622 : i1 to i32
    %sign3A_624 = arith.constant 0 : i32
    %sign3A_625 = arith.cmpi slt, %min3A_618, %sign3A_624 : i32
    %sign3A_626 = arith.extui %sign3A_625 : i1 to i32
    %sign3A_627 = arith.subi %sign3A_623, %sign3A_626 : i32
    %sign3A_628 = arith.constant 0 : i32
    %sign3A_629 = arith.cmpi sgt, %jit3A_619, %sign3A_628 : i32
    %sign3A_630 = arith.extui %sign3A_629 : i1 to i32
    %sign3A_631 = arith.constant 0 : i32
    %sign3A_632 = arith.cmpi slt, %jit3A_619, %sign3A_631 : i32
    %sign3A_633 = arith.extui %sign3A_632 : i1 to i32
    %sign3A_634 = arith.subi %sign3A_630, %sign3A_633 : i32
    %ne3A_635 = arith.cmpi ne, %sign3A_627, %sign3A_634 : i32
    %rem3A_636 = arith.remsi %min3A_618, %jit3A_619 : i32
    %ne3A_637 = arith.constant 0 : i32
    %ne3A_638 = arith.cmpi ne, %rem3A_636, %ne3A_637 : i32
    %and3A_639 = arith.andi %ne3A_635, %ne3A_638 : i1
    %sub3A_640 = arith.constant 1 : i32
    %sub3A_641 = arith.subi %div3A_620, %sub3A_640 : i32
    %select_n3A_642 = arith.select %and3A_639, %sub3A_641, %div3A_620 : i32
    %mul3A_643 = arith.constant 37 : i32
    %mul3A_644 = arith.muli %select_n3A_642, %mul3A_643 : i32
    %sub3A_645 = arith.subi %min3A_618, %mul3A_644 : i32
    %add3A_646 = arith.constant 192 : i32
    %add3A_647 = arith.addi %add3A, %add3A_646 : i32
    %min3A_648 = arith.constant 443 : i32
    %min3A_649 = arith.minsi %add3A_647, %min3A_648 : i32
    %jit3A_650 = arith.constant 37 : i32
    %div3A_651 = arith.divsi %min3A_649, %jit3A_650 : i32
    %sign3A_652 = arith.constant 0 : i32
    %sign3A_653 = arith.cmpi sgt, %min3A_649, %sign3A_652 : i32
    %sign3A_654 = arith.extui %sign3A_653 : i1 to i32
    %sign3A_655 = arith.constant 0 : i32
    %sign3A_656 = arith.cmpi slt, %min3A_649, %sign3A_655 : i32
    %sign3A_657 = arith.extui %sign3A_656 : i1 to i32
    %sign3A_658 = arith.subi %sign3A_654, %sign3A_657 : i32
    %sign3A_659 = arith.constant 0 : i32
    %sign3A_660 = arith.cmpi sgt, %jit3A_650, %sign3A_659 : i32
    %sign3A_661 = arith.extui %sign3A_660 : i1 to i32
    %sign3A_662 = arith.constant 0 : i32
    %sign3A_663 = arith.cmpi slt, %jit3A_650, %sign3A_662 : i32
    %sign3A_664 = arith.extui %sign3A_663 : i1 to i32
    %sign3A_665 = arith.subi %sign3A_661, %sign3A_664 : i32
    %ne3A_666 = arith.cmpi ne, %sign3A_658, %sign3A_665 : i32
    %rem3A_667 = arith.remsi %min3A_649, %jit3A_650 : i32
    %ne3A_668 = arith.constant 0 : i32
    %ne3A_669 = arith.cmpi ne, %rem3A_667, %ne3A_668 : i32
    %and3A_670 = arith.andi %ne3A_666, %ne3A_669 : i1
    %sub3A_671 = arith.constant 1 : i32
    %sub3A_672 = arith.subi %div3A_651, %sub3A_671 : i32
    %select_n3A_673 = arith.select %and3A_670, %sub3A_672, %div3A_651 : i32
    %mul3A_674 = arith.constant 37 : i32
    %mul3A_675 = arith.muli %select_n3A_673, %mul3A_674 : i32
    %sub3A_676 = arith.subi %min3A_649, %mul3A_675 : i32
    %dma_start3A_677 = arith.constant 0 : i32
    %dma_start3A_678 = arith.constant 0 : i32
    %dma_start3A_679 = tpu.memref_slice %arg6[%dma_start3A_677, %dma_start3A_678] : memref<2x9232xi32, #tpu.memory_space<vmem>> -> memref<1x9232xi32, #tpu.memory_space<vmem>>
    %dma_start3A_680 = tpu.memref_squeeze %dma_start3A_679 : memref<1x9232xi32, #tpu.memory_space<vmem>> -> memref<9232xi32, #tpu.memory_space<vmem>>
    %dma_start3A_681 = arith.constant 0 : i32
    %dma_start3A_682 = tpu.memref_slice %arg3[%sub3A_676, %dma_start3A_681] : memref<37x9232xi32, #tpu.memory_space<hbm>> -> memref<1x9232xi32, #tpu.memory_space<hbm>>
    %dma_start3A_683 = tpu.memref_squeeze %dma_start3A_682 : memref<1x9232xi32, #tpu.memory_space<hbm>> -> memref<9232xi32, #tpu.memory_space<hbm>>
    %dma_start3A_684 = arith.constant 0 : i32
    %dma_start3A_685 = tpu.memref_slice %arg6[%dma_start3A_677, %dma_start3A_684] : memref<2x9232xi32, #tpu.memory_space<vmem>> -> memref<1x9232xi32, #tpu.memory_space<vmem>>
    %dma_start3A_686 = tpu.memref_squeeze %dma_start3A_685 : memref<1x9232xi32, #tpu.memory_space<vmem>> -> memref<9232xi32, #tpu.memory_space<vmem>>
    %dma_start3A_687 = arith.constant 0 : i32
    %dma_start3A_688 = tpu.memref_slice %arg3[%sub3A_676, %dma_start3A_687] : memref<37x9232xi32, #tpu.memory_space<hbm>> -> memref<1x9232xi32, #tpu.memory_space<hbm>>
    %dma_start3A_689 = tpu.memref_squeeze %dma_start3A_688 : memref<1x9232xi32, #tpu.memory_space<hbm>> -> memref<9232xi32, #tpu.memory_space<hbm>>
    tpu.enqueue_dma source(%dma_start3A_689 : memref<9232xi32, #tpu.memory_space<hbm>>) target(%dma_start3A_686 : memref<9232xi32, #tpu.memory_space<vmem>>) target_semaphore(%arg8 : memref<!tpu.dma_semaphore, #tpu.memory_space<semaphore_mem>>)
    %dma_wait3A_690 = arith.constant 1 : i32
    %dma_wait3A_691 = arith.constant 0 : i32
    %dma_wait3A_692 = tpu.memref_slice %arg6[%dma_wait3A_690, %dma_wait3A_691] : memref<2x9232xi32, #tpu.memory_space<vmem>> -> memref<1x9232xi32, #tpu.memory_space<vmem>>
    %dma_wait3A_693 = tpu.memref_squeeze %dma_wait3A_692 : memref<1x9232xi32, #tpu.memory_space<vmem>> -> memref<9232xi32, #tpu.memory_space<vmem>>
    %dma_wait3A_694 = arith.constant 0 : i32
    %dma_wait3A_695 = tpu.memref_slice %arg3[%sub3A_557, %dma_wait3A_694] : memref<37x9232xi32, #tpu.memory_space<hbm>> -> memref<1x9232xi32, #tpu.memory_space<hbm>>
    %dma_wait3A_696 = tpu.memref_squeeze %dma_wait3A_695 : memref<1x9232xi32, #tpu.memory_space<hbm>> -> memref<9232xi32, #tpu.memory_space<hbm>>
    %dma_wait3A_697 = arith.constant 0 : i32
    %dma_wait3A_698 = tpu.memref_slice %arg6[%dma_wait3A_690, %dma_wait3A_697] : memref<2x9232xi32, #tpu.memory_space<vmem>> -> memref<1x9232xi32, #tpu.memory_space<vmem>>
    %dma_wait3A_699 = tpu.memref_squeeze %dma_wait3A_698 : memref<1x9232xi32, #tpu.memory_space<vmem>> -> memref<9232xi32, #tpu.memory_space<vmem>>
    %dma_wait3A_700 = arith.constant 0 : i32
    %dma_wait3A_701 = tpu.memref_slice %arg3[%sub3A_557, %dma_wait3A_700] : memref<37x9232xi32, #tpu.memory_space<hbm>> -> memref<1x9232xi32, #tpu.memory_space<hbm>>
    %dma_wait3A_702 = tpu.memref_squeeze %dma_wait3A_701 : memref<1x9232xi32, #tpu.memory_space<hbm>> -> memref<9232xi32, #tpu.memory_space<hbm>>
    tpu.wait_dma2 semaphore(%arg9 : memref<!tpu.dma_semaphore, #tpu.memory_space<semaphore_mem>>) src(%dma_wait3A_702 : memref<9232xi32, #tpu.memory_space<hbm>>) dst(%dma_wait3A_699 : memref<9232xi32, #tpu.memory_space<vmem>>)
    %mul3A_703 = arith.constant 2212 : i32
    %mul3A_704 = arith.muli %select_n3A_642, %mul3A_703 : i32
    %parallel_loop3A_705 = arith.constant 0 : i32
    %parallel_loop3A_706 = arith.constant 577 : i32
    %parallel_loop3A_707 = arith.constant 1 : i32
    scf.for %parallel_loop3A_1655 = %parallel_loop3A_705 to %parallel_loop3A_706 step %parallel_loop3A_707  : i32 {
      %parallel_loop3A_1656 = arith.constant 16 : i32
      %parallel_loop3A_1657 = arith.muli %parallel_loop3A_1655, %parallel_loop3A_1656 : i32
      %parallel_loop3A_1658 = arith.constant 1 : i32
      %parallel_loop3A_1659 = arith.index_cast %parallel_loop3A_1658 : i32 to index
      %parallel_loop3A_1660 = arith.index_cast %parallel_loop3A_1657 : i32 to index
      %parallel_loop3A_1661 = tpu.vector_load %arg6[%parallel_loop3A_1659, %parallel_loop3A_1660] {strides = array<i32>} : memref<2x9232xi32, #tpu.memory_space<vmem>>, vector<16xi32>,
      %parallel_loop3A_1662 = vector.broadcast %mul3A_704 : i32 to vector<16xi32>
      %parallel_loop3A_1663 = arith.addi %parallel_loop3A_1661, %parallel_loop3A_1662 : vector<16xi32>
      %parallel_loop3A_1664 = tpu.vector_load_idx %arg5[%parallel_loop3A_1663] : memref<26544xf32, #tpu.memory_space<vmem>>[vector<16xi32>], vector<16xf32>,
      %parallel_loop3A_1665 = arith.constant 16 : i32
      %parallel_loop3A_1666 = arith.muli %parallel_loop3A_1655, %parallel_loop3A_1665 : i32
      %parallel_loop3A_1667 = arith.constant 1 : i32
      %parallel_loop3A_1668 = arith.index_cast %parallel_loop3A_1667 : i32 to index
      %parallel_loop3A_1669 = arith.index_cast %parallel_loop3A_1666 : i32 to index
      %parallel_loop3A_1670 = tpu.vector_load %arg7[%parallel_loop3A_1668, %parallel_loop3A_1669] {strides = array<i32>} : memref<2x9232xf32, #tpu.memory_space<vmem>>, vector<16xf32>,
      tpu.vector_store %arg7[%parallel_loop3A_1668, %parallel_loop3A_1669], %parallel_loop3A_1664 {strides = array<i32>} : memref<2x9232xf32, #tpu.memory_space<vmem>>, vector<16xf32>,
    } {sc.loop_unroll_factor = 8 : i64, sc.parallel_access}
    %dma_wait3A_708 = arith.constant 0 : i32
    %dma_wait3A_709 = arith.constant 0 : i32
    %dma_wait3A_710 = tpu.memref_slice %arg7[%dma_wait3A_708, %dma_wait3A_709] : memref<2x9232xf32, #tpu.memory_space<vmem>> -> memref<1x9232xf32, #tpu.memory_space<vmem>>
    %dma_wait3A_711 = tpu.memref_squeeze %dma_wait3A_710 : memref<1x9232xf32, #tpu.memory_space<vmem>> -> memref<9232xf32, #tpu.memory_space<vmem>>
    %dma_wait3A_712 = arith.constant 0 : i32
    %dma_wait3A_713 = tpu.memref_slice %arg4[%select_n3A_523, %sub3A_526, %dma_wait3A_712] : memref<12x37x9232xf32, #tpu.memory_space<hbm>> -> memref<1x1x9232xf32, #tpu.memory_space<hbm>>
    %dma_wait3A_714 = tpu.memref_squeeze %dma_wait3A_713 : memref<1x1x9232xf32, #tpu.memory_space<hbm>> -> memref<9232xf32, #tpu.memory_space<hbm>>
    %dma_wait3A_715 = arith.constant 0 : i32
    %dma_wait3A_716 = tpu.memref_slice %arg4[%select_n3A_523, %sub3A_526, %dma_wait3A_715] : memref<12x37x9232xf32, #tpu.memory_space<hbm>> -> memref<1x1x9232xf32, #tpu.memory_space<hbm>>
    %dma_wait3A_717 = tpu.memref_squeeze %dma_wait3A_716 : memref<1x1x9232xf32, #tpu.memory_space<hbm>> -> memref<9232xf32, #tpu.memory_space<hbm>>
    %dma_wait3A_718 = arith.constant 0 : i32
    %dma_wait3A_719 = tpu.memref_slice %arg7[%dma_wait3A_708, %dma_wait3A_718] : memref<2x9232xf32, #tpu.memory_space<vmem>> -> memref<1x9232xf32, #tpu.memory_space<vmem>>
    %dma_wait3A_720 = tpu.memref_squeeze %dma_wait3A_719 : memref<1x9232xf32, #tpu.memory_space<vmem>> -> memref<9232xf32, #tpu.memory_space<vmem>>
    tpu.wait_dma2 semaphore(%arg10 : memref<!tpu.dma_semaphore, #tpu.memory_space<semaphore_mem>>) src(%dma_wait3A_720 : memref<9232xf32, #tpu.memory_space<vmem>>) dst(%dma_wait3A_717 : memref<9232xf32, #tpu.memory_space<hbm>>)
    %dma_start3A_721 = arith.constant 1 : i32
    %dma_start3A_722 = arith.constant 0 : i32
    %dma_start3A_723 = tpu.memref_slice %arg7[%dma_start3A_721, %dma_start3A_722] : memref<2x9232xf32, #tpu.memory_space<vmem>> -> memref<1x9232xf32, #tpu.memory_space<vmem>>
    %dma_start3A_724 = tpu.memref_squeeze %dma_start3A_723 : memref<1x9232xf32, #tpu.memory_space<vmem>> -> memref<9232xf32, #tpu.memory_space<vmem>>
    %dma_start3A_725 = arith.constant 0 : i32
    %dma_start3A_726 = tpu.memref_slice %arg4[%select_n3A_642, %sub3A_645, %dma_start3A_725] : memref<12x37x9232xf32, #tpu.memory_space<hbm>> -> memref<1x1x9232xf32, #tpu.memory_space<hbm>>
    %dma_start3A_727 = tpu.memref_squeeze %dma_start3A_726 : memref<1x1x9232xf32, #tpu.memory_space<hbm>> -> memref<9232xf32, #tpu.memory_space<hbm>>
    %dma_start3A_728 = arith.constant 0 : i32
    %dma_start3A_729 = tpu.memref_slice %arg4[%select_n3A_642, %sub3A_645, %dma_start3A_728] : memref<12x37x9232xf32, #tpu.memory_space<hbm>> -> memref<1x1x9232xf32, #tpu.memory_space<hbm>>
    %dma_start3A_730 = tpu.memref_squeeze %dma_start3A_729 : memref<1x1x9232xf32, #tpu.memory_space<hbm>> -> memref<9232xf32, #tpu.memory_space<hbm>>
    %dma_start3A_731 = arith.constant 0 : i32
    %dma_start3A_732 = tpu.memref_slice %arg7[%dma_start3A_721, %dma_start3A_731] : memref<2x9232xf32, #tpu.memory_space<vmem>> -> memref<1x9232xf32, #tpu.memory_space<vmem>>
    %dma_start3A_733 = tpu.memref_squeeze %dma_start3A_732 : memref<1x9232xf32, #tpu.memory_space<vmem>> -> memref<9232xf32, #tpu.memory_space<vmem>>
    tpu.enqueue_dma source(%dma_start3A_733 : memref<9232xf32, #tpu.memory_space<vmem>>) target(%dma_start3A_730 : memref<9232xf32, #tpu.memory_space<hbm>>) target_semaphore(%arg11 : memref<!tpu.dma_semaphore, #tpu.memory_space<semaphore_mem>>)
    %add3A_734 = arith.constant 192 : i32
    %add3A_735 = arith.addi %add3A, %add3A_734 : i32
    %min3A_736 = arith.constant 443 : i32
    %min3A_737 = arith.minsi %add3A_735, %min3A_736 : i32
    %jit3A_738 = arith.constant 37 : i32
    %div3A_739 = arith.divsi %min3A_737, %jit3A_738 : i32
    %sign3A_740 = arith.constant 0 : i32
    %sign3A_741 = arith.cmpi sgt, %min3A_737, %sign3A_740 : i32
    %sign3A_742 = arith.extui %sign3A_741 : i1 to i32
    %sign3A_743 = arith.constant 0 : i32
    %sign3A_744 = arith.cmpi slt, %min3A_737, %sign3A_743 : i32
    %sign3A_745 = arith.extui %sign3A_744 : i1 to i32
    %sign3A_746 = arith.subi %sign3A_742, %sign3A_745 : i32
    %sign3A_747 = arith.constant 0 : i32
    %sign3A_748 = arith.cmpi sgt, %jit3A_738, %sign3A_747 : i32
    %sign3A_749 = arith.extui %sign3A_748 : i1 to i32
    %sign3A_750 = arith.constant 0 : i32
    %sign3A_751 = arith.cmpi slt, %jit3A_738, %sign3A_750 : i32
    %sign3A_752 = arith.extui %sign3A_751 : i1 to i32
    %sign3A_753 = arith.subi %sign3A_749, %sign3A_752 : i32
    %ne3A_754 = arith.cmpi ne, %sign3A_746, %sign3A_753 : i32
    %rem3A_755 = arith.remsi %min3A_737, %jit3A_738 : i32
    %ne3A_756 = arith.constant 0 : i32
    %ne3A_757 = arith.cmpi ne, %rem3A_755, %ne3A_756 : i32
    %and3A_758 = arith.andi %ne3A_754, %ne3A_757 : i1
    %sub3A_759 = arith.constant 1 : i32
    %sub3A_760 = arith.subi %div3A_739, %sub3A_759 : i32
    %select_n3A_761 = arith.select %and3A_758, %sub3A_760, %div3A_739 : i32
    %mul3A_762 = arith.constant 37 : i32
    %mul3A_763 = arith.muli %select_n3A_761, %mul3A_762 : i32
    %sub3A_764 = arith.subi %min3A_737, %mul3A_763 : i32
    %add3A_765 = arith.constant 224 : i32
    %add3A_766 = arith.addi %add3A, %add3A_765 : i32
    %min3A_767 = arith.constant 443 : i32
    %min3A_768 = arith.minsi %add3A_766, %min3A_767 : i32
    %jit3A_769 = arith.constant 37 : i32
    %div3A_770 = arith.divsi %min3A_768, %jit3A_769 : i32
    %sign3A_771 = arith.constant 0 : i32
    %sign3A_772 = arith.cmpi sgt, %min3A_768, %sign3A_771 : i32
    %sign3A_773 = arith.extui %sign3A_772 : i1 to i32
    %sign3A_774 = arith.constant 0 : i32
    %sign3A_775 = arith.cmpi slt, %min3A_768, %sign3A_774 : i32
    %sign3A_776 = arith.extui %sign3A_775 : i1 to i32
    %sign3A_777 = arith.subi %sign3A_773, %sign3A_776 : i32
    %sign3A_778 = arith.constant 0 : i32
    %sign3A_779 = arith.cmpi sgt, %jit3A_769, %sign3A_778 : i32
    %sign3A_780 = arith.extui %sign3A_779 : i1 to i32
    %sign3A_781 = arith.constant 0 : i32
    %sign3A_782 = arith.cmpi slt, %jit3A_769, %sign3A_781 : i32
    %sign3A_783 = arith.extui %sign3A_782 : i1 to i32
    %sign3A_784 = arith.subi %sign3A_780, %sign3A_783 : i32
    %ne3A_785 = arith.cmpi ne, %sign3A_777, %sign3A_784 : i32
    %rem3A_786 = arith.remsi %min3A_768, %jit3A_769 : i32
    %ne3A_787 = arith.constant 0 : i32
    %ne3A_788 = arith.cmpi ne, %rem3A_786, %ne3A_787 : i32
    %and3A_789 = arith.andi %ne3A_785, %ne3A_788 : i1
    %sub3A_790 = arith.constant 1 : i32
    %sub3A_791 = arith.subi %div3A_770, %sub3A_790 : i32
    %select_n3A_792 = arith.select %and3A_789, %sub3A_791, %div3A_770 : i32
    %mul3A_793 = arith.constant 37 : i32
    %mul3A_794 = arith.muli %select_n3A_792, %mul3A_793 : i32
    %sub3A_795 = arith.subi %min3A_768, %mul3A_794 : i32
    %dma_start3A_796 = arith.constant 1 : i32
    %dma_start3A_797 = arith.constant 0 : i32
    %dma_start3A_798 = tpu.memref_slice %arg6[%dma_start3A_796, %dma_start3A_797] : memref<2x9232xi32, #tpu.memory_space<vmem>> -> memref<1x9232xi32, #tpu.memory_space<vmem>>
    %dma_start3A_799 = tpu.memref_squeeze %dma_start3A_798 : memref<1x9232xi32, #tpu.memory_space<vmem>> -> memref<9232xi32, #tpu.memory_space<vmem>>
    %dma_start3A_800 = arith.constant 0 : i32
    %dma_start3A_801 = tpu.memref_slice %arg3[%sub3A_795, %dma_start3A_800] : memref<37x9232xi32, #tpu.memory_space<hbm>> -> memref<1x9232xi32, #tpu.memory_space<hbm>>
    %dma_start3A_802 = tpu.memref_squeeze %dma_start3A_801 : memref<1x9232xi32, #tpu.memory_space<hbm>> -> memref<9232xi32, #tpu.memory_space<hbm>>
    %dma_start3A_803 = arith.constant 0 : i32
    %dma_start3A_804 = tpu.memref_slice %arg6[%dma_start3A_796, %dma_start3A_803] : memref<2x9232xi32, #tpu.memory_space<vmem>> -> memref<1x9232xi32, #tpu.memory_space<vmem>>
    %dma_start3A_805 = tpu.memref_squeeze %dma_start3A_804 : memref<1x9232xi32, #tpu.memory_space<vmem>> -> memref<9232xi32, #tpu.memory_space<vmem>>
    %dma_start3A_806 = arith.constant 0 : i32
    %dma_start3A_807 = tpu.memref_slice %arg3[%sub3A_795, %dma_start3A_806] : memref<37x9232xi32, #tpu.memory_space<hbm>> -> memref<1x9232xi32, #tpu.memory_space<hbm>>
    %dma_start3A_808 = tpu.memref_squeeze %dma_start3A_807 : memref<1x9232xi32, #tpu.memory_space<hbm>> -> memref<9232xi32, #tpu.memory_space<hbm>>
    tpu.enqueue_dma source(%dma_start3A_808 : memref<9232xi32, #tpu.memory_space<hbm>>) target(%dma_start3A_805 : memref<9232xi32, #tpu.memory_space<vmem>>) target_semaphore(%arg9 : memref<!tpu.dma_semaphore, #tpu.memory_space<semaphore_mem>>)
    %dma_wait3A_809 = arith.constant 0 : i32
    %dma_wait3A_810 = arith.constant 0 : i32
    %dma_wait3A_811 = tpu.memref_slice %arg6[%dma_wait3A_809, %dma_wait3A_810] : memref<2x9232xi32, #tpu.memory_space<vmem>> -> memref<1x9232xi32, #tpu.memory_space<vmem>>
    %dma_wait3A_812 = tpu.memref_squeeze %dma_wait3A_811 : memref<1x9232xi32, #tpu.memory_space<vmem>> -> memref<9232xi32, #tpu.memory_space<vmem>>
    %dma_wait3A_813 = arith.constant 0 : i32
    %dma_wait3A_814 = tpu.memref_slice %arg3[%sub3A_676, %dma_wait3A_813] : memref<37x9232xi32, #tpu.memory_space<hbm>> -> memref<1x9232xi32, #tpu.memory_space<hbm>>
    %dma_wait3A_815 = tpu.memref_squeeze %dma_wait3A_814 : memref<1x9232xi32, #tpu.memory_space<hbm>> -> memref<9232xi32, #tpu.memory_space<hbm>>
    %dma_wait3A_816 = arith.constant 0 : i32
    %dma_wait3A_817 = tpu.memref_slice %arg6[%dma_wait3A_809, %dma_wait3A_816] : memref<2x9232xi32, #tpu.memory_space<vmem>> -> memref<1x9232xi32, #tpu.memory_space<vmem>>
    %dma_wait3A_818 = tpu.memref_squeeze %dma_wait3A_817 : memref<1x9232xi32, #tpu.memory_space<vmem>> -> memref<9232xi32, #tpu.memory_space<vmem>>
    %dma_wait3A_819 = arith.constant 0 : i32
    %dma_wait3A_820 = tpu.memref_slice %arg3[%sub3A_676, %dma_wait3A_819] : memref<37x9232xi32, #tpu.memory_space<hbm>> -> memref<1x9232xi32, #tpu.memory_space<hbm>>
    %dma_wait3A_821 = tpu.memref_squeeze %dma_wait3A_820 : memref<1x9232xi32, #tpu.memory_space<hbm>> -> memref<9232xi32, #tpu.memory_space<hbm>>
    tpu.wait_dma2 semaphore(%arg8 : memref<!tpu.dma_semaphore, #tpu.memory_space<semaphore_mem>>) src(%dma_wait3A_821 : memref<9232xi32, #tpu.memory_space<hbm>>) dst(%dma_wait3A_818 : memref<9232xi32, #tpu.memory_space<vmem>>)
    %mul3A_822 = arith.constant 2212 : i32
    %mul3A_823 = arith.muli %select_n3A_761, %mul3A_822 : i32
    %parallel_loop3A_824 = arith.constant 0 : i32
    %parallel_loop3A_825 = arith.constant 577 : i32
    %parallel_loop3A_826 = arith.constant 1 : i32
    scf.for %parallel_loop3A_1655 = %parallel_loop3A_824 to %parallel_loop3A_825 step %parallel_loop3A_826  : i32 {
      %parallel_loop3A_1656 = arith.constant 16 : i32
      %parallel_loop3A_1657 = arith.muli %parallel_loop3A_1655, %parallel_loop3A_1656 : i32
      %parallel_loop3A_1658 = arith.constant 0 : i32
      %parallel_loop3A_1659 = arith.index_cast %parallel_loop3A_1658 : i32 to index
      %parallel_loop3A_1660 = arith.index_cast %parallel_loop3A_1657 : i32 to index
      %parallel_loop3A_1661 = tpu.vector_load %arg6[%parallel_loop3A_1659, %parallel_loop3A_1660] {strides = array<i32>} : memref<2x9232xi32, #tpu.memory_space<vmem>>, vector<16xi32>,
      %parallel_loop3A_1662 = vector.broadcast %mul3A_823 : i32 to vector<16xi32>
      %parallel_loop3A_1663 = arith.addi %parallel_loop3A_1661, %parallel_loop3A_1662 : vector<16xi32>
      %parallel_loop3A_1664 = tpu.vector_load_idx %arg5[%parallel_loop3A_1663] : memref<26544xf32, #tpu.memory_space<vmem>>[vector<16xi32>], vector<16xf32>,
      %parallel_loop3A_1665 = arith.constant 16 : i32
      %parallel_loop3A_1666 = arith.muli %parallel_loop3A_1655, %parallel_loop3A_1665 : i32
      %parallel_loop3A_1667 = arith.constant 0 : i32
      %parallel_loop3A_1668 = arith.index_cast %parallel_loop3A_1667 : i32 to index
      %parallel_loop3A_1669 = arith.index_cast %parallel_loop3A_1666 : i32 to index
      %parallel_loop3A_1670 = tpu.vector_load %arg7[%parallel_loop3A_1668, %parallel_loop3A_1669] {strides = array<i32>} : memref<2x9232xf32, #tpu.memory_space<vmem>>, vector<16xf32>,
      tpu.vector_store %arg7[%parallel_loop3A_1668, %parallel_loop3A_1669], %parallel_loop3A_1664 {strides = array<i32>} : memref<2x9232xf32, #tpu.memory_space<vmem>>, vector<16xf32>,
    } {sc.loop_unroll_factor = 8 : i64, sc.parallel_access}
    %dma_wait3A_827 = arith.constant 1 : i32
    %dma_wait3A_828 = arith.constant 0 : i32
    %dma_wait3A_829 = tpu.memref_slice %arg7[%dma_wait3A_827, %dma_wait3A_828] : memref<2x9232xf32, #tpu.memory_space<vmem>> -> memref<1x9232xf32, #tpu.memory_space<vmem>>
    %dma_wait3A_830 = tpu.memref_squeeze %dma_wait3A_829 : memref<1x9232xf32, #tpu.memory_space<vmem>> -> memref<9232xf32, #tpu.memory_space<vmem>>
    %dma_wait3A_831 = arith.constant 0 : i32
    %dma_wait3A_832 = tpu.memref_slice %arg4[%select_n3A_642, %sub3A_645, %dma_wait3A_831] : memref<12x37x9232xf32, #tpu.memory_space<hbm>> -> memref<1x1x9232xf32, #tpu.memory_space<hbm>>
    %dma_wait3A_833 = tpu.memref_squeeze %dma_wait3A_832 : memref<1x1x9232xf32, #tpu.memory_space<hbm>> -> memref<9232xf32, #tpu.memory_space<hbm>>
    %dma_wait3A_834 = arith.constant 0 : i32
    %dma_wait3A_835 = tpu.memref_slice %arg4[%select_n3A_642, %sub3A_645, %dma_wait3A_834] : memref<12x37x9232xf32, #tpu.memory_space<hbm>> -> memref<1x1x9232xf32, #tpu.memory_space<hbm>>
    %dma_wait3A_836 = tpu.memref_squeeze %dma_wait3A_835 : memref<1x1x9232xf32, #tpu.memory_space<hbm>> -> memref<9232xf32, #tpu.memory_space<hbm>>
    %dma_wait3A_837 = arith.constant 0 : i32
    %dma_wait3A_838 = tpu.memref_slice %arg7[%dma_wait3A_827, %dma_wait3A_837] : memref<2x9232xf32, #tpu.memory_space<vmem>> -> memref<1x9232xf32, #tpu.memory_space<vmem>>
    %dma_wait3A_839 = tpu.memref_squeeze %dma_wait3A_838 : memref<1x9232xf32, #tpu.memory_space<vmem>> -> memref<9232xf32, #tpu.memory_space<vmem>>
    tpu.wait_dma2 semaphore(%arg11 : memref<!tpu.dma_semaphore, #tpu.memory_space<semaphore_mem>>) src(%dma_wait3A_839 : memref<9232xf32, #tpu.memory_space<vmem>>) dst(%dma_wait3A_836 : memref<9232xf32, #tpu.memory_space<hbm>>)
    %dma_start3A_840 = arith.constant 0 : i32
    %dma_start3A_841 = arith.constant 0 : i32
    %dma_start3A_842 = tpu.memref_slice %arg7[%dma_start3A_840, %dma_start3A_841] : memref<2x9232xf32, #tpu.memory_space<vmem>> -> memref<1x9232xf32, #tpu.memory_space<vmem>>
    %dma_start3A_843 = tpu.memref_squeeze %dma_start3A_842 : memref<1x9232xf32, #tpu.memory_space<vmem>> -> memref<9232xf32, #tpu.memory_space<vmem>>
    %dma_start3A_844 = arith.constant 0 : i32
    %dma_start3A_845 = tpu.memref_slice %arg4[%select_n3A_761, %sub3A_764, %dma_start3A_844] : memref<12x37x9232xf32, #tpu.memory_space<hbm>> -> memref<1x1x9232xf32, #tpu.memory_space<hbm>>
    %dma_start3A_846 = tpu.memref_squeeze %dma_start3A_845 : memref<1x1x9232xf32, #tpu.memory_space<hbm>> -> memref<9232xf32, #tpu.memory_space<hbm>>
    %dma_start3A_847 = arith.constant 0 : i32
    %dma_start3A_848 = tpu.memref_slice %arg4[%select_n3A_761, %sub3A_764, %dma_start3A_847] : memref<12x37x9232xf32, #tpu.memory_space<hbm>> -> memref<1x1x9232xf32, #tpu.memory_space<hbm>>
    %dma_start3A_849 = tpu.memref_squeeze %dma_start3A_848 : memref<1x1x9232xf32, #tpu.memory_space<hbm>> -> memref<9232xf32, #tpu.memory_space<hbm>>
    %dma_start3A_850 = arith.constant 0 : i32
    %dma_start3A_851 = tpu.memref_slice %arg7[%dma_start3A_840, %dma_start3A_850] : memref<2x9232xf32, #tpu.memory_space<vmem>> -> memref<1x9232xf32, #tpu.memory_space<vmem>>
    %dma_start3A_852 = tpu.memref_squeeze %dma_start3A_851 : memref<1x9232xf32, #tpu.memory_space<vmem>> -> memref<9232xf32, #tpu.memory_space<vmem>>
    tpu.enqueue_dma source(%dma_start3A_852 : memref<9232xf32, #tpu.memory_space<vmem>>) target(%dma_start3A_849 : memref<9232xf32, #tpu.memory_space<hbm>>) target_semaphore(%arg10 : memref<!tpu.dma_semaphore, #tpu.memory_space<semaphore_mem>>)
    %add3A_853 = arith.constant 224 : i32
    %add3A_854 = arith.addi %add3A, %add3A_853 : i32
    %min3A_855 = arith.constant 443 : i32
    %min3A_856 = arith.minsi %add3A_854, %min3A_855 : i32
    %jit3A_857 = arith.constant 37 : i32
    %div3A_858 = arith.divsi %min3A_856, %jit3A_857 : i32
    %sign3A_859 = arith.constant 0 : i32
    %sign3A_860 = arith.cmpi sgt, %min3A_856, %sign3A_859 : i32
    %sign3A_861 = arith.extui %sign3A_860 : i1 to i32
    %sign3A_862 = arith.constant 0 : i32
    %sign3A_863 = arith.cmpi slt, %min3A_856, %sign3A_862 : i32
    %sign3A_864 = arith.extui %sign3A_863 : i1 to i32
    %sign3A_865 = arith.subi %sign3A_861, %sign3A_864 : i32
    %sign3A_866 = arith.constant 0 : i32
    %sign3A_867 = arith.cmpi sgt, %jit3A_857, %sign3A_866 : i32
    %sign3A_868 = arith.extui %sign3A_867 : i1 to i32
    %sign3A_869 = arith.constant 0 : i32
    %sign3A_870 = arith.cmpi slt, %jit3A_857, %sign3A_869 : i32
    %sign3A_871 = arith.extui %sign3A_870 : i1 to i32
    %sign3A_872 = arith.subi %sign3A_868, %sign3A_871 : i32
    %ne3A_873 = arith.cmpi ne, %sign3A_865, %sign3A_872 : i32
    %rem3A_874 = arith.remsi %min3A_856, %jit3A_857 : i32
    %ne3A_875 = arith.constant 0 : i32
    %ne3A_876 = arith.cmpi ne, %rem3A_874, %ne3A_875 : i32
    %and3A_877 = arith.andi %ne3A_873, %ne3A_876 : i1
    %sub3A_878 = arith.constant 1 : i32
    %sub3A_879 = arith.subi %div3A_858, %sub3A_878 : i32
    %select_n3A_880 = arith.select %and3A_877, %sub3A_879, %div3A_858 : i32
    %mul3A_881 = arith.constant 37 : i32
    %mul3A_882 = arith.muli %select_n3A_880, %mul3A_881 : i32
    %sub3A_883 = arith.subi %min3A_856, %mul3A_882 : i32
    %add3A_884 = arith.constant 256 : i32
    %add3A_885 = arith.addi %add3A, %add3A_884 : i32
    %min3A_886 = arith.constant 443 : i32
    %min3A_887 = arith.minsi %add3A_885, %min3A_886 : i32
    %jit3A_888 = arith.constant 37 : i32
    %div3A_889 = arith.divsi %min3A_887, %jit3A_888 : i32
    %sign3A_890 = arith.constant 0 : i32
    %sign3A_891 = arith.cmpi sgt, %min3A_887, %sign3A_890 : i32
    %sign3A_892 = arith.extui %sign3A_891 : i1 to i32
    %sign3A_893 = arith.constant 0 : i32
    %sign3A_894 = arith.cmpi slt, %min3A_887, %sign3A_893 : i32
    %sign3A_895 = arith.extui %sign3A_894 : i1 to i32
    %sign3A_896 = arith.subi %sign3A_892, %sign3A_895 : i32
    %sign3A_897 = arith.constant 0 : i32
    %sign3A_898 = arith.cmpi sgt, %jit3A_888, %sign3A_897 : i32
    %sign3A_899 = arith.extui %sign3A_898 : i1 to i32
    %sign3A_900 = arith.constant 0 : i32
    %sign3A_901 = arith.cmpi slt, %jit3A_888, %sign3A_900 : i32
    %sign3A_902 = arith.extui %sign3A_901 : i1 to i32
    %sign3A_903 = arith.subi %sign3A_899, %sign3A_902 : i32
    %ne3A_904 = arith.cmpi ne, %sign3A_896, %sign3A_903 : i32
    %rem3A_905 = arith.remsi %min3A_887, %jit3A_888 : i32
    %ne3A_906 = arith.constant 0 : i32
    %ne3A_907 = arith.cmpi ne, %rem3A_905, %ne3A_906 : i32
    %and3A_908 = arith.andi %ne3A_904, %ne3A_907 : i1
    %sub3A_909 = arith.constant 1 : i32
    %sub3A_910 = arith.subi %div3A_889, %sub3A_909 : i32
    %select_n3A_911 = arith.select %and3A_908, %sub3A_910, %div3A_889 : i32
    %mul3A_912 = arith.constant 37 : i32
    %mul3A_913 = arith.muli %select_n3A_911, %mul3A_912 : i32
    %sub3A_914 = arith.subi %min3A_887, %mul3A_913 : i32
    %dma_start3A_915 = arith.constant 0 : i32
    %dma_start3A_916 = arith.constant 0 : i32
    %dma_start3A_917 = tpu.memref_slice %arg6[%dma_start3A_915, %dma_start3A_916] : memref<2x9232xi32, #tpu.memory_space<vmem>> -> memref<1x9232xi32, #tpu.memory_space<vmem>>
    %dma_start3A_918 = tpu.memref_squeeze %dma_start3A_917 : memref<1x9232xi32, #tpu.memory_space<vmem>> -> memref<9232xi32, #tpu.memory_space<vmem>>
    %dma_start3A_919 = arith.constant 0 : i32
    %dma_start3A_920 = tpu.memref_slice %arg3[%sub3A_914, %dma_start3A_919] : memref<37x9232xi32, #tpu.memory_space<hbm>> -> memref<1x9232xi32, #tpu.memory_space<hbm>>
    %dma_start3A_921 = tpu.memref_squeeze %dma_start3A_920 : memref<1x9232xi32, #tpu.memory_space<hbm>> -> memref<9232xi32, #tpu.memory_space<hbm>>
    %dma_start3A_922 = arith.constant 0 : i32
    %dma_start3A_923 = tpu.memref_slice %arg6[%dma_start3A_915, %dma_start3A_922] : memref<2x9232xi32, #tpu.memory_space<vmem>> -> memref<1x9232xi32, #tpu.memory_space<vmem>>
    %dma_start3A_924 = tpu.memref_squeeze %dma_start3A_923 : memref<1x9232xi32, #tpu.memory_space<vmem>> -> memref<9232xi32, #tpu.memory_space<vmem>>
    %dma_start3A_925 = arith.constant 0 : i32
    %dma_start3A_926 = tpu.memref_slice %arg3[%sub3A_914, %dma_start3A_925] : memref<37x9232xi32, #tpu.memory_space<hbm>> -> memref<1x9232xi32, #tpu.memory_space<hbm>>
    %dma_start3A_927 = tpu.memref_squeeze %dma_start3A_926 : memref<1x9232xi32, #tpu.memory_space<hbm>> -> memref<9232xi32, #tpu.memory_space<hbm>>
    tpu.enqueue_dma source(%dma_start3A_927 : memref<9232xi32, #tpu.memory_space<hbm>>) target(%dma_start3A_924 : memref<9232xi32, #tpu.memory_space<vmem>>) target_semaphore(%arg8 : memref<!tpu.dma_semaphore, #tpu.memory_space<semaphore_mem>>)
    %dma_wait3A_928 = arith.constant 1 : i32
    %dma_wait3A_929 = arith.constant 0 : i32
    %dma_wait3A_930 = tpu.memref_slice %arg6[%dma_wait3A_928, %dma_wait3A_929] : memref<2x9232xi32, #tpu.memory_space<vmem>> -> memref<1x9232xi32, #tpu.memory_space<vmem>>
    %dma_wait3A_931 = tpu.memref_squeeze %dma_wait3A_930 : memref<1x9232xi32, #tpu.memory_space<vmem>> -> memref<9232xi32, #tpu.memory_space<vmem>>
    %dma_wait3A_932 = arith.constant 0 : i32
    %dma_wait3A_933 = tpu.memref_slice %arg3[%sub3A_795, %dma_wait3A_932] : memref<37x9232xi32, #tpu.memory_space<hbm>> -> memref<1x9232xi32, #tpu.memory_space<hbm>>
    %dma_wait3A_934 = tpu.memref_squeeze %dma_wait3A_933 : memref<1x9232xi32, #tpu.memory_space<hbm>> -> memref<9232xi32, #tpu.memory_space<hbm>>
    %dma_wait3A_935 = arith.constant 0 : i32
    %dma_wait3A_936 = tpu.memref_slice %arg6[%dma_wait3A_928, %dma_wait3A_935] : memref<2x9232xi32, #tpu.memory_space<vmem>> -> memref<1x9232xi32, #tpu.memory_space<vmem>>
    %dma_wait3A_937 = tpu.memref_squeeze %dma_wait3A_936 : memref<1x9232xi32, #tpu.memory_space<vmem>> -> memref<9232xi32, #tpu.memory_space<vmem>>
    %dma_wait3A_938 = arith.constant 0 : i32
    %dma_wait3A_939 = tpu.memref_slice %arg3[%sub3A_795, %dma_wait3A_938] : memref<37x9232xi32, #tpu.memory_space<hbm>> -> memref<1x9232xi32, #tpu.memory_space<hbm>>
    %dma_wait3A_940 = tpu.memref_squeeze %dma_wait3A_939 : memref<1x9232xi32, #tpu.memory_space<hbm>> -> memref<9232xi32, #tpu.memory_space<hbm>>
    tpu.wait_dma2 semaphore(%arg9 : memref<!tpu.dma_semaphore, #tpu.memory_space<semaphore_mem>>) src(%dma_wait3A_940 : memref<9232xi32, #tpu.memory_space<hbm>>) dst(%dma_wait3A_937 : memref<9232xi32, #tpu.memory_space<vmem>>)
    %mul3A_941 = arith.constant 2212 : i32
    %mul3A_942 = arith.muli %select_n3A_880, %mul3A_941 : i32
    %parallel_loop3A_943 = arith.constant 0 : i32
    %parallel_loop3A_944 = arith.constant 577 : i32
    %parallel_loop3A_945 = arith.constant 1 : i32
    scf.for %parallel_loop3A_1655 = %parallel_loop3A_943 to %parallel_loop3A_944 step %parallel_loop3A_945  : i32 {
      %parallel_loop3A_1656 = arith.constant 16 : i32
      %parallel_loop3A_1657 = arith.muli %parallel_loop3A_1655, %parallel_loop3A_1656 : i32
      %parallel_loop3A_1658 = arith.constant 1 : i32
      %parallel_loop3A_1659 = arith.index_cast %parallel_loop3A_1658 : i32 to index
      %parallel_loop3A_1660 = arith.index_cast %parallel_loop3A_1657 : i32 to index
      %parallel_loop3A_1661 = tpu.vector_load %arg6[%parallel_loop3A_1659, %parallel_loop3A_1660] {strides = array<i32>} : memref<2x9232xi32, #tpu.memory_space<vmem>>, vector<16xi32>,
      %parallel_loop3A_1662 = vector.broadcast %mul3A_942 : i32 to vector<16xi32>
      %parallel_loop3A_1663 = arith.addi %parallel_loop3A_1661, %parallel_loop3A_1662 : vector<16xi32>
      %parallel_loop3A_1664 = tpu.vector_load_idx %arg5[%parallel_loop3A_1663] : memref<26544xf32, #tpu.memory_space<vmem>>[vector<16xi32>], vector<16xf32>,
      %parallel_loop3A_1665 = arith.constant 16 : i32
      %parallel_loop3A_1666 = arith.muli %parallel_loop3A_1655, %parallel_loop3A_1665 : i32
      %parallel_loop3A_1667 = arith.constant 1 : i32
      %parallel_loop3A_1668 = arith.index_cast %parallel_loop3A_1667 : i32 to index
      %parallel_loop3A_1669 = arith.index_cast %parallel_loop3A_1666 : i32 to index
      %parallel_loop3A_1670 = tpu.vector_load %arg7[%parallel_loop3A_1668, %parallel_loop3A_1669] {strides = array<i32>} : memref<2x9232xf32, #tpu.memory_space<vmem>>, vector<16xf32>,
      tpu.vector_store %arg7[%parallel_loop3A_1668, %parallel_loop3A_1669], %parallel_loop3A_1664 {strides = array<i32>} : memref<2x9232xf32, #tpu.memory_space<vmem>>, vector<16xf32>,
    } {sc.loop_unroll_factor = 8 : i64, sc.parallel_access}
    %dma_wait3A_946 = arith.constant 0 : i32
    %dma_wait3A_947 = arith.constant 0 : i32
    %dma_wait3A_948 = tpu.memref_slice %arg7[%dma_wait3A_946, %dma_wait3A_947] : memref<2x9232xf32, #tpu.memory_space<vmem>> -> memref<1x9232xf32, #tpu.memory_space<vmem>>
    %dma_wait3A_949 = tpu.memref_squeeze %dma_wait3A_948 : memref<1x9232xf32, #tpu.memory_space<vmem>> -> memref<9232xf32, #tpu.memory_space<vmem>>
    %dma_wait3A_950 = arith.constant 0 : i32
    %dma_wait3A_951 = tpu.memref_slice %arg4[%select_n3A_761, %sub3A_764, %dma_wait3A_950] : memref<12x37x9232xf32, #tpu.memory_space<hbm>> -> memref<1x1x9232xf32, #tpu.memory_space<hbm>>
    %dma_wait3A_952 = tpu.memref_squeeze %dma_wait3A_951 : memref<1x1x9232xf32, #tpu.memory_space<hbm>> -> memref<9232xf32, #tpu.memory_space<hbm>>
    %dma_wait3A_953 = arith.constant 0 : i32
    %dma_wait3A_954 = tpu.memref_slice %arg4[%select_n3A_761, %sub3A_764, %dma_wait3A_953] : memref<12x37x9232xf32, #tpu.memory_space<hbm>> -> memref<1x1x9232xf32, #tpu.memory_space<hbm>>
    %dma_wait3A_955 = tpu.memref_squeeze %dma_wait3A_954 : memref<1x1x9232xf32, #tpu.memory_space<hbm>> -> memref<9232xf32, #tpu.memory_space<hbm>>
    %dma_wait3A_956 = arith.constant 0 : i32
    %dma_wait3A_957 = tpu.memref_slice %arg7[%dma_wait3A_946, %dma_wait3A_956] : memref<2x9232xf32, #tpu.memory_space<vmem>> -> memref<1x9232xf32, #tpu.memory_space<vmem>>
    %dma_wait3A_958 = tpu.memref_squeeze %dma_wait3A_957 : memref<1x9232xf32, #tpu.memory_space<vmem>> -> memref<9232xf32, #tpu.memory_space<vmem>>
    tpu.wait_dma2 semaphore(%arg10 : memref<!tpu.dma_semaphore, #tpu.memory_space<semaphore_mem>>) src(%dma_wait3A_958 : memref<9232xf32, #tpu.memory_space<vmem>>) dst(%dma_wait3A_955 : memref<9232xf32, #tpu.memory_space<hbm>>)
    %dma_start3A_959 = arith.constant 1 : i32
    %dma_start3A_960 = arith.constant 0 : i32
    %dma_start3A_961 = tpu.memref_slice %arg7[%dma_start3A_959, %dma_start3A_960] : memref<2x9232xf32, #tpu.memory_space<vmem>> -> memref<1x9232xf32, #tpu.memory_space<vmem>>
    %dma_start3A_962 = tpu.memref_squeeze %dma_start3A_961 : memref<1x9232xf32, #tpu.memory_space<vmem>> -> memref<9232xf32, #tpu.memory_space<vmem>>
    %dma_start3A_963 = arith.constant 0 : i32
    %dma_start3A_964 = tpu.memref_slice %arg4[%select_n3A_880, %sub3A_883, %dma_start3A_963] : memref<12x37x9232xf32, #tpu.memory_space<hbm>> -> memref<1x1x9232xf32, #tpu.memory_space<hbm>>
    %dma_start3A_965 = tpu.memref_squeeze %dma_start3A_964 : memref<1x1x9232xf32, #tpu.memory_space<hbm>> -> memref<9232xf32, #tpu.memory_space<hbm>>
    %dma_start3A_966 = arith.constant 0 : i32
    %dma_start3A_967 = tpu.memref_slice %arg4[%select_n3A_880, %sub3A_883, %dma_start3A_966] : memref<12x37x9232xf32, #tpu.memory_space<hbm>> -> memref<1x1x9232xf32, #tpu.memory_space<hbm>>
    %dma_start3A_968 = tpu.memref_squeeze %dma_start3A_967 : memref<1x1x9232xf32, #tpu.memory_space<hbm>> -> memref<9232xf32, #tpu.memory_space<hbm>>
    %dma_start3A_969 = arith.constant 0 : i32
    %dma_start3A_970 = tpu.memref_slice %arg7[%dma_start3A_959, %dma_start3A_969] : memref<2x9232xf32, #tpu.memory_space<vmem>> -> memref<1x9232xf32, #tpu.memory_space<vmem>>
    %dma_start3A_971 = tpu.memref_squeeze %dma_start3A_970 : memref<1x9232xf32, #tpu.memory_space<vmem>> -> memref<9232xf32, #tpu.memory_space<vmem>>
    tpu.enqueue_dma source(%dma_start3A_971 : memref<9232xf32, #tpu.memory_space<vmem>>) target(%dma_start3A_968 : memref<9232xf32, #tpu.memory_space<hbm>>) target_semaphore(%arg11 : memref<!tpu.dma_semaphore, #tpu.memory_space<semaphore_mem>>)
    %add3A_972 = arith.constant 256 : i32
    %add3A_973 = arith.addi %add3A, %add3A_972 : i32
    %min3A_974 = arith.constant 443 : i32
    %min3A_975 = arith.minsi %add3A_973, %min3A_974 : i32
    %jit3A_976 = arith.constant 37 : i32
    %div3A_977 = arith.divsi %min3A_975, %jit3A_976 : i32
    %sign3A_978 = arith.constant 0 : i32
    %sign3A_979 = arith.cmpi sgt, %min3A_975, %sign3A_978 : i32
    %sign3A_980 = arith.extui %sign3A_979 : i1 to i32
    %sign3A_981 = arith.constant 0 : i32
    %sign3A_982 = arith.cmpi slt, %min3A_975, %sign3A_981 : i32
    %sign3A_983 = arith.extui %sign3A_982 : i1 to i32
    %sign3A_984 = arith.subi %sign3A_980, %sign3A_983 : i32
    %sign3A_985 = arith.constant 0 : i32
    %sign3A_986 = arith.cmpi sgt, %jit3A_976, %sign3A_985 : i32
    %sign3A_987 = arith.extui %sign3A_986 : i1 to i32
    %sign3A_988 = arith.constant 0 : i32
    %sign3A_989 = arith.cmpi slt, %jit3A_976, %sign3A_988 : i32
    %sign3A_990 = arith.extui %sign3A_989 : i1 to i32
    %sign3A_991 = arith.subi %sign3A_987, %sign3A_990 : i32
    %ne3A_992 = arith.cmpi ne, %sign3A_984, %sign3A_991 : i32
    %rem3A_993 = arith.remsi %min3A_975, %jit3A_976 : i32
    %ne3A_994 = arith.constant 0 : i32
    %ne3A_995 = arith.cmpi ne, %rem3A_993, %ne3A_994 : i32
    %and3A_996 = arith.andi %ne3A_992, %ne3A_995 : i1
    %sub3A_997 = arith.constant 1 : i32
    %sub3A_998 = arith.subi %div3A_977, %sub3A_997 : i32
    %select_n3A_999 = arith.select %and3A_996, %sub3A_998, %div3A_977 : i32
    %mul3A_1000 = arith.constant 37 : i32
    %mul3A_1001 = arith.muli %select_n3A_999, %mul3A_1000 : i32
    %sub3A_1002 = arith.subi %min3A_975, %mul3A_1001 : i32
    %add3A_1003 = arith.constant 288 : i32
    %add3A_1004 = arith.addi %add3A, %add3A_1003 : i32
    %min3A_1005 = arith.constant 443 : i32
    %min3A_1006 = arith.minsi %add3A_1004, %min3A_1005 : i32
    %jit3A_1007 = arith.constant 37 : i32
    %div3A_1008 = arith.divsi %min3A_1006, %jit3A_1007 : i32
    %sign3A_1009 = arith.constant 0 : i32
    %sign3A_1010 = arith.cmpi sgt, %min3A_1006, %sign3A_1009 : i32
    %sign3A_1011 = arith.extui %sign3A_1010 : i1 to i32
    %sign3A_1012 = arith.constant 0 : i32
    %sign3A_1013 = arith.cmpi slt, %min3A_1006, %sign3A_1012 : i32
    %sign3A_1014 = arith.extui %sign3A_1013 : i1 to i32
    %sign3A_1015 = arith.subi %sign3A_1011, %sign3A_1014 : i32
    %sign3A_1016 = arith.constant 0 : i32
    %sign3A_1017 = arith.cmpi sgt, %jit3A_1007, %sign3A_1016 : i32
    %sign3A_1018 = arith.extui %sign3A_1017 : i1 to i32
    %sign3A_1019 = arith.constant 0 : i32
    %sign3A_1020 = arith.cmpi slt, %jit3A_1007, %sign3A_1019 : i32
    %sign3A_1021 = arith.extui %sign3A_1020 : i1 to i32
    %sign3A_1022 = arith.subi %sign3A_1018, %sign3A_1021 : i32
    %ne3A_1023 = arith.cmpi ne, %sign3A_1015, %sign3A_1022 : i32
    %rem3A_1024 = arith.remsi %min3A_1006, %jit3A_1007 : i32
    %ne3A_1025 = arith.constant 0 : i32
    %ne3A_1026 = arith.cmpi ne, %rem3A_1024, %ne3A_1025 : i32
    %and3A_1027 = arith.andi %ne3A_1023, %ne3A_1026 : i1
    %sub3A_1028 = arith.constant 1 : i32
    %sub3A_1029 = arith.subi %div3A_1008, %sub3A_1028 : i32
    %select_n3A_1030 = arith.select %and3A_1027, %sub3A_1029, %div3A_1008 : i32
    %mul3A_1031 = arith.constant 37 : i32
    %mul3A_1032 = arith.muli %select_n3A_1030, %mul3A_1031 : i32
    %sub3A_1033 = arith.subi %min3A_1006, %mul3A_1032 : i32
    %dma_start3A_1034 = arith.constant 1 : i32
    %dma_start3A_1035 = arith.constant 0 : i32
    %dma_start3A_1036 = tpu.memref_slice %arg6[%dma_start3A_1034, %dma_start3A_1035] : memref<2x9232xi32, #tpu.memory_space<vmem>> -> memref<1x9232xi32, #tpu.memory_space<vmem>>
    %dma_start3A_1037 = tpu.memref_squeeze %dma_start3A_1036 : memref<1x9232xi32, #tpu.memory_space<vmem>> -> memref<9232xi32, #tpu.memory_space<vmem>>
    %dma_start3A_1038 = arith.constant 0 : i32
    %dma_start3A_1039 = tpu.memref_slice %arg3[%sub3A_1033, %dma_start3A_1038] : memref<37x9232xi32, #tpu.memory_space<hbm>> -> memref<1x9232xi32, #tpu.memory_space<hbm>>
    %dma_start3A_1040 = tpu.memref_squeeze %dma_start3A_1039 : memref<1x9232xi32, #tpu.memory_space<hbm>> -> memref<9232xi32, #tpu.memory_space<hbm>>
    %dma_start3A_1041 = arith.constant 0 : i32
    %dma_start3A_1042 = tpu.memref_slice %arg6[%dma_start3A_1034, %dma_start3A_1041] : memref<2x9232xi32, #tpu.memory_space<vmem>> -> memref<1x9232xi32, #tpu.memory_space<vmem>>
    %dma_start3A_1043 = tpu.memref_squeeze %dma_start3A_1042 : memref<1x9232xi32, #tpu.memory_space<vmem>> -> memref<9232xi32, #tpu.memory_space<vmem>>
    %dma_start3A_1044 = arith.constant 0 : i32
    %dma_start3A_1045 = tpu.memref_slice %arg3[%sub3A_1033, %dma_start3A_1044] : memref<37x9232xi32, #tpu.memory_space<hbm>> -> memref<1x9232xi32, #tpu.memory_space<hbm>>
    %dma_start3A_1046 = tpu.memref_squeeze %dma_start3A_1045 : memref<1x9232xi32, #tpu.memory_space<hbm>> -> memref<9232xi32, #tpu.memory_space<hbm>>
    tpu.enqueue_dma source(%dma_start3A_1046 : memref<9232xi32, #tpu.memory_space<hbm>>) target(%dma_start3A_1043 : memref<9232xi32, #tpu.memory_space<vmem>>) target_semaphore(%arg9 : memref<!tpu.dma_semaphore, #tpu.memory_space<semaphore_mem>>)
    %dma_wait3A_1047 = arith.constant 0 : i32
    %dma_wait3A_1048 = arith.constant 0 : i32
    %dma_wait3A_1049 = tpu.memref_slice %arg6[%dma_wait3A_1047, %dma_wait3A_1048] : memref<2x9232xi32, #tpu.memory_space<vmem>> -> memref<1x9232xi32, #tpu.memory_space<vmem>>
    %dma_wait3A_1050 = tpu.memref_squeeze %dma_wait3A_1049 : memref<1x9232xi32, #tpu.memory_space<vmem>> -> memref<9232xi32, #tpu.memory_space<vmem>>
    %dma_wait3A_1051 = arith.constant 0 : i32
    %dma_wait3A_1052 = tpu.memref_slice %arg3[%sub3A_914, %dma_wait3A_1051] : memref<37x9232xi32, #tpu.memory_space<hbm>> -> memref<1x9232xi32, #tpu.memory_space<hbm>>
    %dma_wait3A_1053 = tpu.memref_squeeze %dma_wait3A_1052 : memref<1x9232xi32, #tpu.memory_space<hbm>> -> memref<9232xi32, #tpu.memory_space<hbm>>
    %dma_wait3A_1054 = arith.constant 0 : i32
    %dma_wait3A_1055 = tpu.memref_slice %arg6[%dma_wait3A_1047, %dma_wait3A_1054] : memref<2x9232xi32, #tpu.memory_space<vmem>> -> memref<1x9232xi32, #tpu.memory_space<vmem>>
    %dma_wait3A_1056 = tpu.memref_squeeze %dma_wait3A_1055 : memref<1x9232xi32, #tpu.memory_space<vmem>> -> memref<9232xi32, #tpu.memory_space<vmem>>
    %dma_wait3A_1057 = arith.constant 0 : i32
    %dma_wait3A_1058 = tpu.memref_slice %arg3[%sub3A_914, %dma_wait3A_1057] : memref<37x9232xi32, #tpu.memory_space<hbm>> -> memref<1x9232xi32, #tpu.memory_space<hbm>>
    %dma_wait3A_1059 = tpu.memref_squeeze %dma_wait3A_1058 : memref<1x9232xi32, #tpu.memory_space<hbm>> -> memref<9232xi32, #tpu.memory_space<hbm>>
    tpu.wait_dma2 semaphore(%arg8 : memref<!tpu.dma_semaphore, #tpu.memory_space<semaphore_mem>>) src(%dma_wait3A_1059 : memref<9232xi32, #tpu.memory_space<hbm>>) dst(%dma_wait3A_1056 : memref<9232xi32, #tpu.memory_space<vmem>>)
    %mul3A_1060 = arith.constant 2212 : i32
    %mul3A_1061 = arith.muli %select_n3A_999, %mul3A_1060 : i32
    %parallel_loop3A_1062 = arith.constant 0 : i32
    %parallel_loop3A_1063 = arith.constant 577 : i32
    %parallel_loop3A_1064 = arith.constant 1 : i32
    scf.for %parallel_loop3A_1655 = %parallel_loop3A_1062 to %parallel_loop3A_1063 step %parallel_loop3A_1064  : i32 {
      %parallel_loop3A_1656 = arith.constant 16 : i32
      %parallel_loop3A_1657 = arith.muli %parallel_loop3A_1655, %parallel_loop3A_1656 : i32
      %parallel_loop3A_1658 = arith.constant 0 : i32
      %parallel_loop3A_1659 = arith.index_cast %parallel_loop3A_1658 : i32 to index
      %parallel_loop3A_1660 = arith.index_cast %parallel_loop3A_1657 : i32 to index
      %parallel_loop3A_1661 = tpu.vector_load %arg6[%parallel_loop3A_1659, %parallel_loop3A_1660] {strides = array<i32>} : memref<2x9232xi32, #tpu.memory_space<vmem>>, vector<16xi32>,
      %parallel_loop3A_1662 = vector.broadcast %mul3A_1061 : i32 to vector<16xi32>
      %parallel_loop3A_1663 = arith.addi %parallel_loop3A_1661, %parallel_loop3A_1662 : vector<16xi32>
      %parallel_loop3A_1664 = tpu.vector_load_idx %arg5[%parallel_loop3A_1663] : memref<26544xf32, #tpu.memory_space<vmem>>[vector<16xi32>], vector<16xf32>,
      %parallel_loop3A_1665 = arith.constant 16 : i32
      %parallel_loop3A_1666 = arith.muli %parallel_loop3A_1655, %parallel_loop3A_1665 : i32
      %parallel_loop3A_1667 = arith.constant 0 : i32
      %parallel_loop3A_1668 = arith.index_cast %parallel_loop3A_1667 : i32 to index
      %parallel_loop3A_1669 = arith.index_cast %parallel_loop3A_1666 : i32 to index
      %parallel_loop3A_1670 = tpu.vector_load %arg7[%parallel_loop3A_1668, %parallel_loop3A_1669] {strides = array<i32>} : memref<2x9232xf32, #tpu.memory_space<vmem>>, vector<16xf32>,
      tpu.vector_store %arg7[%parallel_loop3A_1668, %parallel_loop3A_1669], %parallel_loop3A_1664 {strides = array<i32>} : memref<2x9232xf32, #tpu.memory_space<vmem>>, vector<16xf32>,
    } {sc.loop_unroll_factor = 8 : i64, sc.parallel_access}
    %dma_wait3A_1065 = arith.constant 1 : i32
    %dma_wait3A_1066 = arith.constant 0 : i32
    %dma_wait3A_1067 = tpu.memref_slice %arg7[%dma_wait3A_1065, %dma_wait3A_1066] : memref<2x9232xf32, #tpu.memory_space<vmem>> -> memref<1x9232xf32, #tpu.memory_space<vmem>>
    %dma_wait3A_1068 = tpu.memref_squeeze %dma_wait3A_1067 : memref<1x9232xf32, #tpu.memory_space<vmem>> -> memref<9232xf32, #tpu.memory_space<vmem>>
    %dma_wait3A_1069 = arith.constant 0 : i32
    %dma_wait3A_1070 = tpu.memref_slice %arg4[%select_n3A_880, %sub3A_883, %dma_wait3A_1069] : memref<12x37x9232xf32, #tpu.memory_space<hbm>> -> memref<1x1x9232xf32, #tpu.memory_space<hbm>>
    %dma_wait3A_1071 = tpu.memref_squeeze %dma_wait3A_1070 : memref<1x1x9232xf32, #tpu.memory_space<hbm>> -> memref<9232xf32, #tpu.memory_space<hbm>>
    %dma_wait3A_1072 = arith.constant 0 : i32
    %dma_wait3A_1073 = tpu.memref_slice %arg4[%select_n3A_880, %sub3A_883, %dma_wait3A_1072] : memref<12x37x9232xf32, #tpu.memory_space<hbm>> -> memref<1x1x9232xf32, #tpu.memory_space<hbm>>
    %dma_wait3A_1074 = tpu.memref_squeeze %dma_wait3A_1073 : memref<1x1x9232xf32, #tpu.memory_space<hbm>> -> memref<9232xf32, #tpu.memory_space<hbm>>
    %dma_wait3A_1075 = arith.constant 0 : i32
    %dma_wait3A_1076 = tpu.memref_slice %arg7[%dma_wait3A_1065, %dma_wait3A_1075] : memref<2x9232xf32, #tpu.memory_space<vmem>> -> memref<1x9232xf32, #tpu.memory_space<vmem>>
    %dma_wait3A_1077 = tpu.memref_squeeze %dma_wait3A_1076 : memref<1x9232xf32, #tpu.memory_space<vmem>> -> memref<9232xf32, #tpu.memory_space<vmem>>
    tpu.wait_dma2 semaphore(%arg11 : memref<!tpu.dma_semaphore, #tpu.memory_space<semaphore_mem>>) src(%dma_wait3A_1077 : memref<9232xf32, #tpu.memory_space<vmem>>) dst(%dma_wait3A_1074 : memref<9232xf32, #tpu.memory_space<hbm>>)
    %dma_start3A_1078 = arith.constant 0 : i32
    %dma_start3A_1079 = arith.constant 0 : i32
    %dma_start3A_1080 = tpu.memref_slice %arg7[%dma_start3A_1078, %dma_start3A_1079] : memref<2x9232xf32, #tpu.memory_space<vmem>> -> memref<1x9232xf32, #tpu.memory_space<vmem>>
    %dma_start3A_1081 = tpu.memref_squeeze %dma_start3A_1080 : memref<1x9232xf32, #tpu.memory_space<vmem>> -> memref<9232xf32, #tpu.memory_space<vmem>>
    %dma_start3A_1082 = arith.constant 0 : i32
    %dma_start3A_1083 = tpu.memref_slice %arg4[%select_n3A_999, %sub3A_1002, %dma_start3A_1082] : memref<12x37x9232xf32, #tpu.memory_space<hbm>> -> memref<1x1x9232xf32, #tpu.memory_space<hbm>>
    %dma_start3A_1084 = tpu.memref_squeeze %dma_start3A_1083 : memref<1x1x9232xf32, #tpu.memory_space<hbm>> -> memref<9232xf32, #tpu.memory_space<hbm>>
    %dma_start3A_1085 = arith.constant 0 : i32
    %dma_start3A_1086 = tpu.memref_slice %arg4[%select_n3A_999, %sub3A_1002, %dma_start3A_1085] : memref<12x37x9232xf32, #tpu.memory_space<hbm>> -> memref<1x1x9232xf32, #tpu.memory_space<hbm>>
    %dma_start3A_1087 = tpu.memref_squeeze %dma_start3A_1086 : memref<1x1x9232xf32, #tpu.memory_space<hbm>> -> memref<9232xf32, #tpu.memory_space<hbm>>
    %dma_start3A_1088 = arith.constant 0 : i32
    %dma_start3A_1089 = tpu.memref_slice %arg7[%dma_start3A_1078, %dma_start3A_1088] : memref<2x9232xf32, #tpu.memory_space<vmem>> -> memref<1x9232xf32, #tpu.memory_space<vmem>>
    %dma_start3A_1090 = tpu.memref_squeeze %dma_start3A_1089 : memref<1x9232xf32, #tpu.memory_space<vmem>> -> memref<9232xf32, #tpu.memory_space<vmem>>
    tpu.enqueue_dma source(%dma_start3A_1090 : memref<9232xf32, #tpu.memory_space<vmem>>) target(%dma_start3A_1087 : memref<9232xf32, #tpu.memory_space<hbm>>) target_semaphore(%arg10 : memref<!tpu.dma_semaphore, #tpu.memory_space<semaphore_mem>>)
    %add3A_1091 = arith.constant 288 : i32
    %add3A_1092 = arith.addi %add3A, %add3A_1091 : i32
    %min3A_1093 = arith.constant 443 : i32
    %min3A_1094 = arith.minsi %add3A_1092, %min3A_1093 : i32
    %jit3A_1095 = arith.constant 37 : i32
    %div3A_1096 = arith.divsi %min3A_1094, %jit3A_1095 : i32
    %sign3A_1097 = arith.constant 0 : i32
    %sign3A_1098 = arith.cmpi sgt, %min3A_1094, %sign3A_1097 : i32
    %sign3A_1099 = arith.extui %sign3A_1098 : i1 to i32
    %sign3A_1100 = arith.constant 0 : i32
    %sign3A_1101 = arith.cmpi slt, %min3A_1094, %sign3A_1100 : i32
    %sign3A_1102 = arith.extui %sign3A_1101 : i1 to i32
    %sign3A_1103 = arith.subi %sign3A_1099, %sign3A_1102 : i32
    %sign3A_1104 = arith.constant 0 : i32
    %sign3A_1105 = arith.cmpi sgt, %jit3A_1095, %sign3A_1104 : i32
    %sign3A_1106 = arith.extui %sign3A_1105 : i1 to i32
    %sign3A_1107 = arith.constant 0 : i32
    %sign3A_1108 = arith.cmpi slt, %jit3A_1095, %sign3A_1107 : i32
    %sign3A_1109 = arith.extui %sign3A_1108 : i1 to i32
    %sign3A_1110 = arith.subi %sign3A_1106, %sign3A_1109 : i32
    %ne3A_1111 = arith.cmpi ne, %sign3A_1103, %sign3A_1110 : i32
    %rem3A_1112 = arith.remsi %min3A_1094, %jit3A_1095 : i32
    %ne3A_1113 = arith.constant 0 : i32
    %ne3A_1114 = arith.cmpi ne, %rem3A_1112, %ne3A_1113 : i32
    %and3A_1115 = arith.andi %ne3A_1111, %ne3A_1114 : i1
    %sub3A_1116 = arith.constant 1 : i32
    %sub3A_1117 = arith.subi %div3A_1096, %sub3A_1116 : i32
    %select_n3A_1118 = arith.select %and3A_1115, %sub3A_1117, %div3A_1096 : i32
    %mul3A_1119 = arith.constant 37 : i32
    %mul3A_1120 = arith.muli %select_n3A_1118, %mul3A_1119 : i32
    %sub3A_1121 = arith.subi %min3A_1094, %mul3A_1120 : i32
    %add3A_1122 = arith.constant 320 : i32
    %add3A_1123 = arith.addi %add3A, %add3A_1122 : i32
    %min3A_1124 = arith.constant 443 : i32
    %min3A_1125 = arith.minsi %add3A_1123, %min3A_1124 : i32
    %jit3A_1126 = arith.constant 37 : i32
    %div3A_1127 = arith.divsi %min3A_1125, %jit3A_1126 : i32
    %sign3A_1128 = arith.constant 0 : i32
    %sign3A_1129 = arith.cmpi sgt, %min3A_1125, %sign3A_1128 : i32
    %sign3A_1130 = arith.extui %sign3A_1129 : i1 to i32
    %sign3A_1131 = arith.constant 0 : i32
    %sign3A_1132 = arith.cmpi slt, %min3A_1125, %sign3A_1131 : i32
    %sign3A_1133 = arith.extui %sign3A_1132 : i1 to i32
    %sign3A_1134 = arith.subi %sign3A_1130, %sign3A_1133 : i32
    %sign3A_1135 = arith.constant 0 : i32
    %sign3A_1136 = arith.cmpi sgt, %jit3A_1126, %sign3A_1135 : i32
    %sign3A_1137 = arith.extui %sign3A_1136 : i1 to i32
    %sign3A_1138 = arith.constant 0 : i32
    %sign3A_1139 = arith.cmpi slt, %jit3A_1126, %sign3A_1138 : i32
    %sign3A_1140 = arith.extui %sign3A_1139 : i1 to i32
    %sign3A_1141 = arith.subi %sign3A_1137, %sign3A_1140 : i32
    %ne3A_1142 = arith.cmpi ne, %sign3A_1134, %sign3A_1141 : i32
    %rem3A_1143 = arith.remsi %min3A_1125, %jit3A_1126 : i32
    %ne3A_1144 = arith.constant 0 : i32
    %ne3A_1145 = arith.cmpi ne, %rem3A_1143, %ne3A_1144 : i32
    %and3A_1146 = arith.andi %ne3A_1142, %ne3A_1145 : i1
    %sub3A_1147 = arith.constant 1 : i32
    %sub3A_1148 = arith.subi %div3A_1127, %sub3A_1147 : i32
    %select_n3A_1149 = arith.select %and3A_1146, %sub3A_1148, %div3A_1127 : i32
    %mul3A_1150 = arith.constant 37 : i32
    %mul3A_1151 = arith.muli %select_n3A_1149, %mul3A_1150 : i32
    %sub3A_1152 = arith.subi %min3A_1125, %mul3A_1151 : i32
    %dma_start3A_1153 = arith.constant 0 : i32
    %dma_start3A_1154 = arith.constant 0 : i32
    %dma_start3A_1155 = tpu.memref_slice %arg6[%dma_start3A_1153, %dma_start3A_1154] : memref<2x9232xi32, #tpu.memory_space<vmem>> -> memref<1x9232xi32, #tpu.memory_space<vmem>>
    %dma_start3A_1156 = tpu.memref_squeeze %dma_start3A_1155 : memref<1x9232xi32, #tpu.memory_space<vmem>> -> memref<9232xi32, #tpu.memory_space<vmem>>
    %dma_start3A_1157 = arith.constant 0 : i32
    %dma_start3A_1158 = tpu.memref_slice %arg3[%sub3A_1152, %dma_start3A_1157] : memref<37x9232xi32, #tpu.memory_space<hbm>> -> memref<1x9232xi32, #tpu.memory_space<hbm>>
    %dma_start3A_1159 = tpu.memref_squeeze %dma_start3A_1158 : memref<1x9232xi32, #tpu.memory_space<hbm>> -> memref<9232xi32, #tpu.memory_space<hbm>>
    %dma_start3A_1160 = arith.constant 0 : i32
    %dma_start3A_1161 = tpu.memref_slice %arg6[%dma_start3A_1153, %dma_start3A_1160] : memref<2x9232xi32, #tpu.memory_space<vmem>> -> memref<1x9232xi32, #tpu.memory_space<vmem>>
    %dma_start3A_1162 = tpu.memref_squeeze %dma_start3A_1161 : memref<1x9232xi32, #tpu.memory_space<vmem>> -> memref<9232xi32, #tpu.memory_space<vmem>>
    %dma_start3A_1163 = arith.constant 0 : i32
    %dma_start3A_1164 = tpu.memref_slice %arg3[%sub3A_1152, %dma_start3A_1163] : memref<37x9232xi32, #tpu.memory_space<hbm>> -> memref<1x9232xi32, #tpu.memory_space<hbm>>
    %dma_start3A_1165 = tpu.memref_squeeze %dma_start3A_1164 : memref<1x9232xi32, #tpu.memory_space<hbm>> -> memref<9232xi32, #tpu.memory_space<hbm>>
    tpu.enqueue_dma source(%dma_start3A_1165 : memref<9232xi32, #tpu.memory_space<hbm>>) target(%dma_start3A_1162 : memref<9232xi32, #tpu.memory_space<vmem>>) target_semaphore(%arg8 : memref<!tpu.dma_semaphore, #tpu.memory_space<semaphore_mem>>)
    %dma_wait3A_1166 = arith.constant 1 : i32
    %dma_wait3A_1167 = arith.constant 0 : i32
    %dma_wait3A_1168 = tpu.memref_slice %arg6[%dma_wait3A_1166, %dma_wait3A_1167] : memref<2x9232xi32, #tpu.memory_space<vmem>> -> memref<1x9232xi32, #tpu.memory_space<vmem>>
    %dma_wait3A_1169 = tpu.memref_squeeze %dma_wait3A_1168 : memref<1x9232xi32, #tpu.memory_space<vmem>> -> memref<9232xi32, #tpu.memory_space<vmem>>
    %dma_wait3A_1170 = arith.constant 0 : i32
    %dma_wait3A_1171 = tpu.memref_slice %arg3[%sub3A_1033, %dma_wait3A_1170] : memref<37x9232xi32, #tpu.memory_space<hbm>> -> memref<1x9232xi32, #tpu.memory_space<hbm>>
    %dma_wait3A_1172 = tpu.memref_squeeze %dma_wait3A_1171 : memref<1x9232xi32, #tpu.memory_space<hbm>> -> memref<9232xi32, #tpu.memory_space<hbm>>
    %dma_wait3A_1173 = arith.constant 0 : i32
    %dma_wait3A_1174 = tpu.memref_slice %arg6[%dma_wait3A_1166, %dma_wait3A_1173] : memref<2x9232xi32, #tpu.memory_space<vmem>> -> memref<1x9232xi32, #tpu.memory_space<vmem>>
    %dma_wait3A_1175 = tpu.memref_squeeze %dma_wait3A_1174 : memref<1x9232xi32, #tpu.memory_space<vmem>> -> memref<9232xi32, #tpu.memory_space<vmem>>
    %dma_wait3A_1176 = arith.constant 0 : i32
    %dma_wait3A_1177 = tpu.memref_slice %arg3[%sub3A_1033, %dma_wait3A_1176] : memref<37x9232xi32, #tpu.memory_space<hbm>> -> memref<1x9232xi32, #tpu.memory_space<hbm>>
    %dma_wait3A_1178 = tpu.memref_squeeze %dma_wait3A_1177 : memref<1x9232xi32, #tpu.memory_space<hbm>> -> memref<9232xi32, #tpu.memory_space<hbm>>
    tpu.wait_dma2 semaphore(%arg9 : memref<!tpu.dma_semaphore, #tpu.memory_space<semaphore_mem>>) src(%dma_wait3A_1178 : memref<9232xi32, #tpu.memory_space<hbm>>) dst(%dma_wait3A_1175 : memref<9232xi32, #tpu.memory_space<vmem>>)
    %mul3A_1179 = arith.constant 2212 : i32
    %mul3A_1180 = arith.muli %select_n3A_1118, %mul3A_1179 : i32
    %parallel_loop3A_1181 = arith.constant 0 : i32
    %parallel_loop3A_1182 = arith.constant 577 : i32
    %parallel_loop3A_1183 = arith.constant 1 : i32
    scf.for %parallel_loop3A_1655 = %parallel_loop3A_1181 to %parallel_loop3A_1182 step %parallel_loop3A_1183  : i32 {
      %parallel_loop3A_1656 = arith.constant 16 : i32
      %parallel_loop3A_1657 = arith.muli %parallel_loop3A_1655, %parallel_loop3A_1656 : i32
      %parallel_loop3A_1658 = arith.constant 1 : i32
      %parallel_loop3A_1659 = arith.index_cast %parallel_loop3A_1658 : i32 to index
      %parallel_loop3A_1660 = arith.index_cast %parallel_loop3A_1657 : i32 to index
      %parallel_loop3A_1661 = tpu.vector_load %arg6[%parallel_loop3A_1659, %parallel_loop3A_1660] {strides = array<i32>} : memref<2x9232xi32, #tpu.memory_space<vmem>>, vector<16xi32>,
      %parallel_loop3A_1662 = vector.broadcast %mul3A_1180 : i32 to vector<16xi32>
      %parallel_loop3A_1663 = arith.addi %parallel_loop3A_1661, %parallel_loop3A_1662 : vector<16xi32>
      %parallel_loop3A_1664 = tpu.vector_load_idx %arg5[%parallel_loop3A_1663] : memref<26544xf32, #tpu.memory_space<vmem>>[vector<16xi32>], vector<16xf32>,
      %parallel_loop3A_1665 = arith.constant 16 : i32
      %parallel_loop3A_1666 = arith.muli %parallel_loop3A_1655, %parallel_loop3A_1665 : i32
      %parallel_loop3A_1667 = arith.constant 1 : i32
      %parallel_loop3A_1668 = arith.index_cast %parallel_loop3A_1667 : i32 to index
      %parallel_loop3A_1669 = arith.index_cast %parallel_loop3A_1666 : i32 to index
      %parallel_loop3A_1670 = tpu.vector_load %arg7[%parallel_loop3A_1668, %parallel_loop3A_1669] {strides = array<i32>} : memref<2x9232xf32, #tpu.memory_space<vmem>>, vector<16xf32>,
      tpu.vector_store %arg7[%parallel_loop3A_1668, %parallel_loop3A_1669], %parallel_loop3A_1664 {strides = array<i32>} : memref<2x9232xf32, #tpu.memory_space<vmem>>, vector<16xf32>,
    } {sc.loop_unroll_factor = 8 : i64, sc.parallel_access}
    %dma_wait3A_1184 = arith.constant 0 : i32
    %dma_wait3A_1185 = arith.constant 0 : i32
    %dma_wait3A_1186 = tpu.memref_slice %arg7[%dma_wait3A_1184, %dma_wait3A_1185] : memref<2x9232xf32, #tpu.memory_space<vmem>> -> memref<1x9232xf32, #tpu.memory_space<vmem>>
    %dma_wait3A_1187 = tpu.memref_squeeze %dma_wait3A_1186 : memref<1x9232xf32, #tpu.memory_space<vmem>> -> memref<9232xf32, #tpu.memory_space<vmem>>
    %dma_wait3A_1188 = arith.constant 0 : i32
    %dma_wait3A_1189 = tpu.memref_slice %arg4[%select_n3A_999, %sub3A_1002, %dma_wait3A_1188] : memref<12x37x9232xf32, #tpu.memory_space<hbm>> -> memref<1x1x9232xf32, #tpu.memory_space<hbm>>
    %dma_wait3A_1190 = tpu.memref_squeeze %dma_wait3A_1189 : memref<1x1x9232xf32, #tpu.memory_space<hbm>> -> memref<9232xf32, #tpu.memory_space<hbm>>
    %dma_wait3A_1191 = arith.constant 0 : i32
    %dma_wait3A_1192 = tpu.memref_slice %arg4[%select_n3A_999, %sub3A_1002, %dma_wait3A_1191] : memref<12x37x9232xf32, #tpu.memory_space<hbm>> -> memref<1x1x9232xf32, #tpu.memory_space<hbm>>
    %dma_wait3A_1193 = tpu.memref_squeeze %dma_wait3A_1192 : memref<1x1x9232xf32, #tpu.memory_space<hbm>> -> memref<9232xf32, #tpu.memory_space<hbm>>
    %dma_wait3A_1194 = arith.constant 0 : i32
    %dma_wait3A_1195 = tpu.memref_slice %arg7[%dma_wait3A_1184, %dma_wait3A_1194] : memref<2x9232xf32, #tpu.memory_space<vmem>> -> memref<1x9232xf32, #tpu.memory_space<vmem>>
    %dma_wait3A_1196 = tpu.memref_squeeze %dma_wait3A_1195 : memref<1x9232xf32, #tpu.memory_space<vmem>> -> memref<9232xf32, #tpu.memory_space<vmem>>
    tpu.wait_dma2 semaphore(%arg10 : memref<!tpu.dma_semaphore, #tpu.memory_space<semaphore_mem>>) src(%dma_wait3A_1196 : memref<9232xf32, #tpu.memory_space<vmem>>) dst(%dma_wait3A_1193 : memref<9232xf32, #tpu.memory_space<hbm>>)
    %dma_start3A_1197 = arith.constant 1 : i32
    %dma_start3A_1198 = arith.constant 0 : i32
    %dma_start3A_1199 = tpu.memref_slice %arg7[%dma_start3A_1197, %dma_start3A_1198] : memref<2x9232xf32, #tpu.memory_space<vmem>> -> memref<1x9232xf32, #tpu.memory_space<vmem>>
    %dma_start3A_1200 = tpu.memref_squeeze %dma_start3A_1199 : memref<1x9232xf32, #tpu.memory_space<vmem>> -> memref<9232xf32, #tpu.memory_space<vmem>>
    %dma_start3A_1201 = arith.constant 0 : i32
    %dma_start3A_1202 = tpu.memref_slice %arg4[%select_n3A_1118, %sub3A_1121, %dma_start3A_1201] : memref<12x37x9232xf32, #tpu.memory_space<hbm>> -> memref<1x1x9232xf32, #tpu.memory_space<hbm>>
    %dma_start3A_1203 = tpu.memref_squeeze %dma_start3A_1202 : memref<1x1x9232xf32, #tpu.memory_space<hbm>> -> memref<9232xf32, #tpu.memory_space<hbm>>
    %dma_start3A_1204 = arith.constant 0 : i32
    %dma_start3A_1205 = tpu.memref_slice %arg4[%select_n3A_1118, %sub3A_1121, %dma_start3A_1204] : memref<12x37x9232xf32, #tpu.memory_space<hbm>> -> memref<1x1x9232xf32, #tpu.memory_space<hbm>>
    %dma_start3A_1206 = tpu.memref_squeeze %dma_start3A_1205 : memref<1x1x9232xf32, #tpu.memory_space<hbm>> -> memref<9232xf32, #tpu.memory_space<hbm>>
    %dma_start3A_1207 = arith.constant 0 : i32
    %dma_start3A_1208 = tpu.memref_slice %arg7[%dma_start3A_1197, %dma_start3A_1207] : memref<2x9232xf32, #tpu.memory_space<vmem>> -> memref<1x9232xf32, #tpu.memory_space<vmem>>
    %dma_start3A_1209 = tpu.memref_squeeze %dma_start3A_1208 : memref<1x9232xf32, #tpu.memory_space<vmem>> -> memref<9232xf32, #tpu.memory_space<vmem>>
    tpu.enqueue_dma source(%dma_start3A_1209 : memref<9232xf32, #tpu.memory_space<vmem>>) target(%dma_start3A_1206 : memref<9232xf32, #tpu.memory_space<hbm>>) target_semaphore(%arg11 : memref<!tpu.dma_semaphore, #tpu.memory_space<semaphore_mem>>)
    %add3A_1210 = arith.constant 320 : i32
    %add3A_1211 = arith.addi %add3A, %add3A_1210 : i32
    %min3A_1212 = arith.constant 443 : i32
    %min3A_1213 = arith.minsi %add3A_1211, %min3A_1212 : i32
    %jit3A_1214 = arith.constant 37 : i32
    %div3A_1215 = arith.divsi %min3A_1213, %jit3A_1214 : i32
    %sign3A_1216 = arith.constant 0 : i32
    %sign3A_1217 = arith.cmpi sgt, %min3A_1213, %sign3A_1216 : i32
    %sign3A_1218 = arith.extui %sign3A_1217 : i1 to i32
    %sign3A_1219 = arith.constant 0 : i32
    %sign3A_1220 = arith.cmpi slt, %min3A_1213, %sign3A_1219 : i32
    %sign3A_1221 = arith.extui %sign3A_1220 : i1 to i32
    %sign3A_1222 = arith.subi %sign3A_1218, %sign3A_1221 : i32
    %sign3A_1223 = arith.constant 0 : i32
    %sign3A_1224 = arith.cmpi sgt, %jit3A_1214, %sign3A_1223 : i32
    %sign3A_1225 = arith.extui %sign3A_1224 : i1 to i32
    %sign3A_1226 = arith.constant 0 : i32
    %sign3A_1227 = arith.cmpi slt, %jit3A_1214, %sign3A_1226 : i32
    %sign3A_1228 = arith.extui %sign3A_1227 : i1 to i32
    %sign3A_1229 = arith.subi %sign3A_1225, %sign3A_1228 : i32
    %ne3A_1230 = arith.cmpi ne, %sign3A_1222, %sign3A_1229 : i32
    %rem3A_1231 = arith.remsi %min3A_1213, %jit3A_1214 : i32
    %ne3A_1232 = arith.constant 0 : i32
    %ne3A_1233 = arith.cmpi ne, %rem3A_1231, %ne3A_1232 : i32
    %and3A_1234 = arith.andi %ne3A_1230, %ne3A_1233 : i1
    %sub3A_1235 = arith.constant 1 : i32
    %sub3A_1236 = arith.subi %div3A_1215, %sub3A_1235 : i32
    %select_n3A_1237 = arith.select %and3A_1234, %sub3A_1236, %div3A_1215 : i32
    %mul3A_1238 = arith.constant 37 : i32
    %mul3A_1239 = arith.muli %select_n3A_1237, %mul3A_1238 : i32
    %sub3A_1240 = arith.subi %min3A_1213, %mul3A_1239 : i32
    %add3A_1241 = arith.constant 352 : i32
    %add3A_1242 = arith.addi %add3A, %add3A_1241 : i32
    %min3A_1243 = arith.constant 443 : i32
    %min3A_1244 = arith.minsi %add3A_1242, %min3A_1243 : i32
    %jit3A_1245 = arith.constant 37 : i32
    %div3A_1246 = arith.divsi %min3A_1244, %jit3A_1245 : i32
    %sign3A_1247 = arith.constant 0 : i32
    %sign3A_1248 = arith.cmpi sgt, %min3A_1244, %sign3A_1247 : i32
    %sign3A_1249 = arith.extui %sign3A_1248 : i1 to i32
    %sign3A_1250 = arith.constant 0 : i32
    %sign3A_1251 = arith.cmpi slt, %min3A_1244, %sign3A_1250 : i32
    %sign3A_1252 = arith.extui %sign3A_1251 : i1 to i32
    %sign3A_1253 = arith.subi %sign3A_1249, %sign3A_1252 : i32
    %sign3A_1254 = arith.constant 0 : i32
    %sign3A_1255 = arith.cmpi sgt, %jit3A_1245, %sign3A_1254 : i32
    %sign3A_1256 = arith.extui %sign3A_1255 : i1 to i32
    %sign3A_1257 = arith.constant 0 : i32
    %sign3A_1258 = arith.cmpi slt, %jit3A_1245, %sign3A_1257 : i32
    %sign3A_1259 = arith.extui %sign3A_1258 : i1 to i32
    %sign3A_1260 = arith.subi %sign3A_1256, %sign3A_1259 : i32
    %ne3A_1261 = arith.cmpi ne, %sign3A_1253, %sign3A_1260 : i32
    %rem3A_1262 = arith.remsi %min3A_1244, %jit3A_1245 : i32
    %ne3A_1263 = arith.constant 0 : i32
    %ne3A_1264 = arith.cmpi ne, %rem3A_1262, %ne3A_1263 : i32
    %and3A_1265 = arith.andi %ne3A_1261, %ne3A_1264 : i1
    %sub3A_1266 = arith.constant 1 : i32
    %sub3A_1267 = arith.subi %div3A_1246, %sub3A_1266 : i32
    %select_n3A_1268 = arith.select %and3A_1265, %sub3A_1267, %div3A_1246 : i32
    %mul3A_1269 = arith.constant 37 : i32
    %mul3A_1270 = arith.muli %select_n3A_1268, %mul3A_1269 : i32
    %sub3A_1271 = arith.subi %min3A_1244, %mul3A_1270 : i32
    %dma_start3A_1272 = arith.constant 1 : i32
    %dma_start3A_1273 = arith.constant 0 : i32
    %dma_start3A_1274 = tpu.memref_slice %arg6[%dma_start3A_1272, %dma_start3A_1273] : memref<2x9232xi32, #tpu.memory_space<vmem>> -> memref<1x9232xi32, #tpu.memory_space<vmem>>
    %dma_start3A_1275 = tpu.memref_squeeze %dma_start3A_1274 : memref<1x9232xi32, #tpu.memory_space<vmem>> -> memref<9232xi32, #tpu.memory_space<vmem>>
    %dma_start3A_1276 = arith.constant 0 : i32
    %dma_start3A_1277 = tpu.memref_slice %arg3[%sub3A_1271, %dma_start3A_1276] : memref<37x9232xi32, #tpu.memory_space<hbm>> -> memref<1x9232xi32, #tpu.memory_space<hbm>>
    %dma_start3A_1278 = tpu.memref_squeeze %dma_start3A_1277 : memref<1x9232xi32, #tpu.memory_space<hbm>> -> memref<9232xi32, #tpu.memory_space<hbm>>
    %dma_start3A_1279 = arith.constant 0 : i32
    %dma_start3A_1280 = tpu.memref_slice %arg6[%dma_start3A_1272, %dma_start3A_1279] : memref<2x9232xi32, #tpu.memory_space<vmem>> -> memref<1x9232xi32, #tpu.memory_space<vmem>>
    %dma_start3A_1281 = tpu.memref_squeeze %dma_start3A_1280 : memref<1x9232xi32, #tpu.memory_space<vmem>> -> memref<9232xi32, #tpu.memory_space<vmem>>
    %dma_start3A_1282 = arith.constant 0 : i32
    %dma_start3A_1283 = tpu.memref_slice %arg3[%sub3A_1271, %dma_start3A_1282] : memref<37x9232xi32, #tpu.memory_space<hbm>> -> memref<1x9232xi32, #tpu.memory_space<hbm>>
    %dma_start3A_1284 = tpu.memref_squeeze %dma_start3A_1283 : memref<1x9232xi32, #tpu.memory_space<hbm>> -> memref<9232xi32, #tpu.memory_space<hbm>>
    tpu.enqueue_dma source(%dma_start3A_1284 : memref<9232xi32, #tpu.memory_space<hbm>>) target(%dma_start3A_1281 : memref<9232xi32, #tpu.memory_space<vmem>>) target_semaphore(%arg9 : memref<!tpu.dma_semaphore, #tpu.memory_space<semaphore_mem>>)
    %dma_wait3A_1285 = arith.constant 0 : i32
    %dma_wait3A_1286 = arith.constant 0 : i32
    %dma_wait3A_1287 = tpu.memref_slice %arg6[%dma_wait3A_1285, %dma_wait3A_1286] : memref<2x9232xi32, #tpu.memory_space<vmem>> -> memref<1x9232xi32, #tpu.memory_space<vmem>>
    %dma_wait3A_1288 = tpu.memref_squeeze %dma_wait3A_1287 : memref<1x9232xi32, #tpu.memory_space<vmem>> -> memref<9232xi32, #tpu.memory_space<vmem>>
    %dma_wait3A_1289 = arith.constant 0 : i32
    %dma_wait3A_1290 = tpu.memref_slice %arg3[%sub3A_1152, %dma_wait3A_1289] : memref<37x9232xi32, #tpu.memory_space<hbm>> -> memref<1x9232xi32, #tpu.memory_space<hbm>>
    %dma_wait3A_1291 = tpu.memref_squeeze %dma_wait3A_1290 : memref<1x9232xi32, #tpu.memory_space<hbm>> -> memref<9232xi32, #tpu.memory_space<hbm>>
    %dma_wait3A_1292 = arith.constant 0 : i32
    %dma_wait3A_1293 = tpu.memref_slice %arg6[%dma_wait3A_1285, %dma_wait3A_1292] : memref<2x9232xi32, #tpu.memory_space<vmem>> -> memref<1x9232xi32, #tpu.memory_space<vmem>>
    %dma_wait3A_1294 = tpu.memref_squeeze %dma_wait3A_1293 : memref<1x9232xi32, #tpu.memory_space<vmem>> -> memref<9232xi32, #tpu.memory_space<vmem>>
    %dma_wait3A_1295 = arith.constant 0 : i32
    %dma_wait3A_1296 = tpu.memref_slice %arg3[%sub3A_1152, %dma_wait3A_1295] : memref<37x9232xi32, #tpu.memory_space<hbm>> -> memref<1x9232xi32, #tpu.memory_space<hbm>>
    %dma_wait3A_1297 = tpu.memref_squeeze %dma_wait3A_1296 : memref<1x9232xi32, #tpu.memory_space<hbm>> -> memref<9232xi32, #tpu.memory_space<hbm>>
    tpu.wait_dma2 semaphore(%arg8 : memref<!tpu.dma_semaphore, #tpu.memory_space<semaphore_mem>>) src(%dma_wait3A_1297 : memref<9232xi32, #tpu.memory_space<hbm>>) dst(%dma_wait3A_1294 : memref<9232xi32, #tpu.memory_space<vmem>>)
    %mul3A_1298 = arith.constant 2212 : i32
    %mul3A_1299 = arith.muli %select_n3A_1237, %mul3A_1298 : i32
    %parallel_loop3A_1300 = arith.constant 0 : i32
    %parallel_loop3A_1301 = arith.constant 577 : i32
    %parallel_loop3A_1302 = arith.constant 1 : i32
    scf.for %parallel_loop3A_1655 = %parallel_loop3A_1300 to %parallel_loop3A_1301 step %parallel_loop3A_1302  : i32 {
      %parallel_loop3A_1656 = arith.constant 16 : i32
      %parallel_loop3A_1657 = arith.muli %parallel_loop3A_1655, %parallel_loop3A_1656 : i32
      %parallel_loop3A_1658 = arith.constant 0 : i32
      %parallel_loop3A_1659 = arith.index_cast %parallel_loop3A_1658 : i32 to index
      %parallel_loop3A_1660 = arith.index_cast %parallel_loop3A_1657 : i32 to index
      %parallel_loop3A_1661 = tpu.vector_load %arg6[%parallel_loop3A_1659, %parallel_loop3A_1660] {strides = array<i32>} : memref<2x9232xi32, #tpu.memory_space<vmem>>, vector<16xi32>,
      %parallel_loop3A_1662 = vector.broadcast %mul3A_1299 : i32 to vector<16xi32>
      %parallel_loop3A_1663 = arith.addi %parallel_loop3A_1661, %parallel_loop3A_1662 : vector<16xi32>
      %parallel_loop3A_1664 = tpu.vector_load_idx %arg5[%parallel_loop3A_1663] : memref<26544xf32, #tpu.memory_space<vmem>>[vector<16xi32>], vector<16xf32>,
      %parallel_loop3A_1665 = arith.constant 16 : i32
      %parallel_loop3A_1666 = arith.muli %parallel_loop3A_1655, %parallel_loop3A_1665 : i32
      %parallel_loop3A_1667 = arith.constant 0 : i32
      %parallel_loop3A_1668 = arith.index_cast %parallel_loop3A_1667 : i32 to index
      %parallel_loop3A_1669 = arith.index_cast %parallel_loop3A_1666 : i32 to index
      %parallel_loop3A_1670 = tpu.vector_load %arg7[%parallel_loop3A_1668, %parallel_loop3A_1669] {strides = array<i32>} : memref<2x9232xf32, #tpu.memory_space<vmem>>, vector<16xf32>,
      tpu.vector_store %arg7[%parallel_loop3A_1668, %parallel_loop3A_1669], %parallel_loop3A_1664 {strides = array<i32>} : memref<2x9232xf32, #tpu.memory_space<vmem>>, vector<16xf32>,
    } {sc.loop_unroll_factor = 8 : i64, sc.parallel_access}
    %dma_wait3A_1303 = arith.constant 1 : i32
    %dma_wait3A_1304 = arith.constant 0 : i32
    %dma_wait3A_1305 = tpu.memref_slice %arg7[%dma_wait3A_1303, %dma_wait3A_1304] : memref<2x9232xf32, #tpu.memory_space<vmem>> -> memref<1x9232xf32, #tpu.memory_space<vmem>>
    %dma_wait3A_1306 = tpu.memref_squeeze %dma_wait3A_1305 : memref<1x9232xf32, #tpu.memory_space<vmem>> -> memref<9232xf32, #tpu.memory_space<vmem>>
    %dma_wait3A_1307 = arith.constant 0 : i32
    %dma_wait3A_1308 = tpu.memref_slice %arg4[%select_n3A_1118, %sub3A_1121, %dma_wait3A_1307] : memref<12x37x9232xf32, #tpu.memory_space<hbm>> -> memref<1x1x9232xf32, #tpu.memory_space<hbm>>
    %dma_wait3A_1309 = tpu.memref_squeeze %dma_wait3A_1308 : memref<1x1x9232xf32, #tpu.memory_space<hbm>> -> memref<9232xf32, #tpu.memory_space<hbm>>
    %dma_wait3A_1310 = arith.constant 0 : i32
    %dma_wait3A_1311 = tpu.memref_slice %arg4[%select_n3A_1118, %sub3A_1121, %dma_wait3A_1310] : memref<12x37x9232xf32, #tpu.memory_space<hbm>> -> memref<1x1x9232xf32, #tpu.memory_space<hbm>>
    %dma_wait3A_1312 = tpu.memref_squeeze %dma_wait3A_1311 : memref<1x1x9232xf32, #tpu.memory_space<hbm>> -> memref<9232xf32, #tpu.memory_space<hbm>>
    %dma_wait3A_1313 = arith.constant 0 : i32
    %dma_wait3A_1314 = tpu.memref_slice %arg7[%dma_wait3A_1303, %dma_wait3A_1313] : memref<2x9232xf32, #tpu.memory_space<vmem>> -> memref<1x9232xf32, #tpu.memory_space<vmem>>
    %dma_wait3A_1315 = tpu.memref_squeeze %dma_wait3A_1314 : memref<1x9232xf32, #tpu.memory_space<vmem>> -> memref<9232xf32, #tpu.memory_space<vmem>>
    tpu.wait_dma2 semaphore(%arg11 : memref<!tpu.dma_semaphore, #tpu.memory_space<semaphore_mem>>) src(%dma_wait3A_1315 : memref<9232xf32, #tpu.memory_space<vmem>>) dst(%dma_wait3A_1312 : memref<9232xf32, #tpu.memory_space<hbm>>)
    %dma_start3A_1316 = arith.constant 0 : i32
    %dma_start3A_1317 = arith.constant 0 : i32
    %dma_start3A_1318 = tpu.memref_slice %arg7[%dma_start3A_1316, %dma_start3A_1317] : memref<2x9232xf32, #tpu.memory_space<vmem>> -> memref<1x9232xf32, #tpu.memory_space<vmem>>
    %dma_start3A_1319 = tpu.memref_squeeze %dma_start3A_1318 : memref<1x9232xf32, #tpu.memory_space<vmem>> -> memref<9232xf32, #tpu.memory_space<vmem>>
    %dma_start3A_1320 = arith.constant 0 : i32
    %dma_start3A_1321 = tpu.memref_slice %arg4[%select_n3A_1237, %sub3A_1240, %dma_start3A_1320] : memref<12x37x9232xf32, #tpu.memory_space<hbm>> -> memref<1x1x9232xf32, #tpu.memory_space<hbm>>
    %dma_start3A_1322 = tpu.memref_squeeze %dma_start3A_1321 : memref<1x1x9232xf32, #tpu.memory_space<hbm>> -> memref<9232xf32, #tpu.memory_space<hbm>>
    %dma_start3A_1323 = arith.constant 0 : i32
    %dma_start3A_1324 = tpu.memref_slice %arg4[%select_n3A_1237, %sub3A_1240, %dma_start3A_1323] : memref<12x37x9232xf32, #tpu.memory_space<hbm>> -> memref<1x1x9232xf32, #tpu.memory_space<hbm>>
    %dma_start3A_1325 = tpu.memref_squeeze %dma_start3A_1324 : memref<1x1x9232xf32, #tpu.memory_space<hbm>> -> memref<9232xf32, #tpu.memory_space<hbm>>
    %dma_start3A_1326 = arith.constant 0 : i32
    %dma_start3A_1327 = tpu.memref_slice %arg7[%dma_start3A_1316, %dma_start3A_1326] : memref<2x9232xf32, #tpu.memory_space<vmem>> -> memref<1x9232xf32, #tpu.memory_space<vmem>>
    %dma_start3A_1328 = tpu.memref_squeeze %dma_start3A_1327 : memref<1x9232xf32, #tpu.memory_space<vmem>> -> memref<9232xf32, #tpu.memory_space<vmem>>
    tpu.enqueue_dma source(%dma_start3A_1328 : memref<9232xf32, #tpu.memory_space<vmem>>) target(%dma_start3A_1325 : memref<9232xf32, #tpu.memory_space<hbm>>) target_semaphore(%arg10 : memref<!tpu.dma_semaphore, #tpu.memory_space<semaphore_mem>>)
    %add3A_1329 = arith.constant 352 : i32
    %add3A_1330 = arith.addi %add3A, %add3A_1329 : i32
    %min3A_1331 = arith.constant 443 : i32
    %min3A_1332 = arith.minsi %add3A_1330, %min3A_1331 : i32
    %jit3A_1333 = arith.constant 37 : i32
    %div3A_1334 = arith.divsi %min3A_1332, %jit3A_1333 : i32
    %sign3A_1335 = arith.constant 0 : i32
    %sign3A_1336 = arith.cmpi sgt, %min3A_1332, %sign3A_1335 : i32
    %sign3A_1337 = arith.extui %sign3A_1336 : i1 to i32
    %sign3A_1338 = arith.constant 0 : i32
    %sign3A_1339 = arith.cmpi slt, %min3A_1332, %sign3A_1338 : i32
    %sign3A_1340 = arith.extui %sign3A_1339 : i1 to i32
    %sign3A_1341 = arith.subi %sign3A_1337, %sign3A_1340 : i32
    %sign3A_1342 = arith.constant 0 : i32
    %sign3A_1343 = arith.cmpi sgt, %jit3A_1333, %sign3A_1342 : i32
    %sign3A_1344 = arith.extui %sign3A_1343 : i1 to i32
    %sign3A_1345 = arith.constant 0 : i32
    %sign3A_1346 = arith.cmpi slt, %jit3A_1333, %sign3A_1345 : i32
    %sign3A_1347 = arith.extui %sign3A_1346 : i1 to i32
    %sign3A_1348 = arith.subi %sign3A_1344, %sign3A_1347 : i32
    %ne3A_1349 = arith.cmpi ne, %sign3A_1341, %sign3A_1348 : i32
    %rem3A_1350 = arith.remsi %min3A_1332, %jit3A_1333 : i32
    %ne3A_1351 = arith.constant 0 : i32
    %ne3A_1352 = arith.cmpi ne, %rem3A_1350, %ne3A_1351 : i32
    %and3A_1353 = arith.andi %ne3A_1349, %ne3A_1352 : i1
    %sub3A_1354 = arith.constant 1 : i32
    %sub3A_1355 = arith.subi %div3A_1334, %sub3A_1354 : i32
    %select_n3A_1356 = arith.select %and3A_1353, %sub3A_1355, %div3A_1334 : i32
    %mul3A_1357 = arith.constant 37 : i32
    %mul3A_1358 = arith.muli %select_n3A_1356, %mul3A_1357 : i32
    %sub3A_1359 = arith.subi %min3A_1332, %mul3A_1358 : i32
    %add3A_1360 = arith.constant 384 : i32
    %add3A_1361 = arith.addi %add3A, %add3A_1360 : i32
    %min3A_1362 = arith.constant 443 : i32
    %min3A_1363 = arith.minsi %add3A_1361, %min3A_1362 : i32
    %jit3A_1364 = arith.constant 37 : i32
    %div3A_1365 = arith.divsi %min3A_1363, %jit3A_1364 : i32
    %sign3A_1366 = arith.constant 0 : i32
    %sign3A_1367 = arith.cmpi sgt, %min3A_1363, %sign3A_1366 : i32
    %sign3A_1368 = arith.extui %sign3A_1367 : i1 to i32
    %sign3A_1369 = arith.constant 0 : i32
    %sign3A_1370 = arith.cmpi slt, %min3A_1363, %sign3A_1369 : i32
    %sign3A_1371 = arith.extui %sign3A_1370 : i1 to i32
    %sign3A_1372 = arith.subi %sign3A_1368, %sign3A_1371 : i32
    %sign3A_1373 = arith.constant 0 : i32
    %sign3A_1374 = arith.cmpi sgt, %jit3A_1364, %sign3A_1373 : i32
    %sign3A_1375 = arith.extui %sign3A_1374 : i1 to i32
    %sign3A_1376 = arith.constant 0 : i32
    %sign3A_1377 = arith.cmpi slt, %jit3A_1364, %sign3A_1376 : i32
    %sign3A_1378 = arith.extui %sign3A_1377 : i1 to i32
    %sign3A_1379 = arith.subi %sign3A_1375, %sign3A_1378 : i32
    %ne3A_1380 = arith.cmpi ne, %sign3A_1372, %sign3A_1379 : i32
    %rem3A_1381 = arith.remsi %min3A_1363, %jit3A_1364 : i32
    %ne3A_1382 = arith.constant 0 : i32
    %ne3A_1383 = arith.cmpi ne, %rem3A_1381, %ne3A_1382 : i32
    %and3A_1384 = arith.andi %ne3A_1380, %ne3A_1383 : i1
    %sub3A_1385 = arith.constant 1 : i32
    %sub3A_1386 = arith.subi %div3A_1365, %sub3A_1385 : i32
    %select_n3A_1387 = arith.select %and3A_1384, %sub3A_1386, %div3A_1365 : i32
    %mul3A_1388 = arith.constant 37 : i32
    %mul3A_1389 = arith.muli %select_n3A_1387, %mul3A_1388 : i32
    %sub3A_1390 = arith.subi %min3A_1363, %mul3A_1389 : i32
    %dma_start3A_1391 = arith.constant 0 : i32
    %dma_start3A_1392 = arith.constant 0 : i32
    %dma_start3A_1393 = tpu.memref_slice %arg6[%dma_start3A_1391, %dma_start3A_1392] : memref<2x9232xi32, #tpu.memory_space<vmem>> -> memref<1x9232xi32, #tpu.memory_space<vmem>>
    %dma_start3A_1394 = tpu.memref_squeeze %dma_start3A_1393 : memref<1x9232xi32, #tpu.memory_space<vmem>> -> memref<9232xi32, #tpu.memory_space<vmem>>
    %dma_start3A_1395 = arith.constant 0 : i32
    %dma_start3A_1396 = tpu.memref_slice %arg3[%sub3A_1390, %dma_start3A_1395] : memref<37x9232xi32, #tpu.memory_space<hbm>> -> memref<1x9232xi32, #tpu.memory_space<hbm>>
    %dma_start3A_1397 = tpu.memref_squeeze %dma_start3A_1396 : memref<1x9232xi32, #tpu.memory_space<hbm>> -> memref<9232xi32, #tpu.memory_space<hbm>>
    %dma_start3A_1398 = arith.constant 0 : i32
    %dma_start3A_1399 = tpu.memref_slice %arg6[%dma_start3A_1391, %dma_start3A_1398] : memref<2x9232xi32, #tpu.memory_space<vmem>> -> memref<1x9232xi32, #tpu.memory_space<vmem>>
    %dma_start3A_1400 = tpu.memref_squeeze %dma_start3A_1399 : memref<1x9232xi32, #tpu.memory_space<vmem>> -> memref<9232xi32, #tpu.memory_space<vmem>>
    %dma_start3A_1401 = arith.constant 0 : i32
    %dma_start3A_1402 = tpu.memref_slice %arg3[%sub3A_1390, %dma_start3A_1401] : memref<37x9232xi32, #tpu.memory_space<hbm>> -> memref<1x9232xi32, #tpu.memory_space<hbm>>
    %dma_start3A_1403 = tpu.memref_squeeze %dma_start3A_1402 : memref<1x9232xi32, #tpu.memory_space<hbm>> -> memref<9232xi32, #tpu.memory_space<hbm>>
    tpu.enqueue_dma source(%dma_start3A_1403 : memref<9232xi32, #tpu.memory_space<hbm>>) target(%dma_start3A_1400 : memref<9232xi32, #tpu.memory_space<vmem>>) target_semaphore(%arg8 : memref<!tpu.dma_semaphore, #tpu.memory_space<semaphore_mem>>)
    %dma_wait3A_1404 = arith.constant 1 : i32
    %dma_wait3A_1405 = arith.constant 0 : i32
    %dma_wait3A_1406 = tpu.memref_slice %arg6[%dma_wait3A_1404, %dma_wait3A_1405] : memref<2x9232xi32, #tpu.memory_space<vmem>> -> memref<1x9232xi32, #tpu.memory_space<vmem>>
    %dma_wait3A_1407 = tpu.memref_squeeze %dma_wait3A_1406 : memref<1x9232xi32, #tpu.memory_space<vmem>> -> memref<9232xi32, #tpu.memory_space<vmem>>
    %dma_wait3A_1408 = arith.constant 0 : i32
    %dma_wait3A_1409 = tpu.memref_slice %arg3[%sub3A_1271, %dma_wait3A_1408] : memref<37x9232xi32, #tpu.memory_space<hbm>> -> memref<1x9232xi32, #tpu.memory_space<hbm>>
    %dma_wait3A_1410 = tpu.memref_squeeze %dma_wait3A_1409 : memref<1x9232xi32, #tpu.memory_space<hbm>> -> memref<9232xi32, #tpu.memory_space<hbm>>
    %dma_wait3A_1411 = arith.constant 0 : i32
    %dma_wait3A_1412 = tpu.memref_slice %arg6[%dma_wait3A_1404, %dma_wait3A_1411] : memref<2x9232xi32, #tpu.memory_space<vmem>> -> memref<1x9232xi32, #tpu.memory_space<vmem>>
    %dma_wait3A_1413 = tpu.memref_squeeze %dma_wait3A_1412 : memref<1x9232xi32, #tpu.memory_space<vmem>> -> memref<9232xi32, #tpu.memory_space<vmem>>
    %dma_wait3A_1414 = arith.constant 0 : i32
    %dma_wait3A_1415 = tpu.memref_slice %arg3[%sub3A_1271, %dma_wait3A_1414] : memref<37x9232xi32, #tpu.memory_space<hbm>> -> memref<1x9232xi32, #tpu.memory_space<hbm>>
    %dma_wait3A_1416 = tpu.memref_squeeze %dma_wait3A_1415 : memref<1x9232xi32, #tpu.memory_space<hbm>> -> memref<9232xi32, #tpu.memory_space<hbm>>
    tpu.wait_dma2 semaphore(%arg9 : memref<!tpu.dma_semaphore, #tpu.memory_space<semaphore_mem>>) src(%dma_wait3A_1416 : memref<9232xi32, #tpu.memory_space<hbm>>) dst(%dma_wait3A_1413 : memref<9232xi32, #tpu.memory_space<vmem>>)
    %mul3A_1417 = arith.constant 2212 : i32
    %mul3A_1418 = arith.muli %select_n3A_1356, %mul3A_1417 : i32
    %parallel_loop3A_1419 = arith.constant 0 : i32
    %parallel_loop3A_1420 = arith.constant 577 : i32
    %parallel_loop3A_1421 = arith.constant 1 : i32
    scf.for %parallel_loop3A_1655 = %parallel_loop3A_1419 to %parallel_loop3A_1420 step %parallel_loop3A_1421  : i32 {
      %parallel_loop3A_1656 = arith.constant 16 : i32
      %parallel_loop3A_1657 = arith.muli %parallel_loop3A_1655, %parallel_loop3A_1656 : i32
      %parallel_loop3A_1658 = arith.constant 1 : i32
      %parallel_loop3A_1659 = arith.index_cast %parallel_loop3A_1658 : i32 to index
      %parallel_loop3A_1660 = arith.index_cast %parallel_loop3A_1657 : i32 to index
      %parallel_loop3A_1661 = tpu.vector_load %arg6[%parallel_loop3A_1659, %parallel_loop3A_1660] {strides = array<i32>} : memref<2x9232xi32, #tpu.memory_space<vmem>>, vector<16xi32>,
      %parallel_loop3A_1662 = vector.broadcast %mul3A_1418 : i32 to vector<16xi32>
      %parallel_loop3A_1663 = arith.addi %parallel_loop3A_1661, %parallel_loop3A_1662 : vector<16xi32>
      %parallel_loop3A_1664 = tpu.vector_load_idx %arg5[%parallel_loop3A_1663] : memref<26544xf32, #tpu.memory_space<vmem>>[vector<16xi32>], vector<16xf32>,
      %parallel_loop3A_1665 = arith.constant 16 : i32
      %parallel_loop3A_1666 = arith.muli %parallel_loop3A_1655, %parallel_loop3A_1665 : i32
      %parallel_loop3A_1667 = arith.constant 1 : i32
      %parallel_loop3A_1668 = arith.index_cast %parallel_loop3A_1667 : i32 to index
      %parallel_loop3A_1669 = arith.index_cast %parallel_loop3A_1666 : i32 to index
      %parallel_loop3A_1670 = tpu.vector_load %arg7[%parallel_loop3A_1668, %parallel_loop3A_1669] {strides = array<i32>} : memref<2x9232xf32, #tpu.memory_space<vmem>>, vector<16xf32>,
      tpu.vector_store %arg7[%parallel_loop3A_1668, %parallel_loop3A_1669], %parallel_loop3A_1664 {strides = array<i32>} : memref<2x9232xf32, #tpu.memory_space<vmem>>, vector<16xf32>,
    } {sc.loop_unroll_factor = 8 : i64, sc.parallel_access}
    %dma_wait3A_1422 = arith.constant 0 : i32
    %dma_wait3A_1423 = arith.constant 0 : i32
    %dma_wait3A_1424 = tpu.memref_slice %arg7[%dma_wait3A_1422, %dma_wait3A_1423] : memref<2x9232xf32, #tpu.memory_space<vmem>> -> memref<1x9232xf32, #tpu.memory_space<vmem>>
    %dma_wait3A_1425 = tpu.memref_squeeze %dma_wait3A_1424 : memref<1x9232xf32, #tpu.memory_space<vmem>> -> memref<9232xf32, #tpu.memory_space<vmem>>
    %dma_wait3A_1426 = arith.constant 0 : i32
    %dma_wait3A_1427 = tpu.memref_slice %arg4[%select_n3A_1237, %sub3A_1240, %dma_wait3A_1426] : memref<12x37x9232xf32, #tpu.memory_space<hbm>> -> memref<1x1x9232xf32, #tpu.memory_space<hbm>>
    %dma_wait3A_1428 = tpu.memref_squeeze %dma_wait3A_1427 : memref<1x1x9232xf32, #tpu.memory_space<hbm>> -> memref<9232xf32, #tpu.memory_space<hbm>>
    %dma_wait3A_1429 = arith.constant 0 : i32
    %dma_wait3A_1430 = tpu.memref_slice %arg4[%select_n3A_1237, %sub3A_1240, %dma_wait3A_1429] : memref<12x37x9232xf32, #tpu.memory_space<hbm>> -> memref<1x1x9232xf32, #tpu.memory_space<hbm>>
    %dma_wait3A_1431 = tpu.memref_squeeze %dma_wait3A_1430 : memref<1x1x9232xf32, #tpu.memory_space<hbm>> -> memref<9232xf32, #tpu.memory_space<hbm>>
    %dma_wait3A_1432 = arith.constant 0 : i32
    %dma_wait3A_1433 = tpu.memref_slice %arg7[%dma_wait3A_1422, %dma_wait3A_1432] : memref<2x9232xf32, #tpu.memory_space<vmem>> -> memref<1x9232xf32, #tpu.memory_space<vmem>>
    %dma_wait3A_1434 = tpu.memref_squeeze %dma_wait3A_1433 : memref<1x9232xf32, #tpu.memory_space<vmem>> -> memref<9232xf32, #tpu.memory_space<vmem>>
    tpu.wait_dma2 semaphore(%arg10 : memref<!tpu.dma_semaphore, #tpu.memory_space<semaphore_mem>>) src(%dma_wait3A_1434 : memref<9232xf32, #tpu.memory_space<vmem>>) dst(%dma_wait3A_1431 : memref<9232xf32, #tpu.memory_space<hbm>>)
    %dma_start3A_1435 = arith.constant 1 : i32
    %dma_start3A_1436 = arith.constant 0 : i32
    %dma_start3A_1437 = tpu.memref_slice %arg7[%dma_start3A_1435, %dma_start3A_1436] : memref<2x9232xf32, #tpu.memory_space<vmem>> -> memref<1x9232xf32, #tpu.memory_space<vmem>>
    %dma_start3A_1438 = tpu.memref_squeeze %dma_start3A_1437 : memref<1x9232xf32, #tpu.memory_space<vmem>> -> memref<9232xf32, #tpu.memory_space<vmem>>
    %dma_start3A_1439 = arith.constant 0 : i32
    %dma_start3A_1440 = tpu.memref_slice %arg4[%select_n3A_1356, %sub3A_1359, %dma_start3A_1439] : memref<12x37x9232xf32, #tpu.memory_space<hbm>> -> memref<1x1x9232xf32, #tpu.memory_space<hbm>>
    %dma_start3A_1441 = tpu.memref_squeeze %dma_start3A_1440 : memref<1x1x9232xf32, #tpu.memory_space<hbm>> -> memref<9232xf32, #tpu.memory_space<hbm>>
    %dma_start3A_1442 = arith.constant 0 : i32
    %dma_start3A_1443 = tpu.memref_slice %arg4[%select_n3A_1356, %sub3A_1359, %dma_start3A_1442] : memref<12x37x9232xf32, #tpu.memory_space<hbm>> -> memref<1x1x9232xf32, #tpu.memory_space<hbm>>
    %dma_start3A_1444 = tpu.memref_squeeze %dma_start3A_1443 : memref<1x1x9232xf32, #tpu.memory_space<hbm>> -> memref<9232xf32, #tpu.memory_space<hbm>>
    %dma_start3A_1445 = arith.constant 0 : i32
    %dma_start3A_1446 = tpu.memref_slice %arg7[%dma_start3A_1435, %dma_start3A_1445] : memref<2x9232xf32, #tpu.memory_space<vmem>> -> memref<1x9232xf32, #tpu.memory_space<vmem>>
    %dma_start3A_1447 = tpu.memref_squeeze %dma_start3A_1446 : memref<1x9232xf32, #tpu.memory_space<vmem>> -> memref<9232xf32, #tpu.memory_space<vmem>>
    tpu.enqueue_dma source(%dma_start3A_1447 : memref<9232xf32, #tpu.memory_space<vmem>>) target(%dma_start3A_1444 : memref<9232xf32, #tpu.memory_space<hbm>>) target_semaphore(%arg11 : memref<!tpu.dma_semaphore, #tpu.memory_space<semaphore_mem>>)
    %add3A_1448 = arith.constant 384 : i32
    %add3A_1449 = arith.addi %add3A, %add3A_1448 : i32
    %min3A_1450 = arith.constant 443 : i32
    %min3A_1451 = arith.minsi %add3A_1449, %min3A_1450 : i32
    %jit3A_1452 = arith.constant 37 : i32
    %div3A_1453 = arith.divsi %min3A_1451, %jit3A_1452 : i32
    %sign3A_1454 = arith.constant 0 : i32
    %sign3A_1455 = arith.cmpi sgt, %min3A_1451, %sign3A_1454 : i32
    %sign3A_1456 = arith.extui %sign3A_1455 : i1 to i32
    %sign3A_1457 = arith.constant 0 : i32
    %sign3A_1458 = arith.cmpi slt, %min3A_1451, %sign3A_1457 : i32
    %sign3A_1459 = arith.extui %sign3A_1458 : i1 to i32
    %sign3A_1460 = arith.subi %sign3A_1456, %sign3A_1459 : i32
    %sign3A_1461 = arith.constant 0 : i32
    %sign3A_1462 = arith.cmpi sgt, %jit3A_1452, %sign3A_1461 : i32
    %sign3A_1463 = arith.extui %sign3A_1462 : i1 to i32
    %sign3A_1464 = arith.constant 0 : i32
    %sign3A_1465 = arith.cmpi slt, %jit3A_1452, %sign3A_1464 : i32
    %sign3A_1466 = arith.extui %sign3A_1465 : i1 to i32
    %sign3A_1467 = arith.subi %sign3A_1463, %sign3A_1466 : i32
    %ne3A_1468 = arith.cmpi ne, %sign3A_1460, %sign3A_1467 : i32
    %rem3A_1469 = arith.remsi %min3A_1451, %jit3A_1452 : i32
    %ne3A_1470 = arith.constant 0 : i32
    %ne3A_1471 = arith.cmpi ne, %rem3A_1469, %ne3A_1470 : i32
    %and3A_1472 = arith.andi %ne3A_1468, %ne3A_1471 : i1
    %sub3A_1473 = arith.constant 1 : i32
    %sub3A_1474 = arith.subi %div3A_1453, %sub3A_1473 : i32
    %select_n3A_1475 = arith.select %and3A_1472, %sub3A_1474, %div3A_1453 : i32
    %mul3A_1476 = arith.constant 37 : i32
    %mul3A_1477 = arith.muli %select_n3A_1475, %mul3A_1476 : i32
    %sub3A_1478 = arith.subi %min3A_1451, %mul3A_1477 : i32
    %add3A_1479 = arith.constant 416 : i32
    %add3A_1480 = arith.addi %add3A, %add3A_1479 : i32
    %min3A_1481 = arith.constant 443 : i32
    %min3A_1482 = arith.minsi %add3A_1480, %min3A_1481 : i32
    %jit3A_1483 = arith.constant 37 : i32
    %div3A_1484 = arith.divsi %min3A_1482, %jit3A_1483 : i32
    %sign3A_1485 = arith.constant 0 : i32
    %sign3A_1486 = arith.cmpi sgt, %min3A_1482, %sign3A_1485 : i32
    %sign3A_1487 = arith.extui %sign3A_1486 : i1 to i32
    %sign3A_1488 = arith.constant 0 : i32
    %sign3A_1489 = arith.cmpi slt, %min3A_1482, %sign3A_1488 : i32
    %sign3A_1490 = arith.extui %sign3A_1489 : i1 to i32
    %sign3A_1491 = arith.subi %sign3A_1487, %sign3A_1490 : i32
    %sign3A_1492 = arith.constant 0 : i32
    %sign3A_1493 = arith.cmpi sgt, %jit3A_1483, %sign3A_1492 : i32
    %sign3A_1494 = arith.extui %sign3A_1493 : i1 to i32
    %sign3A_1495 = arith.constant 0 : i32
    %sign3A_1496 = arith.cmpi slt, %jit3A_1483, %sign3A_1495 : i32
    %sign3A_1497 = arith.extui %sign3A_1496 : i1 to i32
    %sign3A_1498 = arith.subi %sign3A_1494, %sign3A_1497 : i32
    %ne3A_1499 = arith.cmpi ne, %sign3A_1491, %sign3A_1498 : i32
    %rem3A_1500 = arith.remsi %min3A_1482, %jit3A_1483 : i32
    %ne3A_1501 = arith.constant 0 : i32
    %ne3A_1502 = arith.cmpi ne, %rem3A_1500, %ne3A_1501 : i32
    %and3A_1503 = arith.andi %ne3A_1499, %ne3A_1502 : i1
    %sub3A_1504 = arith.constant 1 : i32
    %sub3A_1505 = arith.subi %div3A_1484, %sub3A_1504 : i32
    %select_n3A_1506 = arith.select %and3A_1503, %sub3A_1505, %div3A_1484 : i32
    %mul3A_1507 = arith.constant 37 : i32
    %mul3A_1508 = arith.muli %select_n3A_1506, %mul3A_1507 : i32
    %sub3A_1509 = arith.subi %min3A_1482, %mul3A_1508 : i32
    %dma_start3A_1510 = arith.constant 1 : i32
    %dma_start3A_1511 = arith.constant 0 : i32
    %dma_start3A_1512 = tpu.memref_slice %arg6[%dma_start3A_1510, %dma_start3A_1511] : memref<2x9232xi32, #tpu.memory_space<vmem>> -> memref<1x9232xi32, #tpu.memory_space<vmem>>
    %dma_start3A_1513 = tpu.memref_squeeze %dma_start3A_1512 : memref<1x9232xi32, #tpu.memory_space<vmem>> -> memref<9232xi32, #tpu.memory_space<vmem>>
    %dma_start3A_1514 = arith.constant 0 : i32
    %dma_start3A_1515 = tpu.memref_slice %arg3[%sub3A_1509, %dma_start3A_1514] : memref<37x9232xi32, #tpu.memory_space<hbm>> -> memref<1x9232xi32, #tpu.memory_space<hbm>>
    %dma_start3A_1516 = tpu.memref_squeeze %dma_start3A_1515 : memref<1x9232xi32, #tpu.memory_space<hbm>> -> memref<9232xi32, #tpu.memory_space<hbm>>
    %dma_start3A_1517 = arith.constant 0 : i32
    %dma_start3A_1518 = tpu.memref_slice %arg6[%dma_start3A_1510, %dma_start3A_1517] : memref<2x9232xi32, #tpu.memory_space<vmem>> -> memref<1x9232xi32, #tpu.memory_space<vmem>>
    %dma_start3A_1519 = tpu.memref_squeeze %dma_start3A_1518 : memref<1x9232xi32, #tpu.memory_space<vmem>> -> memref<9232xi32, #tpu.memory_space<vmem>>
    %dma_start3A_1520 = arith.constant 0 : i32
    %dma_start3A_1521 = tpu.memref_slice %arg3[%sub3A_1509, %dma_start3A_1520] : memref<37x9232xi32, #tpu.memory_space<hbm>> -> memref<1x9232xi32, #tpu.memory_space<hbm>>
    %dma_start3A_1522 = tpu.memref_squeeze %dma_start3A_1521 : memref<1x9232xi32, #tpu.memory_space<hbm>> -> memref<9232xi32, #tpu.memory_space<hbm>>
    tpu.enqueue_dma source(%dma_start3A_1522 : memref<9232xi32, #tpu.memory_space<hbm>>) target(%dma_start3A_1519 : memref<9232xi32, #tpu.memory_space<vmem>>) target_semaphore(%arg9 : memref<!tpu.dma_semaphore, #tpu.memory_space<semaphore_mem>>)
    %dma_wait3A_1523 = arith.constant 0 : i32
    %dma_wait3A_1524 = arith.constant 0 : i32
    %dma_wait3A_1525 = tpu.memref_slice %arg6[%dma_wait3A_1523, %dma_wait3A_1524] : memref<2x9232xi32, #tpu.memory_space<vmem>> -> memref<1x9232xi32, #tpu.memory_space<vmem>>
    %dma_wait3A_1526 = tpu.memref_squeeze %dma_wait3A_1525 : memref<1x9232xi32, #tpu.memory_space<vmem>> -> memref<9232xi32, #tpu.memory_space<vmem>>
    %dma_wait3A_1527 = arith.constant 0 : i32
    %dma_wait3A_1528 = tpu.memref_slice %arg3[%sub3A_1390, %dma_wait3A_1527] : memref<37x9232xi32, #tpu.memory_space<hbm>> -> memref<1x9232xi32, #tpu.memory_space<hbm>>
    %dma_wait3A_1529 = tpu.memref_squeeze %dma_wait3A_1528 : memref<1x9232xi32, #tpu.memory_space<hbm>> -> memref<9232xi32, #tpu.memory_space<hbm>>
    %dma_wait3A_1530 = arith.constant 0 : i32
    %dma_wait3A_1531 = tpu.memref_slice %arg6[%dma_wait3A_1523, %dma_wait3A_1530] : memref<2x9232xi32, #tpu.memory_space<vmem>> -> memref<1x9232xi32, #tpu.memory_space<vmem>>
    %dma_wait3A_1532 = tpu.memref_squeeze %dma_wait3A_1531 : memref<1x9232xi32, #tpu.memory_space<vmem>> -> memref<9232xi32, #tpu.memory_space<vmem>>
    %dma_wait3A_1533 = arith.constant 0 : i32
    %dma_wait3A_1534 = tpu.memref_slice %arg3[%sub3A_1390, %dma_wait3A_1533] : memref<37x9232xi32, #tpu.memory_space<hbm>> -> memref<1x9232xi32, #tpu.memory_space<hbm>>
    %dma_wait3A_1535 = tpu.memref_squeeze %dma_wait3A_1534 : memref<1x9232xi32, #tpu.memory_space<hbm>> -> memref<9232xi32, #tpu.memory_space<hbm>>
    tpu.wait_dma2 semaphore(%arg8 : memref<!tpu.dma_semaphore, #tpu.memory_space<semaphore_mem>>) src(%dma_wait3A_1535 : memref<9232xi32, #tpu.memory_space<hbm>>) dst(%dma_wait3A_1532 : memref<9232xi32, #tpu.memory_space<vmem>>)
    %mul3A_1536 = arith.constant 2212 : i32
    %mul3A_1537 = arith.muli %select_n3A_1475, %mul3A_1536 : i32
    %parallel_loop3A_1538 = arith.constant 0 : i32
    %parallel_loop3A_1539 = arith.constant 577 : i32
    %parallel_loop3A_1540 = arith.constant 1 : i32
    scf.for %parallel_loop3A_1655 = %parallel_loop3A_1538 to %parallel_loop3A_1539 step %parallel_loop3A_1540  : i32 {
      %parallel_loop3A_1656 = arith.constant 16 : i32
      %parallel_loop3A_1657 = arith.muli %parallel_loop3A_1655, %parallel_loop3A_1656 : i32
      %parallel_loop3A_1658 = arith.constant 0 : i32
      %parallel_loop3A_1659 = arith.index_cast %parallel_loop3A_1658 : i32 to index
      %parallel_loop3A_1660 = arith.index_cast %parallel_loop3A_1657 : i32 to index
      %parallel_loop3A_1661 = tpu.vector_load %arg6[%parallel_loop3A_1659, %parallel_loop3A_1660] {strides = array<i32>} : memref<2x9232xi32, #tpu.memory_space<vmem>>, vector<16xi32>,
      %parallel_loop3A_1662 = vector.broadcast %mul3A_1537 : i32 to vector<16xi32>
      %parallel_loop3A_1663 = arith.addi %parallel_loop3A_1661, %parallel_loop3A_1662 : vector<16xi32>
      %parallel_loop3A_1664 = tpu.vector_load_idx %arg5[%parallel_loop3A_1663] : memref<26544xf32, #tpu.memory_space<vmem>>[vector<16xi32>], vector<16xf32>,
      %parallel_loop3A_1665 = arith.constant 16 : i32
      %parallel_loop3A_1666 = arith.muli %parallel_loop3A_1655, %parallel_loop3A_1665 : i32
      %parallel_loop3A_1667 = arith.constant 0 : i32
      %parallel_loop3A_1668 = arith.index_cast %parallel_loop3A_1667 : i32 to index
      %parallel_loop3A_1669 = arith.index_cast %parallel_loop3A_1666 : i32 to index
      %parallel_loop3A_1670 = tpu.vector_load %arg7[%parallel_loop3A_1668, %parallel_loop3A_1669] {strides = array<i32>} : memref<2x9232xf32, #tpu.memory_space<vmem>>, vector<16xf32>,
      tpu.vector_store %arg7[%parallel_loop3A_1668, %parallel_loop3A_1669], %parallel_loop3A_1664 {strides = array<i32>} : memref<2x9232xf32, #tpu.memory_space<vmem>>, vector<16xf32>,
    } {sc.loop_unroll_factor = 8 : i64, sc.parallel_access}
    %dma_wait3A_1541 = arith.constant 1 : i32
    %dma_wait3A_1542 = arith.constant 0 : i32
    %dma_wait3A_1543 = tpu.memref_slice %arg7[%dma_wait3A_1541, %dma_wait3A_1542] : memref<2x9232xf32, #tpu.memory_space<vmem>> -> memref<1x9232xf32, #tpu.memory_space<vmem>>
    %dma_wait3A_1544 = tpu.memref_squeeze %dma_wait3A_1543 : memref<1x9232xf32, #tpu.memory_space<vmem>> -> memref<9232xf32, #tpu.memory_space<vmem>>
    %dma_wait3A_1545 = arith.constant 0 : i32
    %dma_wait3A_1546 = tpu.memref_slice %arg4[%select_n3A_1356, %sub3A_1359, %dma_wait3A_1545] : memref<12x37x9232xf32, #tpu.memory_space<hbm>> -> memref<1x1x9232xf32, #tpu.memory_space<hbm>>
    %dma_wait3A_1547 = tpu.memref_squeeze %dma_wait3A_1546 : memref<1x1x9232xf32, #tpu.memory_space<hbm>> -> memref<9232xf32, #tpu.memory_space<hbm>>
    %dma_wait3A_1548 = arith.constant 0 : i32
    %dma_wait3A_1549 = tpu.memref_slice %arg4[%select_n3A_1356, %sub3A_1359, %dma_wait3A_1548] : memref<12x37x9232xf32, #tpu.memory_space<hbm>> -> memref<1x1x9232xf32, #tpu.memory_space<hbm>>
    %dma_wait3A_1550 = tpu.memref_squeeze %dma_wait3A_1549 : memref<1x1x9232xf32, #tpu.memory_space<hbm>> -> memref<9232xf32, #tpu.memory_space<hbm>>
    %dma_wait3A_1551 = arith.constant 0 : i32
    %dma_wait3A_1552 = tpu.memref_slice %arg7[%dma_wait3A_1541, %dma_wait3A_1551] : memref<2x9232xf32, #tpu.memory_space<vmem>> -> memref<1x9232xf32, #tpu.memory_space<vmem>>
    %dma_wait3A_1553 = tpu.memref_squeeze %dma_wait3A_1552 : memref<1x9232xf32, #tpu.memory_space<vmem>> -> memref<9232xf32, #tpu.memory_space<vmem>>
    tpu.wait_dma2 semaphore(%arg11 : memref<!tpu.dma_semaphore, #tpu.memory_space<semaphore_mem>>) src(%dma_wait3A_1553 : memref<9232xf32, #tpu.memory_space<vmem>>) dst(%dma_wait3A_1550 : memref<9232xf32, #tpu.memory_space<hbm>>)
    %dma_start3A_1554 = arith.constant 0 : i32
    %dma_start3A_1555 = arith.constant 0 : i32
    %dma_start3A_1556 = tpu.memref_slice %arg7[%dma_start3A_1554, %dma_start3A_1555] : memref<2x9232xf32, #tpu.memory_space<vmem>> -> memref<1x9232xf32, #tpu.memory_space<vmem>>
    %dma_start3A_1557 = tpu.memref_squeeze %dma_start3A_1556 : memref<1x9232xf32, #tpu.memory_space<vmem>> -> memref<9232xf32, #tpu.memory_space<vmem>>
    %dma_start3A_1558 = arith.constant 0 : i32
    %dma_start3A_1559 = tpu.memref_slice %arg4[%select_n3A_1475, %sub3A_1478, %dma_start3A_1558] : memref<12x37x9232xf32, #tpu.memory_space<hbm>> -> memref<1x1x9232xf32, #tpu.memory_space<hbm>>
    %dma_start3A_1560 = tpu.memref_squeeze %dma_start3A_1559 : memref<1x1x9232xf32, #tpu.memory_space<hbm>> -> memref<9232xf32, #tpu.memory_space<hbm>>
    %dma_start3A_1561 = arith.constant 0 : i32
    %dma_start3A_1562 = tpu.memref_slice %arg4[%select_n3A_1475, %sub3A_1478, %dma_start3A_1561] : memref<12x37x9232xf32, #tpu.memory_space<hbm>> -> memref<1x1x9232xf32, #tpu.memory_space<hbm>>
    %dma_start3A_1563 = tpu.memref_squeeze %dma_start3A_1562 : memref<1x1x9232xf32, #tpu.memory_space<hbm>> -> memref<9232xf32, #tpu.memory_space<hbm>>
    %dma_start3A_1564 = arith.constant 0 : i32
    %dma_start3A_1565 = tpu.memref_slice %arg7[%dma_start3A_1554, %dma_start3A_1564] : memref<2x9232xf32, #tpu.memory_space<vmem>> -> memref<1x9232xf32, #tpu.memory_space<vmem>>
    %dma_start3A_1566 = tpu.memref_squeeze %dma_start3A_1565 : memref<1x9232xf32, #tpu.memory_space<vmem>> -> memref<9232xf32, #tpu.memory_space<vmem>>
    tpu.enqueue_dma source(%dma_start3A_1566 : memref<9232xf32, #tpu.memory_space<vmem>>) target(%dma_start3A_1563 : memref<9232xf32, #tpu.memory_space<hbm>>) target_semaphore(%arg10 : memref<!tpu.dma_semaphore, #tpu.memory_space<semaphore_mem>>)
    %add3A_1567 = arith.constant 416 : i32
    %add3A_1568 = arith.addi %add3A, %add3A_1567 : i32
    %min3A_1569 = arith.constant 443 : i32
    %min3A_1570 = arith.minsi %add3A_1568, %min3A_1569 : i32
    %jit3A_1571 = arith.constant 37 : i32
    %div3A_1572 = arith.divsi %min3A_1570, %jit3A_1571 : i32
    %sign3A_1573 = arith.constant 0 : i32
    %sign3A_1574 = arith.cmpi sgt, %min3A_1570, %sign3A_1573 : i32
    %sign3A_1575 = arith.extui %sign3A_1574 : i1 to i32
    %sign3A_1576 = arith.constant 0 : i32
    %sign3A_1577 = arith.cmpi slt, %min3A_1570, %sign3A_1576 : i32
    %sign3A_1578 = arith.extui %sign3A_1577 : i1 to i32
    %sign3A_1579 = arith.subi %sign3A_1575, %sign3A_1578 : i32
    %sign3A_1580 = arith.constant 0 : i32
    %sign3A_1581 = arith.cmpi sgt, %jit3A_1571, %sign3A_1580 : i32
    %sign3A_1582 = arith.extui %sign3A_1581 : i1 to i32
    %sign3A_1583 = arith.constant 0 : i32
    %sign3A_1584 = arith.cmpi slt, %jit3A_1571, %sign3A_1583 : i32
    %sign3A_1585 = arith.extui %sign3A_1584 : i1 to i32
    %sign3A_1586 = arith.subi %sign3A_1582, %sign3A_1585 : i32
    %ne3A_1587 = arith.cmpi ne, %sign3A_1579, %sign3A_1586 : i32
    %rem3A_1588 = arith.remsi %min3A_1570, %jit3A_1571 : i32
    %ne3A_1589 = arith.constant 0 : i32
    %ne3A_1590 = arith.cmpi ne, %rem3A_1588, %ne3A_1589 : i32
    %and3A_1591 = arith.andi %ne3A_1587, %ne3A_1590 : i1
    %sub3A_1592 = arith.constant 1 : i32
    %sub3A_1593 = arith.subi %div3A_1572, %sub3A_1592 : i32
    %select_n3A_1594 = arith.select %and3A_1591, %sub3A_1593, %div3A_1572 : i32
    %mul3A_1595 = arith.constant 37 : i32
    %mul3A_1596 = arith.muli %select_n3A_1594, %mul3A_1595 : i32
    %sub3A_1597 = arith.subi %min3A_1570, %mul3A_1596 : i32
    %dma_wait3A_1598 = arith.constant 1 : i32
    %dma_wait3A_1599 = arith.constant 0 : i32
    %dma_wait3A_1600 = tpu.memref_slice %arg6[%dma_wait3A_1598, %dma_wait3A_1599] : memref<2x9232xi32, #tpu.memory_space<vmem>> -> memref<1x9232xi32, #tpu.memory_space<vmem>>
    %dma_wait3A_1601 = tpu.memref_squeeze %dma_wait3A_1600 : memref<1x9232xi32, #tpu.memory_space<vmem>> -> memref<9232xi32, #tpu.memory_space<vmem>>
    %dma_wait3A_1602 = arith.constant 0 : i32
    %dma_wait3A_1603 = tpu.memref_slice %arg3[%sub3A_1509, %dma_wait3A_1602] : memref<37x9232xi32, #tpu.memory_space<hbm>> -> memref<1x9232xi32, #tpu.memory_space<hbm>>
    %dma_wait3A_1604 = tpu.memref_squeeze %dma_wait3A_1603 : memref<1x9232xi32, #tpu.memory_space<hbm>> -> memref<9232xi32, #tpu.memory_space<hbm>>
    %dma_wait3A_1605 = arith.constant 0 : i32
    %dma_wait3A_1606 = tpu.memref_slice %arg6[%dma_wait3A_1598, %dma_wait3A_1605] : memref<2x9232xi32, #tpu.memory_space<vmem>> -> memref<1x9232xi32, #tpu.memory_space<vmem>>
    %dma_wait3A_1607 = tpu.memref_squeeze %dma_wait3A_1606 : memref<1x9232xi32, #tpu.memory_space<vmem>> -> memref<9232xi32, #tpu.memory_space<vmem>>
    %dma_wait3A_1608 = arith.constant 0 : i32
    %dma_wait3A_1609 = tpu.memref_slice %arg3[%sub3A_1509, %dma_wait3A_1608] : memref<37x9232xi32, #tpu.memory_space<hbm>> -> memref<1x9232xi32, #tpu.memory_space<hbm>>
    %dma_wait3A_1610 = tpu.memref_squeeze %dma_wait3A_1609 : memref<1x9232xi32, #tpu.memory_space<hbm>> -> memref<9232xi32, #tpu.memory_space<hbm>>
    tpu.wait_dma2 semaphore(%arg9 : memref<!tpu.dma_semaphore, #tpu.memory_space<semaphore_mem>>) src(%dma_wait3A_1610 : memref<9232xi32, #tpu.memory_space<hbm>>) dst(%dma_wait3A_1607 : memref<9232xi32, #tpu.memory_space<vmem>>)
    %mul3A_1611 = arith.constant 2212 : i32
    %mul3A_1612 = arith.muli %select_n3A_1594, %mul3A_1611 : i32
    %parallel_loop3A_1613 = arith.constant 0 : i32
    %parallel_loop3A_1614 = arith.constant 577 : i32
    %parallel_loop3A_1615 = arith.constant 1 : i32
    scf.for %parallel_loop3A_1655 = %parallel_loop3A_1613 to %parallel_loop3A_1614 step %parallel_loop3A_1615  : i32 {
      %parallel_loop3A_1656 = arith.constant 16 : i32
      %parallel_loop3A_1657 = arith.muli %parallel_loop3A_1655, %parallel_loop3A_1656 : i32
      %parallel_loop3A_1658 = arith.constant 1 : i32
      %parallel_loop3A_1659 = arith.index_cast %parallel_loop3A_1658 : i32 to index
      %parallel_loop3A_1660 = arith.index_cast %parallel_loop3A_1657 : i32 to index
      %parallel_loop3A_1661 = tpu.vector_load %arg6[%parallel_loop3A_1659, %parallel_loop3A_1660] {strides = array<i32>} : memref<2x9232xi32, #tpu.memory_space<vmem>>, vector<16xi32>,
      %parallel_loop3A_1662 = vector.broadcast %mul3A_1612 : i32 to vector<16xi32>
      %parallel_loop3A_1663 = arith.addi %parallel_loop3A_1661, %parallel_loop3A_1662 : vector<16xi32>
      %parallel_loop3A_1664 = tpu.vector_load_idx %arg5[%parallel_loop3A_1663] : memref<26544xf32, #tpu.memory_space<vmem>>[vector<16xi32>], vector<16xf32>,
      %parallel_loop3A_1665 = arith.constant 16 : i32
      %parallel_loop3A_1666 = arith.muli %parallel_loop3A_1655, %parallel_loop3A_1665 : i32
      %parallel_loop3A_1667 = arith.constant 1 : i32
      %parallel_loop3A_1668 = arith.index_cast %parallel_loop3A_1667 : i32 to index
      %parallel_loop3A_1669 = arith.index_cast %parallel_loop3A_1666 : i32 to index
      %parallel_loop3A_1670 = tpu.vector_load %arg7[%parallel_loop3A_1668, %parallel_loop3A_1669] {strides = array<i32>} : memref<2x9232xf32, #tpu.memory_space<vmem>>, vector<16xf32>,
      tpu.vector_store %arg7[%parallel_loop3A_1668, %parallel_loop3A_1669], %parallel_loop3A_1664 {strides = array<i32>} : memref<2x9232xf32, #tpu.memory_space<vmem>>, vector<16xf32>,
    } {sc.loop_unroll_factor = 8 : i64, sc.parallel_access}
    %dma_wait3A_1616 = arith.constant 0 : i32
    %dma_wait3A_1617 = arith.constant 0 : i32
    %dma_wait3A_1618 = tpu.memref_slice %arg7[%dma_wait3A_1616, %dma_wait3A_1617] : memref<2x9232xf32, #tpu.memory_space<vmem>> -> memref<1x9232xf32, #tpu.memory_space<vmem>>
    %dma_wait3A_1619 = tpu.memref_squeeze %dma_wait3A_1618 : memref<1x9232xf32, #tpu.memory_space<vmem>> -> memref<9232xf32, #tpu.memory_space<vmem>>
    %dma_wait3A_1620 = arith.constant 0 : i32
    %dma_wait3A_1621 = tpu.memref_slice %arg4[%select_n3A_1475, %sub3A_1478, %dma_wait3A_1620] : memref<12x37x9232xf32, #tpu.memory_space<hbm>> -> memref<1x1x9232xf32, #tpu.memory_space<hbm>>
    %dma_wait3A_1622 = tpu.memref_squeeze %dma_wait3A_1621 : memref<1x1x9232xf32, #tpu.memory_space<hbm>> -> memref<9232xf32, #tpu.memory_space<hbm>>
    %dma_wait3A_1623 = arith.constant 0 : i32
    %dma_wait3A_1624 = tpu.memref_slice %arg4[%select_n3A_1475, %sub3A_1478, %dma_wait3A_1623] : memref<12x37x9232xf32, #tpu.memory_space<hbm>> -> memref<1x1x9232xf32, #tpu.memory_space<hbm>>
    %dma_wait3A_1625 = tpu.memref_squeeze %dma_wait3A_1624 : memref<1x1x9232xf32, #tpu.memory_space<hbm>> -> memref<9232xf32, #tpu.memory_space<hbm>>
    %dma_wait3A_1626 = arith.constant 0 : i32
    %dma_wait3A_1627 = tpu.memref_slice %arg7[%dma_wait3A_1616, %dma_wait3A_1626] : memref<2x9232xf32, #tpu.memory_space<vmem>> -> memref<1x9232xf32, #tpu.memory_space<vmem>>
    %dma_wait3A_1628 = tpu.memref_squeeze %dma_wait3A_1627 : memref<1x9232xf32, #tpu.memory_space<vmem>> -> memref<9232xf32, #tpu.memory_space<vmem>>
    tpu.wait_dma2 semaphore(%arg10 : memref<!tpu.dma_semaphore, #tpu.memory_space<semaphore_mem>>) src(%dma_wait3A_1628 : memref<9232xf32, #tpu.memory_space<vmem>>) dst(%dma_wait3A_1625 : memref<9232xf32, #tpu.memory_space<hbm>>)
    %dma_start3A_1629 = arith.constant 1 : i32
    %dma_start3A_1630 = arith.constant 0 : i32
    %dma_start3A_1631 = tpu.memref_slice %arg7[%dma_start3A_1629, %dma_start3A_1630] : memref<2x9232xf32, #tpu.memory_space<vmem>> -> memref<1x9232xf32, #tpu.memory_space<vmem>>
    %dma_start3A_1632 = tpu.memref_squeeze %dma_start3A_1631 : memref<1x9232xf32, #tpu.memory_space<vmem>> -> memref<9232xf32, #tpu.memory_space<vmem>>
    %dma_start3A_1633 = arith.constant 0 : i32
    %dma_start3A_1634 = tpu.memref_slice %arg4[%select_n3A_1594, %sub3A_1597, %dma_start3A_1633] : memref<12x37x9232xf32, #tpu.memory_space<hbm>> -> memref<1x1x9232xf32, #tpu.memory_space<hbm>>
    %dma_start3A_1635 = tpu.memref_squeeze %dma_start3A_1634 : memref<1x1x9232xf32, #tpu.memory_space<hbm>> -> memref<9232xf32, #tpu.memory_space<hbm>>
    %dma_start3A_1636 = arith.constant 0 : i32
    %dma_start3A_1637 = tpu.memref_slice %arg4[%select_n3A_1594, %sub3A_1597, %dma_start3A_1636] : memref<12x37x9232xf32, #tpu.memory_space<hbm>> -> memref<1x1x9232xf32, #tpu.memory_space<hbm>>
    %dma_start3A_1638 = tpu.memref_squeeze %dma_start3A_1637 : memref<1x1x9232xf32, #tpu.memory_space<hbm>> -> memref<9232xf32, #tpu.memory_space<hbm>>
    %dma_start3A_1639 = arith.constant 0 : i32
    %dma_start3A_1640 = tpu.memref_slice %arg7[%dma_start3A_1629, %dma_start3A_1639] : memref<2x9232xf32, #tpu.memory_space<vmem>> -> memref<1x9232xf32, #tpu.memory_space<vmem>>
    %dma_start3A_1641 = tpu.memref_squeeze %dma_start3A_1640 : memref<1x9232xf32, #tpu.memory_space<vmem>> -> memref<9232xf32, #tpu.memory_space<vmem>>
    tpu.enqueue_dma source(%dma_start3A_1641 : memref<9232xf32, #tpu.memory_space<vmem>>) target(%dma_start3A_1638 : memref<9232xf32, #tpu.memory_space<hbm>>) target_semaphore(%arg11 : memref<!tpu.dma_semaphore, #tpu.memory_space<semaphore_mem>>)
    %dma_wait3A_1642 = arith.constant 1 : i32
    %dma_wait3A_1643 = arith.constant 0 : i32
    %dma_wait3A_1644 = tpu.memref_slice %arg7[%dma_wait3A_1642, %dma_wait3A_1643] : memref<2x9232xf32, #tpu.memory_space<vmem>> -> memref<1x9232xf32, #tpu.memory_space<vmem>>
    %dma_wait3A_1645 = tpu.memref_squeeze %dma_wait3A_1644 : memref<1x9232xf32, #tpu.memory_space<vmem>> -> memref<9232xf32, #tpu.memory_space<vmem>>
    %dma_wait3A_1646 = arith.constant 0 : i32
    %dma_wait3A_1647 = tpu.memref_slice %arg4[%select_n3A_1594, %sub3A_1597, %dma_wait3A_1646] : memref<12x37x9232xf32, #tpu.memory_space<hbm>> -> memref<1x1x9232xf32, #tpu.memory_space<hbm>>
    %dma_wait3A_1648 = tpu.memref_squeeze %dma_wait3A_1647 : memref<1x1x9232xf32, #tpu.memory_space<hbm>> -> memref<9232xf32, #tpu.memory_space<hbm>>
    %dma_wait3A_1649 = arith.constant 0 : i32
    %dma_wait3A_1650 = tpu.memref_slice %arg4[%select_n3A_1594, %sub3A_1597, %dma_wait3A_1649] : memref<12x37x9232xf32, #tpu.memory_space<hbm>> -> memref<1x1x9232xf32, #tpu.memory_space<hbm>>
    %dma_wait3A_1651 = tpu.memref_squeeze %dma_wait3A_1650 : memref<1x1x9232xf32, #tpu.memory_space<hbm>> -> memref<9232xf32, #tpu.memory_space<hbm>>
    %dma_wait3A_1652 = arith.constant 0 : i32
    %dma_wait3A_1653 = tpu.memref_slice %arg7[%dma_wait3A_1642, %dma_wait3A_1652] : memref<2x9232xf32, #tpu.memory_space<vmem>> -> memref<1x9232xf32, #tpu.memory_space<vmem>>
    %dma_wait3A_1654 = tpu.memref_squeeze %dma_wait3A_1653 : memref<1x9232xf32, #tpu.memory_space<vmem>> -> memref<9232xf32, #tpu.memory_space<vmem>>
    tpu.wait_dma2 semaphore(%arg11 : memref<!tpu.dma_semaphore, #tpu.memory_space<semaphore_mem>>) src(%dma_wait3A_1654 : memref<9232xf32, #tpu.memory_space<vmem>>) dst(%dma_wait3A_1651 : memref<9232xf32, #tpu.memory_space<hbm>>)
    return
  }
}

module attributes {stable_mosaic.version = 14 : i64} {
  func.func @_add_body(%arg0: i32, %arg1: i32, %arg2: i32, %arg3: memref<4x1x592x577xf32, #tpu.memory_space<vmem>>, %arg4: memref<1x592x577xf32, #tpu.memory_space<vmem>>, %arg5: memref<4x1x592x577xf32, #tpu.memory_space<vmem>>) attributes {dimension_semantics = [#tpu.dimension_semantics<arbitrary>, #tpu.dimension_semantics<arbitrary>, #tpu.dimension_semantics<arbitrary>], iteration_bounds = array<i64: 12, 1, 2>, scalar_prefetch = 0 : i64, scratch_operands = 0 : i64, tpu.core_type = #tpu.core_type<tc>, window_params = [{transform_indices = @transform_0, window_bounds = array<i64: 4, 1, 592, 577>}, {transform_indices = @transform_1, window_bounds = array<i64: 1, 592, 577>}, {transform_indices = @transform_2, window_bounds = array<i64: 4, 1, 592, 577>}]} {
    %get3A = arith.constant 0 : index
    %get3A_0 = arith.constant 0 : index
    %get3A_1 = arith.constant 0 : index
    %get3A_2 = arith.constant 0 : index
    %get3A_3 = vector.load %arg3[%get3A, %get3A_0, %get3A_1, %get3A_2] : memref<4x1x592x577xf32, #tpu.memory_space<vmem>>, vector<4x1x592x577xf32>
    %get3A_4 = arith.constant 0 : index
    %get3A_5 = arith.constant 0 : index
    %get3A_6 = arith.constant 0 : index
    %get3A_7 = vector.load %arg4[%get3A_4, %get3A_5, %get3A_6] : memref<1x592x577xf32, #tpu.memory_space<vmem>>, vector<1x592x577xf32>
    %broadcast_in_dim3A = vector.shape_cast %get3A_7 : vector<1x592x577xf32> to vector<1x1x592x577xf32>
    %add3A = vector.broadcast %broadcast_in_dim3A : vector<1x1x592x577xf32> to vector<4x1x592x577xf32>
    %add3A_8 = arith.addf %get3A_3, %add3A : vector<4x1x592x577xf32>
    %swap3A = arith.constant 0 : index
    %swap3A_9 = arith.constant 0 : index
    %swap3A_10 = arith.constant 0 : index
    %swap3A_11 = arith.constant 0 : index
    %swap3A_12 = vector.load %arg5[%swap3A, %swap3A_9, %swap3A_10, %swap3A_11] : memref<4x1x592x577xf32, #tpu.memory_space<vmem>>, vector<4x1x592x577xf32>
    tpu.vector_store %arg5[%swap3A, %swap3A_9, %swap3A_10, %swap3A_11], %add3A_8 {strides = array<i32>} : memref<4x1x592x577xf32, #tpu.memory_space<vmem>>, vector<4x1x592x577xf32>,
    return
  }
  func.func @transform_0(%arg0: i32, %arg1: i32, %arg2: i32) -> (i32, i32, i32, i32) {
    %c0_i32 = arith.constant 0 : i32
    %c0_i32_0 = arith.constant 0 : i32
    return %arg2, %arg0, %arg1, %c0_i32 : i32, i32, i32, i32
  }
  func.func @transform_1(%arg0: i32, %arg1: i32, %arg2: i32) -> (i32, i32, i32) {
    %c0_i32 = arith.constant 0 : i32
    %c0_i32_0 = arith.constant 0 : i32
    return %arg0, %arg1, %c0_i32 : i32, i32, i32
  }
  func.func @transform_2(%arg0: i32, %arg1: i32, %arg2: i32) -> (i32, i32, i32, i32) {
    %c0_i32 = arith.constant 0 : i32
    %c0_i32_0 = arith.constant 0 : i32
    return %arg2, %arg0, %arg1, %c0_i32 : i32, i32, i32, i32
  }
}

</mosaic_0001>

<sc_bundles>
// kernel: kernel.4.cloned.1.call-start
scs
__scs_entry_jumppad:
0x0: {  	(pc) =	sbr.rel $0x88, $3  }
0x1: {  	(tag) =	ssettag $0x0;
	lr =	simm.s32 $0x1  }
0x2: {  	[smem:$0x3F9F] =	sst lr;
	_ =	strace $0xD0000000  }
0x3: {  	_ = 	snop  }
0x4: {  	_ = 	snop  }
0x5: {  	_ = 	snop  }
0x6: {  	_ = 	snop  }
0x7: {  	_ = 	snop  }
__scs_overlays_trampoline_lowered:
0x8: {  	[smem:$0x3FAE] =	sst s0  }
0x9: {  	[smem:$0x3FAF] =	sst s1  }
0xa: {  	[smem:$0x3FB0] =	sst s2  }
0xb: {  	[smem:$0x3FB1] =	sst s3  }
0xc: {  	[smem:$0x3FB2] =	sst s4  }
0xd: {  	[smem:$0x3FB3] =	sst s5  }
0xe: {  	[smem:$0x3FB4] =	sst s6  }
0xf: {  	[smem:$0x3FB5] =	sst s7  }
0x10: {  	[smem:$0x3FB6] =	sst s8  }
0x11: {  	[smem:$0x3FB7] =	sst s9;
	s0 =	simm.s32 @!p0 $0x0  }
0x12: {  	s1 =	sld [smem:$0x3F9D];
	s0 =	simm.s32 @p0 $0x1  }
0x13: {  	[smem:$0x3FB8] =	sst s0;
	s0 =	simm.s32 @!p1 $0x0  }
0x14: {  	s2 =	sld [smem:$0x3F9C];
	s0 =	simm.s32 @p1 $0x1  }
0x15: {  	[smem:$0x3FB9] =	sst s0;
	s0 =	simm.s32 @!p2 $0x0  }
0x16: {  	s3 =	sld [smem:$0x3FDB];
	s0 =	simm.s32 @p2 $0x1  }
0x17: {  	s4 =	simm.s32 $0x1BF5;
	[smem:$0x3FBB] =	sst s0  }
0x18: {  	s0 =	sld [smem:$0x3F9E];
	_ =	swait.ge [sflag:s4], $0x0  }
0x19: {  	s7 =	sld [smem:$0x3F9F]  }
0x1a: {  	s8 =	sadd.s32 $0xFFFFE003, lr  }
0x1b: {  	s9 =	sadd.s32 $0xFFFFFEF7, lr;
	s5 =	simm.s32 $0xFFFFFFFF;
	p2 =	slt.u32 s8, $0xFFFFF086  }
0x1c: {  	p1 =	slt.u32 s9, $0xF7A;
	s5 =	simm.s32 @!p2 $0x0  }
0x1d: {  	s5 =	simm.s32 @p1 $0x1;
	p0 =	seq.s32 s7, s2  }
0x1e: {  	s7 =	smul.u32 @!p0 $0xF7A, s2;
	p2 =	seq.s32 @!p0 s5, $0x0  }
0x1f: {  	s9 =	smul.u32 $0xF7A, s1;
	s8 =	simm.s32 @!p0 $0x1BF5;
	p2 =	por !p2, p0  }
0x20: {  	[sflag:s8] =	ssyncset.s32 @!p0 $0xFFFFF086;
	s6 =	sadd.s32 @!p0 s3, s7;
	s7 =	simm.s32 @!p0 $0x108  }
0x21: {  	s3 =	sadd.s32 s3, s9;
	s6 =	sadd.s32 @!p0 $0x88, s6;
	s7 =	simm.s32 @p2 $0x1082  }
0x22: {  	[simem:s7], [sflag:s8] =	dma.local @!p0 [hbm:s6], $0xF7A  }
0x23: {  	s9 =	sor.u32 $0xD0000000, s2;
	s6 =	simm.s32 $0x108;
	_ =	swait.ge @!p0 [sflag:s8], $0x0  }
0x24: {  	s3 =	sadd.s32 $0x88, s3;
	s6 =	simm.s32 @!p1 $0x1082;
	[sflag:s4] =	ssyncset.s32 $0xFFFFF086  }
0x25: {  	[simem:s6], [sflag:s4] =	dma.local [hbm:s3], $0xF7A  }
0x26: {  	[smem:$0x3F9F] =	sst s1;
	(tag) =	ssettag s2;
	_ =	strace s9  }
0x27: {  	s1 =	sld [smem:$0x3FAF]  }
0x28: {  	s2 =	sld [smem:$0x3FB0]  }
0x29: {  	s4 =	sld [smem:$0x3FB2]  }
0x2a: {  	p0 =	seq.s32 s5, $0x0;
	s5 =	sld [smem:$0x3FB3]  }
0x2b: {  	s6 =	sld [smem:$0x3FB4]  }
0x2c: {  	s7 =	sld [smem:$0x3FB5]  }
0x2d: {  	s3 =	simm.s32 $0x108;
	s8 =	sld [smem:$0x3FB6]  }
0x2e: {  	s3 =	simm.s32 @!p0 $0x1082;
	s9 =	sld [smem:$0x3FB7]  }
0x2f: {  	lr =	sadd.s32 s0, s3;
	s0 =	sld [smem:$0x3FAE]  }
0x30: {  	s3 =	sld [smem:$0x3FB1]  }
0x31: {  	[smem:$0x3FBA] =	sst s10  }
0x32: {  	s10 =	sld [smem:$0x3FB8];
	_ =	sdelay $0x3  }
0x33: {  	p0 =	seq.s32 s10, $0x1;
	s10 =	sld [smem:$0x3FBA];
	_ =	sdelay $0x3  }
0x34: {  	[smem:$0x3FBA] =	sst s10  }
0x35: {  	s10 =	sld [smem:$0x3FB9];
	_ =	sdelay $0x3  }
0x36: {  	p1 =	seq.s32 s10, $0x1;
	s10 =	sld [smem:$0x3FBA];
	_ =	sdelay $0x3  }
0x37: {  	[smem:$0x3FBA] =	sst s10  }
0x38: {  	s10 =	sld [smem:$0x3FBB]  }
0x39: {  	_ = 	snop;
	(pc) =	sbr.ind lr, $3  }
0x3a: {  	_ = 	snop  }
0x3b: {  	_ = 	snop  }
0x3c: {  	p2 =	seq.s32 s10, $0x1;
	s10 =	sld [smem:$0x3FBA]  }
0x3d: {  	_ =	shalt  }
0x3e: {  	_ =	shalt  }
0x3f: {  	_ =	shalt  }
0x40: {  	_ =	shalt  }
0x41: {  	_ =	shalt  }
0x42: {  	_ =	shalt  }
0x43: {  	_ =	shalt  }
0x44: {  	_ =	shalt  }
0x45: {  	_ =	shalt  }
0x46: {  	_ =	shalt  }
0x47: {  	_ =	shalt  }
0x48: {  	_ =	shalt  }
0x49: {  	_ =	shalt  }
0x4a: {  	_ =	shalt  }
0x4b: {  	_ =	shalt  }
0x4c: {  	_ =	shalt  }
0x4d: {  	_ =	shalt  }
0x4e: {  	_ =	shalt  }
0x4f: {  	_ =	shalt  }
0x50: {  	_ =	shalt  }
0x51: {  	_ =	shalt  }
0x52: {  	_ =	shalt  }
0x53: {  	_ =	shalt  }
0x54: {  	_ =	shalt  }
0x55: {  	_ =	shalt  }
0x56: {  	_ =	shalt  }
0x57: {  	_ =	shalt  }
0x58: {  	_ =	shalt  }
0x59: {  	_ =	shalt  }
0x5a: {  	_ =	shalt  }
0x5b: {  	_ =	shalt  }
0x5c: {  	_ =	shalt  }
0x5d: {  	_ =	shalt  }
0x5e: {  	_ =	shalt  }
0x5f: {  	_ =	shalt  }
0x60: {  	_ =	shalt  }
0x61: {  	_ =	shalt  }
0x62: {  	_ =	shalt  }
0x63: {  	_ =	shalt  }
0x64: {  	_ =	shalt  }
0x65: {  	_ =	shalt  }
0x66: {  	_ =	shalt  }
0x67: {  	_ =	shalt  }
0x68: {  	_ =	shalt  }
0x69: {  	_ =	shalt  }
0x6a: {  	_ =	shalt  }
0x6b: {  	_ =	shalt  }
0x6c: {  	_ =	shalt  }
0x6d: {  	_ =	shalt  }
0x6e: {  	_ =	shalt  }
0x6f: {  	_ =	shalt  }
0x70: {  	_ =	shalt  }
0x71: {  	_ =	shalt  }
0x72: {  	_ =	shalt  }
0x73: {  	_ =	shalt  }
0x74: {  	_ =	shalt  }
0x75: {  	_ =	shalt  }
0x76: {  	_ =	shalt  }
0x77: {  	_ =	shalt  }
0x78: {  	_ =	shalt  }
0x79: {  	_ =	shalt  }
0x7a: {  	_ =	shalt  }
0x7b: {  	_ =	shalt  }
0x7c: {  	_ =	shalt  }
0x7d: {  	_ =	shalt  }
0x7e: {  	_ =	shalt  }
0x7f: {  	_ =	shalt  }
0x80: {  	_ =	shalt  }
0x81: {  	_ =	shalt  }
0x82: {  	_ =	shalt  }
0x83: {  	_ =	shalt  }
0x84: {  	_ =	shalt  }
0x85: {  	_ =	shalt  }
0x86: {  	_ =	shalt  }
0x87: {  	_ =	shalt  }
.Lfunc_end0:
.L_simem_size_0:
called_computation_lowered:
.L_overlay_start_0:
0x88: {  	s2 =	sld [smem:$0x3FD9]  }
0x89: {  	s3 =	sld [smem:$0x3FFE];
	_ =	sdelay $0x1  }
0x8a: {  	s1 =	srdreg.scid  }
0x8b: {  	s0 =	sand.u32 $0x1, s1  }
0x8c: {  	s17 =	sshll.u32 s0, $0xA;
	s2 =	sadd.s32 s3, s2  }
0x8d: {  	s2 =	sadd.s32 s2, s17  }
0x8e: {  	[smem:$0x3FC6] =	sst s2  }
0x8f: {  	_ = 	snop  }
0x90: {  	s2 =	sld [smem:$0x3FD0];
	(tm) =	ssettm $0x1  }
0x91: {  	s18 =	sld [smem:$0x3FFB];
	_ =	sdelay $0x3  }
0x92: {  	_ =	strace s18  }
0x93: {  	s3 =	sld [smem:$0x3FFC];
	_ =	sdelay $0x3  }
0x94: {  	_ =	strace s3  }
0x95: {  	s3 =	sld [smem:$0x3FFD];
	_ =	sdelay $0x3  }
0x96: {  	_ =	strace s3  }
0x97: {  	_ =	strace $0x8FFFFFFF  }
0x98: {  	s19 =	sld [smem:$0x3FDB];
	_ =	sdelay $0x1  }
0x99: {  	s4 =	simm.s32 $_scs_section_size  }
0x9a: {  	s5 =	simm.s32 $_size__tile_overlayer_lowered;
	s6 =	simm.s32 $_tile_overlayer_lowered  }
0x9b: {  	s22 =	simm.s32 $0x1BFF;
	s21 =	sshll.u32 s6, $0x1;
	s3 =	sadd.s32 s4, s19  }
0x9c: {  	s7 =	simm.s32 $0x0;
	s20 =	sshll.u32 s5, $0x1;
	s5 =	sadd.s32 s21, s3  }
0x9d: {  	[timem:s7], [sflag:s22] =	dma.local [hbm:s5], s20  }
0x9e: {  	_ =	swait.ge [sflag:s22], s20  }
0x9f: {  	s4 =	ssub.s32 $0x0, s20;
	[sflag:s22] =	ssyncset.done $0x0  }
0xa0: {  	[sflag:s22] =	ssyncadd.s32 s4;
	_ =	sdelay $0x1  }
0xa1: {  	s23 =	simm.s32 $0x1B8B  }
0xa2: {  	_ =	swait.ge [sflag:s23], $0x1  }
0xa3: {  	[sflag:s23] =	ssyncset.done $0x0  }
0xa4: {  	s25 =	simm.s32 $0x1B8E;
	s24 =	sld [smem:$0x3FFE];
	[sflag:s23] =	ssyncadd.s32 $0xFFFFFFFF  }
0xa5: {  	s26 =	simm.s32 $execute0_lowered;
	[smem:$0x3FD2] =	sst s25  }
0xa6: {  	s5 =	sshll.u32 s26, $0x1;
	_ =	strace $0x80000046;
	[dreg:$0x1] =	wrdreg $0xFFFFFFFF  }
0xa7: {  	s28 =	simm.s32 $_size_execute0_lowered;
	s3 =	sadd.s32 s3, s5;
	[dreg:$0x0] =	wrdreg $0x0  }
0xa8: {  	s5 =	sshll.u32 s28, $0x1;
	[dreg:$0x2] =	wrdreg s3  }
0xa9: {  	[dreg:$0x3] =	wrdreg s5  }
0xaa: {  	[dreg:$0x4] =	wrdreg $0xC0  }
0xab: {  	_ =	task [dreg:s7], $0x5FFFF  }
0xac: {  	[dreg:$0x1] =	wrdreg $0xFFFFFFFF  }
0xad: {  	[dreg:$0x0] =	wrdreg $0x60  }
0xae: {  	[dreg:$0x2] =	wrdreg s24  }
0xaf: {  	[dreg:$0x3] =	wrdreg s2  }
0xb0: {  	[dreg:$0x4] =	wrdreg $0x9  }
0xb1: {  	_ =	task.clear_ibuf [dreg:s7], $0x5FFFF;
	_ =	strace $0x90000046  }
0xb2: {  	s29 =	simm.s32 $0x9;
	_ =	strace $0x80000048  }
0xb3: {  	_ =	swait.ge [sflag:s29], $0x1  }
0xb4: {  	[sflag:s29] =	ssyncadd.s32 $0xFFFFFFFF  }
0xb5: {  	_ =	strace $0x90000048  }
0xb6: {  	_ =	sfence  }
0xb7: {  	s30 =	sld [smem:$0x0];
	_ =	sdelay $0x2  }
0xb8: {  	s31 =	sshll.u32 s1, $0xD;
	s1 =	sshrl.u32 s1, $0x2  }
0xb9: {  	s3 =	sand.u32 $0x4000, s31;
	s1 =	sadd.s32 s1, s30  }
0xba: {  	s0 =	sor.u32 s3, s0;
	s1 =	sshll.u32 s1, $0x11  }
0xbb: {  	s0 =	sor.u32 s1, s0  }
0xbc: {  	s0 =	sadd.s32 $0x8F2B, s0  }
0xbd: {  	[sflag:s0] =	ssyncadd.remote.s32 $0x1  }
0xbe: {  	_ =	sfence.sel $0xFFFF  }
0xbf: {  	[dreg:$0x0] =	wrdreg $0xFFFFFFFF;
	(pc) =	sbr.abs _section_cstart, $3  }
0xc0: {  	[dreg:$0x1] =	wrdreg $0xFFFFFFFF  }
0xc1: {  	_ =	task.clear_ibuf [dreg:s7], $0x2FFFF;
	_ =	strace $0x9FFFFFFF  }
0xc2: {  	(tm) =	ssettm $0x7FFFFFFF  }
0xc3: {  	_ =	shalt  }
tec
execute0_lowered:
.L_overlay_start_1:
0x0: {  	(tag) =	ssettag $0x1  }
0x1: {  	s0 =	srdreg.scid;
	s4 =	stileid.u32;
	s7 =	simm.s32 $0xFFFFFFDB  }
0x2: {  	s0 =	sand.u32 $0x1, s0;
	s1 =	sshll.u32 s4, $0x1;
	s4 =	sshrl.u32 s4, $0x2  }
0x3: {  	s2 =	ssub.s32 $0x2, s0;
	s1 =	sor.u32 s0, s1;
	s4 =	smul.u32 $0x12400, s4  }
0x4: {  	s26 =	sshrl.u32 s2, $0x1;
	s3 =	sor.u32 $0x40, s1;
	s5 =	sor.u32 $0x20, s1  }
0x5: {  	s8 =	sshll.u32 s1, $0x7;
	s28 =	sor.u32 $0x60, s1;
	s23 =	sor.u32 $0x80, s1  }
0x6: {  	s6 =	smul.u32 $0x6F, s3;
	p0 =	sgt.u32 s5, $0x24;
	s8 =	sand.u32 $0x380, s8  }
0x7: {  	s10 =	smul.u32 $0x6F, s28;
	s0 =	ssub.s32 s2, s26;
	s7 =	simm.s32 @!p0 $0x0  }
0x8: {  	[dreg:$0xa] =	wrdreg s0;
	s17 =	sor.u32 s4, s8;
	s22 =	sshrl.u32 s6, $0xC  }
0x9: {  	s4 =	simm.s32 $0x5B400;
	s19 =	sshrl.u32 s10, $0xC;
	s6 =	smul.u32 $0xFFFFFFDB, s22  }
0xa: {  	s5 =	sadd.s32 s5, s7;
	s4 =	simm.s32 @!p0 $0x0;
	s12 =	smul.u32 $0xFFFFFFDB, s19  }
0xb: {  	s9 =	sshrl.u32 s5, $0x3;
	s8 =	sshll.u32 s5, $0x7;
	s26 =	smul.u32 $0x5B400, s22  }
0xc: {  	s17 =	sshrl.u32 s17, $0x3;
	s2 =	smul.u32 $0x12400, s9;
	s10 =	sand.u32 $0x380, s8  }
0xd: {  	s9 =	sadd.s32 s3, s6;
	s21 =	sadd.s32 s28, s12;
	s12 =	sor.u32 $0xA0, s1  }
0xe: {  	s11 =	sshrl.u32 s9, $0x3;
	s3 =	sor.u32 s10, s2;
	s24 =	smul.u32 $0x6F, s12  }
0xf: {  	s14 =	sshll.u32 s9, $0x7;
	s8 =	sshrl.u32 s21, $0x3;
	s13 =	smul.u32 $0x12400, s11  }
0x10: {  	s0 =	sadd.s32 s4, s2;
	s5 =	sshll.u32 s21, $0x7;
	s11 =	smul.u32 $0x6F, s23  }
0x11: {  	s15 =	sand.u32 $0x380, s14;
	s8 =	smul.u32 $0x12400, s8;
	s21 =	sshrl.u32 s24, $0xC  }
0x12: {  	s28 =	sor.u32 s10, s0;
	s20 =	sshrl.u32 s11, $0xC;
	s16 =	smul.u32 $0xFFFFFFDB, s21  }
0x13: {  	s4 =	sor.u32 s15, s13;
	s6 =	sadd.s32 s26, s13;
	s25 =	smul.u32 $0xFFFFFFDB, s20  }
0x14: {  	s31 =	sor.u32 s15, s6;
	s14 =	smul.u32 $0x5B400, s20;
	s15 =	sor.u32 $0x100, s1  }
0x15: {  	s2 =	sand.u32 $0x380, s5;
	s13 =	sor.u32 $0xC0, s1;
	s26 =	smul.u32 $0x6EC, s15  }
0x16: {  	s7 =	sadd.s32 s12, s16;
	s0 =	sadd.s32 s23, s25;
	s23 =	smul.u32 $0x5B400, s19  }
0x17: {  	s3 =	sshrl.u32 s3, $0x3;
	s24 =	sshrl.u32 s7, $0x3;
	s25 =	smul.u32 $0x6F, s13  }
0x18: {  	s5 =	sor.u32 s2, s8;
	s18 =	sshrl.u32 s0, $0x3;
	s12 =	smul.u32 $0x12400, s24  }
0x19: {  	s7 =	sshll.u32 s7, $0x7;
	s0 =	sshll.u32 s0, $0x7;
	s9 =	smul.u32 $0x12400, s18  }
0x1a: {  	s16 =	sand.u32 $0x380, s7;
	s24 =	sshrl.u32 s26, $0x10;
	s18 =	smul.u32 $0x5B400, s21  }
0x1b: {  	s8 =	sadd.s32 s23, s8;
	s23 =	sshrl.u32 s25, $0xC;
	s25 =	smul.u32 $0xFFFFFFDB, s24  }
0x1c: {  	s0 =	sand.u32 $0x380, s0;
	s21 =	smul.u32 $0x8A4, s21;
	s8 =	sor.u32 s2, s8  }
0x1d: {  	s7 =	sor.u32 s16, s12;
	s11 =	smul.u32 $0xFFFFFFDB, s23;
	s6 =	sor.u32 s0, s9  }
0x1e: {  	[dreg:$0xb] =	wrdreg s8;
	s9 =	sadd.s32 s14, s9;
	s2 =	sadd.s32 s18, s12  }
0x1f: {  	s14 =	sadd.s32 $0x2, s1;
	s12 =	sadd.s32 s15, s25;
	s15 =	smul.u32 $0x5B400, s24  }
0x20: {  	s24 =	smul.u32 $0x8A4, s24;
	s0 =	sor.u32 s0, s9;
	s18 =	sshrl.u32 s14, $0x3  }
0x21: {  	s25 =	sshrl.u32 s12, $0x3;
	s10 =	sor.u32 s16, s2;
	s16 =	smul.u32 $0x5B400, s23  }
0x22: {  	[dreg:$0xc] =	wrdreg s0;
	s0 =	sadd.s32 s13, s11;
	s8 =	smul.u32 $0x12400, s18  }
0x23: {  	[dreg:$0xd] =	wrdreg s10;
	s10 =	smul.u32 $0x12400, s25;
	s26 =	sshrl.u32 s0, $0x3  }
0x24: {  	[dreg:$0x19] =	wrdreg s21;
	s13 =	sor.u32 $0x120, s1;
	s9 =	smul.u32 $0x12400, s26  }
0x25: {  	s11 =	sshll.u32 s14, $0x7;
	s14 =	sor.u32 $0x140, s1;
	s26 =	smul.u32 $0x6EC, s13  }
0x26: {  	s11 =	sand.u32 $0x380, s11;
	s0 =	sshll.u32 s0, $0x7;
	s2 =	smul.u32 $0x6EC, s14  }
0x27: {  	s29 =	sor.u32 s11, s8;
	s0 =	sand.u32 $0x380, s0;
	s25 =	sshrl.u32 s26, $0x10  }
0x28: {  	s26 =	sadd.s32 s16, s9;
	s8 =	sor.u32 s0, s9;
	s18 =	smul.u32 $0xFFFFFFDB, s25  }
0x29: {  	s0 =	sor.u32 s0, s26;
	s26 =	sshrl.u32 s2, $0x10;
	s2 =	smul.u32 $0x5B400, s25  }
0x2a: {  	s12 =	sshll.u32 s12, $0x7;
	[dreg:$0x1a] =	wrdreg s24;
	s25 =	smul.u32 $0x8A4, s25  }
0x2b: {  	[dreg:$0xe] =	wrdreg s0;
	s0 =	sand.u32 $0x380, s12;
	s16 =	smul.u32 $0xFFFFFFDB, s26  }
0x2c: {  	s12 =	sadd.s32 s15, s10;
	s15 =	smul.u32 $0x5B400, s26;
	s11 =	sadd.s32 s13, s18  }
0x2d: {  	s18 =	sor.u32 s0, s10;
	s0 =	sor.u32 s0, s12;
	[dreg:$0x1c] =	wrdreg s25  }
0x2e: {  	s26 =	smul.u32 $0x8A4, s26;
	s13 =	sshrl.u32 s11, $0x3;
	[dreg:$0xf] =	wrdreg s0  }
0x2f: {  	s10 =	sadd.s32 s14, s16;
	s0 =	smul.u32 $0x12400, s13;
	s13 =	sor.u32 $0x160, s1  }
0x30: {  	s11 =	sshll.u32 s11, $0x7;
	s14 =	sshrl.u32 s10, $0x3;
	s9 =	smul.u32 $0x6EC, s13  }
0x31: {  	s16 =	sor.u32 $0x180, s1;
	s11 =	sand.u32 $0x380, s11;
	s14 =	smul.u32 $0x12400, s14  }
0x32: {  	s10 =	sshll.u32 s10, $0x7;
	s12 =	sadd.s32 s2, s0;
	s2 =	smul.u32 $0x6EC, s16  }
0x33: {  	s30 =	sshrl.u32 s9, $0x10;
	s9 =	sor.u32 s11, s0;
	s11 =	sor.u32 s11, s12  }
0x34: {  	s1 =	smin.u32 s1, $0x1B;
	[dreg:$0x11] =	wrdreg s11;
	s12 =	smul.u32 $0xFFFFFFDB, s30  }
0x35: {  	s10 =	sand.u32 $0x380, s10;
	[dreg:$0x10] =	wrdreg s30;
	s2 =	sshrl.u32 s2, $0x10  }
0x36: {  	s11 =	sadd.s32 s15, s14;
	s0 =	sadd.s32 s13, s12;
	s12 =	smul.u32 $0xFFFFFFDB, s2  }
0x37: {  	s13 =	sor.u32 s10, s14;
	s10 =	sor.u32 s10, s11;
	s15 =	sshrl.u32 s0, $0x3  }
0x38: {  	s1 =	sadd.s32 $0x9, s1;
	[dreg:$0x13] =	wrdreg s10;
	s11 =	smul.u32 $0x12400, s15  }
0x39: {  	s0 =	sshll.u32 s0, $0x7;
	s10 =	sadd.s32 s16, s12;
	s15 =	smul.u32 $0x5B400, s30  }
0x3a: {  	[dreg:$0x12] =	wrdreg s2;
	s0 =	sand.u32 $0x380, s0;
	s16 =	sshrl.u32 s10, $0x3  }
0x3b: {  	s14 =	smul.u32 $0x12400, s16;
	s12 =	sadd.s32 s15, s11;
	s15 =	sshrl.u32 s1, $0x3  }
0x3c: {  	s10 =	sshll.u32 s10, $0x7;
	s16 =	sor.u32 s0, s11;
	s11 =	smul.u32 $0x12400, s15  }
0x3d: {  	s1 =	sshll.u32 s1, $0x7;
	s0 =	sor.u32 s0, s12;
	s15 =	smul.u32 $0x5B400, s2  }
0x3e: {  	s10 =	sand.u32 $0x380, s10;
	s12 =	sand.u32 $0x380, s1;
	[dreg:$0x14] =	wrdreg s0  }
0x3f: {  	s30 =	sor.u32 s12, s11;
	s2 =	sadd.s32 s15, s14;
	s12 =	sor.u32 s10, s14  }
0x40: {  	s11 =	rddreg [dreg:$0x0];
	s14 =	sshrl.u32 s4, $0x3;
	s10 =	sor.u32 s10, s2  }
0x41: {  	s15 =	sadd.s32 $0x1200, s11;
	s11 =	sshrl.u32 s7, $0x3;
	[dreg:$0x15] =	wrdreg s10  }
0x42: {  	s0 =	sadd.s32 s15, s3;
	s2 =	sadd.s32 s15, s14;
	s10 =	sshrl.u32 s6, $0x3  }
0x43: {  	s14 =	sshrl.u32 s8, $0x3;
	s6 =	sadd.s32 s15, s11;
	s11 =	sshrl.u32 s13, $0x3  }
0x44: {  	s13 =	sshrl.u32 s16, $0x3;
	s16 =	sshrl.u32 s30, $0x3;
	s3 =	rddreg [dreg:$0xb]  }
0x45: {  	[dreg:$0x3] =	wrdreg s0;
	s0 =	sshrl.u32 s5, $0x3;
	s4 =	smov.u32 s2  }
0x46: {  	s7 =	sadd.s32 s15, s14;
	s2 =	sshrl.u32 s18, $0x3;
	s11 =	sadd.s32 s15, s11  }
0x47: {  	s14 =	sshrl.u32 s12, $0x3;
	s12 =	sadd.s32 s15, s13;
	s18 =	sshrl.u32 s28, $0x3  }
0x48: {  	s3 =	sshrl.u32 s3, $0x3;
	s5 =	sadd.s32 s15, s0;
	s0 =	sshrl.u32 s29, $0x3  }
0x49: {  	s13 =	sadd.s32 s15, s14;
	s14 =	sadd.s32 s15, s16;
	[dreg:$0x5] =	wrdreg s5  }
0x4a: {  	s5 =	sadd.s32 s15, s10;
	s8 =	sadd.s32 s15, s0;
	s10 =	sshrl.u32 s9, $0x3  }
0x4b: {  	s9 =	sadd.s32 s15, s2;
	s0 =	sshrl.u32 s31, $0x3;
	s31 =	smul.u32 $0x8A4, s22  }
0x4c: {  	s2 =	rddreg [dreg:$0x1];
	s22 =	smul.u32 $0x8A4, s19;
	s10 =	sadd.s32 s15, s10  }
0x4d: {  	s15 =	sadd.s32 s15, s17;
	s19 =	sadd.s32 s2, s3;
	s3 =	rddreg [dreg:$0xc]  }
0x4e: {  	[dreg:$0x16] =	wrdreg s22;
	s3 =	sshrl.u32 s3, $0x3;
	s22 =	smul.u32 $0x8A4, s20  }
0x4f: {  	s16 =	sadd.s32 s2, s17;
	s20 =	sadd.s32 s2, s3;
	s3 =	rddreg [dreg:$0xd]  }
0x50: {  	s17 =	sadd.s32 s2, s18;
	[dreg:$0x17] =	wrdreg s22;
	s22 =	sshrl.u32 s3, $0x3  }
0x51: {  	s18 =	sadd.s32 s2, s0;
	s3 =	sadd.s32 $0x223800, s29;
	s21 =	sadd.s32 s2, s22  }
0x52: {  	s22 =	smul.u32 $0x8A4, s23;
	s23 =	rddreg [dreg:$0xe];
	s3 =	sshrl.u32 s3, $0x3  }
0x53: {  	s0 =	sshrl.u32 s23, $0x3;
	s23 =	sadd.s32 s2, s3;
	s3 =	rddreg [dreg:$0xf]  }
0x54: {  	[dreg:$0x1b] =	wrdreg s26;
	s3 =	sshrl.u32 s3, $0x3  }
0x55: {  	s1 =	simm.s32 $0x0;
	s24 =	sadd.s32 s2, s3;
	s3 =	rddreg [dreg:$0x11]  }
0x56: {  	[smem:$0x7FF] =	sst s1;
	s3 =	sshrl.u32 s3, $0x3  }
0x57: {  	s25 =	sadd.s32 s2, s3;
	s3 =	rddreg [dreg:$0x13]  }
0x58: {  	[dreg:$0x18] =	wrdreg s22;
	s3 =	sshrl.u32 s3, $0x3  }
0x59: {  	s26 =	sadd.s32 s2, s3;
	s3 =	rddreg [dreg:$0x14]  }
0x5a: {  	s22 =	sadd.s32 s2, s0;
	s0 =	sshrl.u32 s3, $0x3;
	s3 =	rddreg [dreg:$0x15]  }
0x5b: {  	s28 =	simm.s32 $0x8A4;
	_ =	strace $0x80000047;
	[dreg:$0x4] =	wrdreg s4  }
0x5c: {  	s28 =	simm.s32 @!p0 $0x0;
	[dreg:$0x6] =	wrdreg s5  }
0x5d: {  	v0 =	vmov s28;
	s29 =	sadd.s32 s2, s0;
	s3 =	sshrl.u32 s3, $0x3;
	s28 =	rddreg [dreg:$0x17]  }
0x5e: {  	s0 =	sadd.s32 $0x3EBC00, s30;
	s30 =	sadd.s32 s2, s3;
	s3 =	rddreg [dreg:$0x16]  }
0x5f: {  	s0 =	sshrl.u32 s0, $0x3;
	v3 =	vmov s28;
	s28 =	rddreg [dreg:$0x0]  }
0x60: {  	v1 =	vmov s31;
	s31 =	sadd.s32 s2, s0;
	s2 =	rddreg [dreg:$0x10]  }
0x61: {  	v2 =	vmov s3;
	s3 =	rddreg [dreg:$0x19]  }
0x62: {  	v4 =	vmov s3;
	s3 =	rddreg [dreg:$0x12]  }
0x63: {  	s0 =	smul.u32 $0x8A4, s2;
	s2 =	sadd.s32 $0x400, s28;
	s28 =	rddreg [dreg:$0xa]  }
0x64: {  	[dreg:$0x7] =	wrdreg s2  }
0x65: {  	s2 =	smul.u32 $0x8A4, s3;
	s3 =	smax.u32 s28, $0x1;
	s28 =	rddreg [dreg:$0x18]  }
0x66: {  	v5 =	vmov s28;
	s28 =	rddreg [dreg:$0x1a]  }
0x67: {  	v6 =	vmov s28;
	s28 =	rddreg [dreg:$0x1c]  }
0x68: {  	v7 =	vmov s28;
	s28 =	rddreg [dreg:$0x1b]  }
0x69: {  	[dreg:$0x8] =	wrdreg s3;
	v9 =	vmov s0;
	s3 =	simm.s32 $0x0;
	v10 =	vmov s2;
	v8 =	vmov s28  }
.LBB2_1:
0x6a: {  	[dreg:$0x9] =	wrdreg s3  }
0x6b: {  	s0 =	rddreg [dreg:$0x7];
	s5 =	simm.s32 $0x5  }
0x6c: {  	[tilespmem:s1], [sflag:$0x5] =	stream.linear.gather [hbm4b:s0+s1], $0x6800, $0x38;
	[tilespmem:$0xFA00] =	vst v63  }
0x6d: {  	_ =	swait.ge [sflag:s5], $0x6800  }
0x6e: {  	s2 =	simm.s32 $0x80;
	s3 =	sadd.s32 $0x0, s15;
	[sflag:s5] =	ssyncset.done $0x0  }
0x6f: {  	s28 =	simm.s32 $0x6900;
	s0 =	simm.s32 $0x6800;
	[sflag:s5] =	ssyncadd.s32 $0xFFFF9800  }
.LBB2_2:
0x70: {  	[tilespmem:s0], [sflag:$0x1] =	stream.linear.gather [hbm4b:s3+s1], $0x80, $0x38;
	[tilespmem:$0xFA00] =	vst v63  }
0x71: {  	s3 =	smov.u32 s2;
	s0 =	smov.u32 s28;
	p0 =	sne.s32 s2, $0x2400  }
.Ltmp0:
0x72: {  	s2 =	sadd.s32 $0x80, s2;
	(pc) =	sbr.rel @p0 .LBB2_2-.Ltmp0, $2  }
0x73: {  	_ =	sdelay $0x2  }
0x74: {  	s28 =	sadd.s32 $0x100, s28;
	s3 =	sadd.s32 s3, s15  }
0x75: {  	[tilespmem:s0], [sflag:$0x1] =	stream.linear.gather [hbm4b:s3+s1], $0x80, $0x38;
	[tilespmem:$0xFA00] =	vst v63  }
0x76: {  	s0 =	simm.s32 $0x6880;
	s4 =	rddreg [dreg:$0x3]  }
0x77: {  	s2 =	simm.s32 $0x80;
	s28 =	simm.s32 $0x6980;
	s3 =	sadd.s32 $0x0, s4  }
.LBB2_4:
0x78: {  	[tilespmem:s0], [sflag:$0x2] =	stream.linear.gather [hbm4b:s3+s1], $0x80, $0x38;
	[tilespmem:$0xFA00] =	vst v63  }
0x79: {  	s3 =	smov.u32 s2;
	s0 =	smov.u32 s28;
	p0 =	sne.s32 s2, $0x2400  }
.Ltmp1:
0x7a: {  	s2 =	sadd.s32 $0x80, s2;
	(pc) =	sbr.rel @p0 .LBB2_4-.Ltmp1, $2  }
0x7b: {  	_ =	sdelay $0x2  }
0x7c: {  	s28 =	sadd.s32 $0x100, s28;
	s3 =	sadd.s32 s3, s4  }
0x7d: {  	[tilespmem:s0], [sflag:$0x2] =	stream.linear.gather [hbm4b:s3+s1], $0x80, $0x38;
	[tilespmem:$0xFA00] =	vst v63  }
0x7e: {  	s4 =	simm.s32 $0x1  }
0x7f: {  	_ =	swait.ge [sflag:s4], $0x2480  }
0x80: {  	[sflag:s4] =	ssyncset.done $0x0  }
0x81: {  	s5 =	simm.s32 $0x6840;
	[sflag:s4] =	ssyncadd.s32 $0xFFFFDB80  }
0x82: {  	v11 =	vld [tilespmem:s5+$0x30]  }
0x83: {  	v12 =	vld [tilespmem:s5+$0xFFFFFFD0]  }
0x84: {  	v13 =	vld [tilespmem:s5+$0xFFFFFFE0]  }
0x85: {  	v14 =	vld [tilespmem:s5+$0xFFFFFFF0]  }
0x86: {  	v15 =	vld [tilespmem:s5+$0x0]  }
0x87: {  	v17 =	vld [tilespmem:s5+$0x10]  }
0x88: {  	v18 =	vld [tilespmem:s5+$0x20]  }
0x89: {  	v19 =	vld [tilespmem:s5+$0xFFFFFFC0]  }
0x8a: {  	v20 =	vld.idx.msk [tilespmem:v11+s1+$0x0], $0xffff  }
0x8b: {  	v21 =	vld.idx.msk [tilespmem:v12+s1+$0x0], $0xffff  }
0x8c: {  	v16 =	vld.idx.msk [tilespmem:v13+s1+$0x0], $0xffff  }
0x8d: {  	v14 =	vld.idx.msk [tilespmem:v14+s1+$0x0], $0xffff  }
0x8e: {  	v11 =	vld.idx.msk [tilespmem:v15+s1+$0x0], $0xffff  }
0x8f: {  	s0 =	simm.s32 $0xB140;
	v12 =	vld.idx.msk [tilespmem:v17+s1+$0x0], $0xffff  }
0x90: {  	v13 =	vld.idx.msk [tilespmem:v18+s1+$0x0], $0xffff;
	[tilespmem:s0+$0x30] =	vst v20  }
0x91: {  	s2 =	simm.s32 $0x0;
	s28 =	simm.s32 $0x6940;
	v15 =	vld.idx.msk [tilespmem:v19+s1+$0x0], $0xffff;
	[tilespmem:s0+$0xFFFFFFD0] =	vst v21  }
.LBB2_6:
0x92: {  	v17 =	vld [tilespmem:s28+$0x30];
	s2 =	sadd.s32 $0x8, s2;
	[tilespmem:s0+$0xFFFFFFE0] =	vst v16  }
0x93: {  	v16 =	vld [tilespmem:s28+$0xFFFFFFD0];
	p0 =	slt.u32 s2, $0x238;
	[tilespmem:s0+$0xFFFFFFF0] =	vst v14  }
0x94: {  	v14 =	vld [tilespmem:s28+$0xFFFFFFE0];
	[tilespmem:s0+$0x0] =	vst v11  }
0x95: {  	v11 =	vld [tilespmem:s28+$0xFFFFFFF0];
	[tilespmem:s0+$0x10] =	vst v12  }
0x96: {  	v12 =	vld [tilespmem:s28+$0x0];
	[tilespmem:s0+$0x20] =	vst v13  }
0x97: {  	v13 =	vld [tilespmem:s28+$0x10];
	[tilespmem:s0+$0xFFFFFFC0] =	vst v15  }
0x98: {  	v15 =	vld [tilespmem:s28+$0x20]  }
0x99: {  	v18 =	vld [tilespmem:s28+$0xFFFFFFC0]  }
0x9a: {  	v17 =	vld.idx.msk [tilespmem:v17+s1+$0x0], $0xffff  }
0x9b: {  	v19 =	vld.idx.msk [tilespmem:v16+s1+$0x0], $0xffff  }
0x9c: {  	v16 =	vld.idx.msk [tilespmem:v14+s1+$0x0], $0xffff  }
.Ltmp2:
0x9d: {  	v14 =	vld.idx.msk [tilespmem:v11+s1+$0x0], $0xffff;
	(pc) =	sbr.rel @p0 .LBB2_6-.Ltmp2, $4  }
0x9e: {  	v11 =	vld.idx.msk [tilespmem:v12+s1+$0x0], $0xffff  }
0x9f: {  	s0 =	sadd.s32 $0x100, s0;
	v12 =	vld.idx.msk [tilespmem:v13+s1+$0x0], $0xffff  }
0xa0: {  	v13 =	vld.idx.msk [tilespmem:v15+s1+$0x0], $0xffff;
	[tilespmem:s0+$0x30] =	vst v17  }
0xa1: {  	s28 =	sadd.s32 $0x100, s28;
	v15 =	vld.idx.msk [tilespmem:v18+s1+$0x0], $0xffff;
	[tilespmem:s0+$0xFFFFFFD0] =	vst v19  }
0xa2: {  	[tilespmem:s0+$0xFFFFFFE0] =	vst v16  }
0xa3: {  	[tilespmem:s0+$0xFFFFFFF0] =	vst v14  }
0xa4: {  	[tilespmem:s0+$0x0] =	vst v11  }
0xa5: {  	[tilespmem:s0+$0x10] =	vst v12  }
0xa6: {  	[tilespmem:s0+$0x20] =	vst v13  }
0xa7: {  	[tilespmem:s0+$0xFFFFFFC0] =	vst v15  }
0xa8: {  	v11 =	vld [tilespmem:$0xB000];
	_ =	sdelay $0x6  }
0xa9: {  	s5 =	simm.s32 $0x0  }
0xaa: {  	v11 =	vld.idx.msk [tilespmem:v11+s5+$0x0], $0xffff;
	_ =	sdelay $0x3  }
0xab: {  	s2 =	simm.s32 $0x80;
	s3 =	sadd.s32 $0x0, s16  }
0xac: {  	s28 =	simm.s32 $0xB200;
	s0 =	simm.s32 $0xB100;
	s4 =	rddreg [dreg:$0x4];
	[tilespmem:$0xF900] =	vst v11  }
.LBB2_8:
0xad: {  	[hbm4b:s3+s1] =	stream.linear.scatter [tilespmem:s0], [sflag:$0x3], $0x80, $0x38;
	[tilespmem:$0xFA00] =	vst v63  }
0xae: {  	s3 =	smov.u32 s2;
	s0 =	smov.u32 s28;
	p0 =	sne.s32 s2, $0x2400  }
.Ltmp3:
0xaf: {  	s2 =	sadd.s32 $0x80, s2;
	(pc) =	sbr.rel @p0 .LBB2_8-.Ltmp3, $2  }
0xb0: {  	_ =	sdelay $0x2  }
0xb1: {  	s28 =	sadd.s32 $0x100, s28;
	s3 =	sadd.s32 s3, s16  }
0xb2: {  	[hbm4b:s3+s1] =	stream.linear.scatter [tilespmem:s0], [sflag:$0x3], $0x80, $0x38;
	[tilespmem:$0xFA00] =	vst v63  }
0xb3: {  	s0 =	simm.s32 $0x6800  }
0xb4: {  	s2 =	simm.s32 $0x80;
	s3 =	sadd.s32 $0x0, s4;
	s28 =	simm.s32 $0x6900  }
.LBB2_10:
0xb5: {  	[tilespmem:s0], [sflag:$0x1] =	stream.linear.gather [hbm4b:s3+s1], $0x80, $0x38;
	[tilespmem:$0xFA00] =	vst v63  }
0xb6: {  	s3 =	smov.u32 s2;
	s0 =	smov.u32 s28;
	p0 =	sne.s32 s2, $0x2400  }
.Ltmp4:
0xb7: {  	s2 =	sadd.s32 $0x80, s2;
	(pc) =	sbr.rel @p0 .LBB2_10-.Ltmp4, $2  }
0xb8: {  	_ =	sdelay $0x2  }
0xb9: {  	s28 =	sadd.s32 $0x100, s28;
	s3 =	sadd.s32 s3, s4  }
0xba: {  	[tilespmem:s0], [sflag:$0x1] =	stream.linear.gather [hbm4b:s3+s1], $0x80, $0x38;
	[tilespmem:$0xFA00] =	vst v63  }
0xbb: {  	s4 =	simm.s32 $0x2  }
0xbc: {  	_ =	swait.ge [sflag:s4], $0x2480  }
0xbd: {  	[sflag:s4] =	ssyncset.done $0x0  }
0xbe: {  	s5 =	simm.s32 $0x68F0;
	[sflag:s4] =	ssyncadd.s32 $0xFFFFDB80  }
0xbf: {  	v11 =	vld [tilespmem:s5+$0x0]  }
0xc0: {  	v12 =	vld [tilespmem:s5+$0xFFFFFFA0]  }
0xc1: {  	v13 =	vld [tilespmem:s5+$0xFFFFFFB0]  }
0xc2: {  	v14 =	vld [tilespmem:s5+$0xFFFFFFC0]  }
0xc3: {  	v15 =	vld [tilespmem:s5+$0xFFFFFFD0]  }
0xc4: {  	v16 =	vld [tilespmem:s5+$0xFFFFFFE0];
	v11 =	vadd.s32 v0, v11  }
0xc5: {  	v12 =	vadd.s32 v0, v12  }
0xc6: {  	v13 =	vadd.s32 v0, v13  }
0xc7: {  	v17 =	vld [tilespmem:s5+$0xFFFFFFF0];
	v14 =	vadd.s32 v0, v14  }
0xc8: {  	v19 =	vld [tilespmem:s5+$0xFFFFFF90];
	v20 =	vadd.s32 v0, v15  }
0xc9: {  	v21 =	vadd.s32 v0, v16;
	v18 =	vld.idx.msk [tilespmem:v11+s1+$0x0], $0xffff  }
0xca: {  	v15 =	vld.idx.msk [tilespmem:v12+s1+$0x0], $0xffff  }
0xcb: {  	v16 =	vld.idx.msk [tilespmem:v13+s1+$0x0], $0xffff  }
0xcc: {  	v14 =	vld.idx.msk [tilespmem:v14+s1+$0x0], $0xffff  }
0xcd: {  	v13 =	vld.idx.msk [tilespmem:v20+s1+$0x0], $0xffff  }
0xce: {  	s0 =	simm.s32 $0xB1F0;
	s28 =	simm.s32 $0x0;
	s2 =	simm.s32 $0x69F0;
	v11 =	vadd.s32 v0, v17;
	v12 =	vadd.s32 v0, v19;
	v17 =	vld.idx.msk [tilespmem:v21+s1+$0x0], $0xffff  }
.LBB2_12:
0xcf: {  	v19 =	vld [tilespmem:s2+$0x0];
	s28 =	sadd.s32 $0x8, s28;
	[tilespmem:s0+$0x0] =	vst v18  }
0xd0: {  	v18 =	vld [tilespmem:s2+$0xFFFFFFA0];
	p0 =	slt.u32 s28, $0x238;
	[tilespmem:s0+$0xFFFFFFA0] =	vst v15  }
0xd1: {  	v15 =	vld [tilespmem:s2+$0xFFFFFFB0];
	[tilespmem:s0+$0xFFFFFFB0] =	vst v16  }
0xd2: {  	v16 =	vld [tilespmem:s2+$0xFFFFFFC0];
	[tilespmem:s0+$0xFFFFFFC0] =	vst v14  }
0xd3: {  	v14 =	vld [tilespmem:s2+$0xFFFFFFD0];
	[tilespmem:s0+$0xFFFFFFD0] =	vst v13  }
0xd4: {  	v13 =	vld [tilespmem:s2+$0xFFFFFFE0];
	v19 =	vadd.s32 v0, v19;
	[tilespmem:s0+$0xFFFFFFE0] =	vst v17  }
0xd5: {  	v17 =	vadd.s32 v0, v18;
	v20 =	vld [tilespmem:s2+$0xFFFFFFF0]  }
0xd6: {  	v21 =	vld [tilespmem:s2+$0xFFFFFF90];
	v22 =	vadd.s32 v0, v15  }
0xd7: {  	v23 =	vadd.s32 v0, v16;
	v24 =	vld.idx.msk [tilespmem:v12+s1+$0x0], $0xffff  }
0xd8: {  	v25 =	vadd.s32 v0, v14;
	v26 =	vld.idx.msk [tilespmem:v11+s1+$0x0], $0xffff  }
0xd9: {  	v27 =	vadd.s32 v0, v13;
	v18 =	vld.idx.msk [tilespmem:v19+s1+$0x0], $0xffff  }
.Ltmp5:
0xda: {  	v15 =	vld.idx.msk [tilespmem:v17+s1+$0x0], $0xffff;
	v11 =	vadd.s32 v0, v20;
	(pc) =	sbr.rel @p0 .LBB2_12-.Ltmp5, $4  }
0xdb: {  	v12 =	vadd.s32 v0, v21;
	v16 =	vld.idx.msk [tilespmem:v22+s1+$0x0], $0xffff  }
0xdc: {  	v14 =	vld.idx.msk [tilespmem:v23+s1+$0x0], $0xffff  }
0xdd: {  	v13 =	vld.idx.msk [tilespmem:v25+s1+$0x0], $0xffff;
	[tilespmem:s0+$0xFFFFFF90] =	vst v24  }
0xde: {  	s2 =	sadd.s32 $0x100, s2;
	v17 =	vld.idx.msk [tilespmem:v27+s1+$0x0], $0xffff;
	[tilespmem:s0+$0xFFFFFFF0] =	vst v26;
	s0 =	sadd.s32 $0x100, s0  }
0xdf: {  	_ =	sdelay $0x2  }
0xe0: {  	[tilespmem:s0+$0x0] =	vst v18  }
0xe1: {  	[tilespmem:s0+$0xFFFFFFA0] =	vst v15;
	v12 =	vld.idx.msk [tilespmem:v12+s1+$0x0], $0xffff  }
0xe2: {  	v11 =	vld.idx.msk [tilespmem:v11+s1+$0x0], $0xffff;
	[tilespmem:s0+$0xFFFFFFB0] =	vst v16  }
0xe3: {  	[tilespmem:s0+$0xFFFFFFC0] =	vst v14  }
0xe4: {  	[tilespmem:s0+$0xFFFFFFD0] =	vst v13  }
0xe5: {  	[tilespmem:s0+$0xFFFFFFE0] =	vst v17  }
0xe6: {  	[tilespmem:s0+$0xFFFFFF90] =	vst v12  }
0xe7: {  	[tilespmem:s0+$0xFFFFFFF0] =	vst v11  }
0xe8: {  	v11 =	vld [tilespmem:$0xB080];
	_ =	sdelay $0x4  }
0xe9: {  	v11 =	vadd.s32 v0, v11;
	_ =	sdelay $0x3  }
0xea: {  	s4 =	simm.s32 $0x0  }
0xeb: {  	v11 =	vld.idx.msk [tilespmem:v11+s4+$0x0], $0xffff;
	_ =	sdelay $0x4  }
0xec: {  	s5 =	simm.s32 $0x3;
	[tilespmem:$0xF980] =	vst v11  }
0xed: {  	_ =	swait.ge [sflag:s5], $0x2480  }
0xee: {  	s2 =	simm.s32 $0x80;
	s3 =	sadd.s32 $0x0, s17;
	[sflag:s5] =	ssyncset.done $0x0  }
0xef: {  	s28 =	simm.s32 $0xB280;
	s0 =	simm.s32 $0xB180;
	[sflag:s5] =	ssyncadd.s32 $0xFFFFDB80  }
.LBB2_14:
0xf0: {  	[hbm4b:s3+s1] =	stream.linear.scatter [tilespmem:s0], [sflag:$0x4], $0x80, $0x38;
	[tilespmem:$0xFA00] =	vst v63  }
0xf1: {  	s3 =	smov.u32 s2;
	s0 =	smov.u32 s28;
	p0 =	sne.s32 s2, $0x2400  }
.Ltmp6:
0xf2: {  	s2 =	sadd.s32 $0x80, s2;
	(pc) =	sbr.rel @p0 .LBB2_14-.Ltmp6, $2  }
0xf3: {  	_ =	sdelay $0x2  }
0xf4: {  	s28 =	sadd.s32 $0x100, s28;
	s3 =	sadd.s32 s3, s17  }
0xf5: {  	[hbm4b:s3+s1] =	stream.linear.scatter [tilespmem:s0], [sflag:$0x4], $0x80, $0x38;
	[tilespmem:$0xFA00] =	vst v63  }
0xf6: {  	s0 =	simm.s32 $0x6880;
	s5 =	rddreg [dreg:$0x5]  }
0xf7: {  	s2 =	simm.s32 $0x80;
	s28 =	simm.s32 $0x6980;
	s3 =	sadd.s32 $0x0, s5  }
.LBB2_16:
0xf8: {  	[tilespmem:s0], [sflag:$0x2] =	stream.linear.gather [hbm4b:s3+s1], $0x80, $0x38;
	[tilespmem:$0xFA00] =	vst v63  }
0xf9: {  	s3 =	smov.u32 s2;
	s0 =	smov.u32 s28;
	p0 =	sne.s32 s2, $0x2400  }
.Ltmp7:
0xfa: {  	s2 =	sadd.s32 $0x80, s2;
	(pc) =	sbr.rel @p0 .LBB2_16-.Ltmp7, $2  }
0xfb: {  	_ =	sdelay $0x2  }
0xfc: {  	s28 =	sadd.s32 $0x100, s28;
	s3 =	sadd.s32 s3, s5  }
0xfd: {  	[tilespmem:s0], [sflag:$0x2] =	stream.linear.gather [hbm4b:s3+s1], $0x80, $0x38;
	[tilespmem:$0xFA00] =	vst v63  }
0xfe: {  	s4 =	simm.s32 $0x1  }
0xff: {  	_ =	swait.ge [sflag:s4], $0x2480  }
0x100: {  	[sflag:s4] =	ssyncset.done $0x0  }
0x101: {  	s5 =	simm.s32 $0x6840;
	[sflag:s4] =	ssyncadd.s32 $0xFFFFDB80  }
0x102: {  	v11 =	vld [tilespmem:s5+$0x30]  }
0x103: {  	v12 =	vld [tilespmem:s5+$0xFFFFFFD0]  }
0x104: {  	v13 =	vld [tilespmem:s5+$0xFFFFFFE0]  }
0x105: {  	v14 =	vld [tilespmem:s5+$0xFFFFFFF0]  }
0x106: {  	v15 =	vld [tilespmem:s5+$0x0]  }
0x107: {  	v16 =	vld [tilespmem:s5+$0x10];
	v11 =	vadd.s32 v1, v11  }
0x108: {  	v12 =	vadd.s32 v1, v12  }
0x109: {  	v13 =	vadd.s32 v1, v13  }
0x10a: {  	v17 =	vld [tilespmem:s5+$0x20];
	v14 =	vadd.s32 v1, v14  }
0x10b: {  	v19 =	vld [tilespmem:s5+$0xFFFFFFC0];
	v20 =	vadd.s32 v1, v15  }
0x10c: {  	v21 =	vadd.s32 v1, v16;
	v18 =	vld.idx.msk [tilespmem:v11+s1+$0x0], $0xffff  }
0x10d: {  	v15 =	vld.idx.msk [tilespmem:v12+s1+$0x0], $0xffff  }
0x10e: {  	v16 =	vld.idx.msk [tilespmem:v13+s1+$0x0], $0xffff  }
0x10f: {  	v14 =	vld.idx.msk [tilespmem:v14+s1+$0x0], $0xffff  }
0x110: {  	v13 =	vld.idx.msk [tilespmem:v20+s1+$0x0], $0xffff  }
0x111: {  	s0 =	simm.s32 $0xB140;
	s28 =	simm.s32 $0x0;
	s2 =	simm.s32 $0x6940;
	v11 =	vadd.s32 v1, v17;
	v12 =	vadd.s32 v1, v19;
	v17 =	vld.idx.msk [tilespmem:v21+s1+$0x0], $0xffff  }
.LBB2_18:
0x112: {  	v19 =	vld [tilespmem:s2+$0x30];
	s28 =	sadd.s32 $0x8, s28;
	[tilespmem:s0+$0x30] =	vst v18  }
0x113: {  	v18 =	vld [tilespmem:s2+$0xFFFFFFD0];
	p0 =	slt.u32 s28, $0x238;
	[tilespmem:s0+$0xFFFFFFD0] =	vst v15  }
0x114: {  	v15 =	vld [tilespmem:s2+$0xFFFFFFE0];
	[tilespmem:s0+$0xFFFFFFE0] =	vst v16  }
0x115: {  	v16 =	vld [tilespmem:s2+$0xFFFFFFF0];
	[tilespmem:s0+$0xFFFFFFF0] =	vst v14  }
0x116: {  	v14 =	vld [tilespmem:s2+$0x0];
	[tilespmem:s0+$0x0] =	vst v13  }
0x117: {  	v13 =	vld [tilespmem:s2+$0x10];
	v19 =	vadd.s32 v1, v19;
	[tilespmem:s0+$0x10] =	vst v17  }
0x118: {  	v17 =	vadd.s32 v1, v18;
	v20 =	vld [tilespmem:s2+$0x20]  }
0x119: {  	v21 =	vld [tilespmem:s2+$0xFFFFFFC0];
	v22 =	vadd.s32 v1, v15  }
0x11a: {  	v23 =	vadd.s32 v1, v16;
	v24 =	vld.idx.msk [tilespmem:v12+s1+$0x0], $0xffff  }
0x11b: {  	v25 =	vadd.s32 v1, v14;
	v26 =	vld.idx.msk [tilespmem:v11+s1+$0x0], $0xffff  }
0x11c: {  	v27 =	vadd.s32 v1, v13;
	v18 =	vld.idx.msk [tilespmem:v19+s1+$0x0], $0xffff  }
.Ltmp8:
0x11d: {  	v15 =	vld.idx.msk [tilespmem:v17+s1+$0x0], $0xffff;
	v11 =	vadd.s32 v1, v20;
	(pc) =	sbr.rel @p0 .LBB2_18-.Ltmp8, $4  }
0x11e: {  	v12 =	vadd.s32 v1, v21;
	v16 =	vld.idx.msk [tilespmem:v22+s1+$0x0], $0xffff  }
0x11f: {  	v14 =	vld.idx.msk [tilespmem:v23+s1+$0x0], $0xffff  }
0x120: {  	v13 =	vld.idx.msk [tilespmem:v25+s1+$0x0], $0xffff;
	[tilespmem:s0+$0xFFFFFFC0] =	vst v24  }
0x121: {  	s2 =	sadd.s32 $0x100, s2;
	v17 =	vld.idx.msk [tilespmem:v27+s1+$0x0], $0xffff;
	[tilespmem:s0+$0x20] =	vst v26;
	s0 =	sadd.s32 $0x100, s0  }
0x122: {  	_ =	sdelay $0x2  }
0x123: {  	[tilespmem:s0+$0x30] =	vst v18  }
0x124: {  	[tilespmem:s0+$0xFFFFFFD0] =	vst v15;
	v12 =	vld.idx.msk [tilespmem:v12+s1+$0x0], $0xffff  }
0x125: {  	v11 =	vld.idx.msk [tilespmem:v11+s1+$0x0], $0xffff;
	[tilespmem:s0+$0xFFFFFFE0] =	vst v16  }
0x126: {  	[tilespmem:s0+$0xFFFFFFF0] =	vst v14  }
0x127: {  	[tilespmem:s0+$0x0] =	vst v13  }
0x128: {  	[tilespmem:s0+$0x10] =	vst v17  }
0x129: {  	[tilespmem:s0+$0xFFFFFFC0] =	vst v12  }
0x12a: {  	[tilespmem:s0+$0x20] =	vst v11  }
0x12b: {  	v11 =	vld [tilespmem:$0xB000];
	_ =	sdelay $0x4  }
0x12c: {  	v11 =	vadd.s32 v1, v11;
	_ =	sdelay $0x3  }
0x12d: {  	s4 =	simm.s32 $0x0  }
0x12e: {  	v11 =	vld.idx.msk [tilespmem:v11+s4+$0x0], $0xffff;
	_ =	sdelay $0x4  }
0x12f: {  	s5 =	simm.s32 $0x4;
	[tilespmem:$0xF900] =	vst v11  }
0x130: {  	s2 =	simm.s32 $0x80;
	_ =	swait.ge [sflag:s5], $0x2480  }
0x131: {  	s3 =	sadd.s32 $0x0, s18;
	s28 =	simm.s32 $0xB200;
	[sflag:s5] =	ssyncset.done $0x0  }
0x132: {  	s0 =	simm.s32 $0xB100;
	[sflag:s5] =	ssyncadd.s32 $0xFFFFDB80;
	s5 =	rddreg [dreg:$0x6]  }
.LBB2_20:
0x133: {  	[hbm4b:s3+s1] =	stream.linear.scatter [tilespmem:s0], [sflag:$0x3], $0x80, $0x38;
	[tilespmem:$0xFA00] =	vst v63  }
0x134: {  	s3 =	smov.u32 s2;
	s0 =	smov.u32 s28;
	p0 =	sne.s32 s2, $0x2400  }
.Ltmp9:
0x135: {  	s2 =	sadd.s32 $0x80, s2;
	(pc) =	sbr.rel @p0 .LBB2_20-.Ltmp9, $2  }
0x136: {  	_ =	sdelay $0x2  }
0x137: {  	s28 =	sadd.s32 $0x100, s28;
	s3 =	sadd.s32 s3, s18  }
0x138: {  	[hbm4b:s3+s1] =	stream.linear.scatter [tilespmem:s0], [sflag:$0x3], $0x80, $0x38;
	[tilespmem:$0xFA00] =	vst v63  }
0x139: {  	s0 =	simm.s32 $0x6800  }
0x13a: {  	s2 =	simm.s32 $0x80;
	s3 =	sadd.s32 $0x0, s5;
	s28 =	simm.s32 $0x6900  }
.LBB2_22:
0x13b: {  	[tilespmem:s0], [sflag:$0x1] =	stream.linear.gather [hbm4b:s3+s1], $0x80, $0x38;
	[tilespmem:$0xFA00] =	vst v63  }
0x13c: {  	s3 =	smov.u32 s2;
	s0 =	smov.u32 s28;
	p0 =	sne.s32 s2, $0x2400  }
.Ltmp10:
0x13d: {  	s2 =	sadd.s32 $0x80, s2;
	(pc) =	sbr.rel @p0 .LBB2_22-.Ltmp10, $2  }
0x13e: {  	_ =	sdelay $0x2  }
0x13f: {  	s28 =	sadd.s32 $0x100, s28;
	s3 =	sadd.s32 s3, s5  }
0x140: {  	[tilespmem:s0], [sflag:$0x1] =	stream.linear.gather [hbm4b:s3+s1], $0x80, $0x38;
	[tilespmem:$0xFA00] =	vst v63  }
0x141: {  	s4 =	simm.s32 $0x2  }
0x142: {  	_ =	swait.ge [sflag:s4], $0x2480  }
0x143: {  	[sflag:s4] =	ssyncset.done $0x0  }
0x144: {  	s5 =	simm.s32 $0x68F0;
	[sflag:s4] =	ssyncadd.s32 $0xFFFFDB80  }
0x145: {  	v11 =	vld [tilespmem:s5+$0x0]  }
0x146: {  	v12 =	vld [tilespmem:s5+$0xFFFFFFA0]  }
0x147: {  	v13 =	vld [tilespmem:s5+$0xFFFFFFB0]  }
0x148: {  	v14 =	vld [tilespmem:s5+$0xFFFFFFC0]  }
0x149: {  	v15 =	vld [tilespmem:s5+$0xFFFFFFD0]  }
0x14a: {  	v16 =	vld [tilespmem:s5+$0xFFFFFFE0];
	v11 =	vadd.s32 v2, v11  }
0x14b: {  	v12 =	vadd.s32 v2, v12  }
0x14c: {  	v13 =	vadd.s32 v2, v13  }
0x14d: {  	v17 =	vld [tilespmem:s5+$0xFFFFFFF0];
	v14 =	vadd.s32 v2, v14  }
0x14e: {  	v19 =	vld [tilespmem:s5+$0xFFFFFF90];
	v20 =	vadd.s32 v2, v15  }
0x14f: {  	v21 =	vadd.s32 v2, v16;
	v18 =	vld.idx.msk [tilespmem:v11+s1+$0x0], $0xffff  }
0x150: {  	v15 =	vld.idx.msk [tilespmem:v12+s1+$0x0], $0xffff  }
0x151: {  	v16 =	vld.idx.msk [tilespmem:v13+s1+$0x0], $0xffff  }
0x152: {  	v14 =	vld.idx.msk [tilespmem:v14+s1+$0x0], $0xffff  }
0x153: {  	v13 =	vld.idx.msk [tilespmem:v20+s1+$0x0], $0xffff  }
0x154: {  	s0 =	simm.s32 $0xB1F0;
	s28 =	simm.s32 $0x0;
	s2 =	simm.s32 $0x69F0;
	v11 =	vadd.s32 v2, v17;
	v12 =	vadd.s32 v2, v19;
	v17 =	vld.idx.msk [tilespmem:v21+s1+$0x0], $0xffff  }
.LBB2_24:
0x155: {  	v19 =	vld [tilespmem:s2+$0x0];
	s28 =	sadd.s32 $0x8, s28;
	[tilespmem:s0+$0x0] =	vst v18  }
0x156: {  	v18 =	vld [tilespmem:s2+$0xFFFFFFA0];
	p0 =	slt.u32 s28, $0x238;
	[tilespmem:s0+$0xFFFFFFA0] =	vst v15  }
0x157: {  	v15 =	vld [tilespmem:s2+$0xFFFFFFB0];
	[tilespmem:s0+$0xFFFFFFB0] =	vst v16  }
0x158: {  	v16 =	vld [tilespmem:s2+$0xFFFFFFC0];
	[tilespmem:s0+$0xFFFFFFC0] =	vst v14  }
0x159: {  	v14 =	vld [tilespmem:s2+$0xFFFFFFD0];
	[tilespmem:s0+$0xFFFFFFD0] =	vst v13  }
0x15a: {  	v13 =	vld [tilespmem:s2+$0xFFFFFFE0];
	v19 =	vadd.s32 v2, v19;
	[tilespmem:s0+$0xFFFFFFE0] =	vst v17  }
0x15b: {  	v17 =	vadd.s32 v2, v18;
	v20 =	vld [tilespmem:s2+$0xFFFFFFF0]  }
0x15c: {  	v21 =	vld [tilespmem:s2+$0xFFFFFF90];
	v22 =	vadd.s32 v2, v15  }
0x15d: {  	v23 =	vadd.s32 v2, v16;
	v24 =	vld.idx.msk [tilespmem:v12+s1+$0x0], $0xffff  }
0x15e: {  	v25 =	vadd.s32 v2, v14;
	v26 =	vld.idx.msk [tilespmem:v11+s1+$0x0], $0xffff  }
0x15f: {  	v27 =	vadd.s32 v2, v13;
	v18 =	vld.idx.msk [tilespmem:v19+s1+$0x0], $0xffff  }
.Ltmp11:
0x160: {  	v15 =	vld.idx.msk [tilespmem:v17+s1+$0x0], $0xffff;
	v11 =	vadd.s32 v2, v20;
	(pc) =	sbr.rel @p0 .LBB2_24-.Ltmp11, $4  }
0x161: {  	v12 =	vadd.s32 v2, v21;
	v16 =	vld.idx.msk [tilespmem:v22+s1+$0x0], $0xffff  }
0x162: {  	v14 =	vld.idx.msk [tilespmem:v23+s1+$0x0], $0xffff  }
0x163: {  	v13 =	vld.idx.msk [tilespmem:v25+s1+$0x0], $0xffff;
	[tilespmem:s0+$0xFFFFFF90] =	vst v24  }
0x164: {  	s2 =	sadd.s32 $0x100, s2;
	v17 =	vld.idx.msk [tilespmem:v27+s1+$0x0], $0xffff;
	[tilespmem:s0+$0xFFFFFFF0] =	vst v26;
	s0 =	sadd.s32 $0x100, s0  }
0x165: {  	_ =	sdelay $0x2  }
0x166: {  	[tilespmem:s0+$0x0] =	vst v18  }
0x167: {  	[tilespmem:s0+$0xFFFFFFA0] =	vst v15;
	v12 =	vld.idx.msk [tilespmem:v12+s1+$0x0], $0xffff  }
0x168: {  	v11 =	vld.idx.msk [tilespmem:v11+s1+$0x0], $0xffff;
	[tilespmem:s0+$0xFFFFFFB0] =	vst v16  }
0x169: {  	[tilespmem:s0+$0xFFFFFFC0] =	vst v14  }
0x16a: {  	[tilespmem:s0+$0xFFFFFFD0] =	vst v13  }
0x16b: {  	[tilespmem:s0+$0xFFFFFFE0] =	vst v17  }
0x16c: {  	[tilespmem:s0+$0xFFFFFF90] =	vst v12  }
0x16d: {  	[tilespmem:s0+$0xFFFFFFF0] =	vst v11  }
0x16e: {  	v11 =	vld [tilespmem:$0xB080];
	_ =	sdelay $0x4  }
0x16f: {  	v11 =	vadd.s32 v2, v11;
	_ =	sdelay $0x3  }
0x170: {  	s4 =	simm.s32 $0x0  }
0x171: {  	v11 =	vld.idx.msk [tilespmem:v11+s4+$0x0], $0xffff;
	_ =	sdelay $0x4  }
0x172: {  	s5 =	simm.s32 $0x3;
	[tilespmem:$0xF980] =	vst v11  }
0x173: {  	_ =	swait.ge [sflag:s5], $0x2480  }
0x174: {  	s2 =	simm.s32 $0x80;
	s3 =	sadd.s32 $0x0, s19;
	[sflag:s5] =	ssyncset.done $0x0  }
0x175: {  	s28 =	simm.s32 $0xB280;
	s0 =	simm.s32 $0xB180;
	[sflag:s5] =	ssyncadd.s32 $0xFFFFDB80  }
.LBB2_26:
0x176: {  	[hbm4b:s3+s1] =	stream.linear.scatter [tilespmem:s0], [sflag:$0x4], $0x80, $0x38;
	[tilespmem:$0xFA00] =	vst v63  }
0x177: {  	s3 =	smov.u32 s2;
	s0 =	smov.u32 s28;
	p0 =	sne.s32 s2, $0x2400  }
.Ltmp12:
0x178: {  	s2 =	sadd.s32 $0x80, s2;
	(pc) =	sbr.rel @p0 .LBB2_26-.Ltmp12, $2  }
0x179: {  	_ =	sdelay $0x2  }
0x17a: {  	s28 =	sadd.s32 $0x100, s28;
	s3 =	sadd.s32 s3, s19  }
0x17b: {  	[hbm4b:s3+s1] =	stream.linear.scatter [tilespmem:s0], [sflag:$0x4], $0x80, $0x38;
	[tilespmem:$0xFA00] =	vst v63  }
0x17c: {  	s0 =	simm.s32 $0x6880  }
0x17d: {  	s2 =	simm.s32 $0x80;
	s3 =	sadd.s32 $0x0, s6;
	s28 =	simm.s32 $0x6980  }
.LBB2_28:
0x17e: {  	[tilespmem:s0], [sflag:$0x2] =	stream.linear.gather [hbm4b:s3+s1], $0x80, $0x38;
	[tilespmem:$0xFA00] =	vst v63  }
0x17f: {  	s3 =	smov.u32 s2;
	s0 =	smov.u32 s28;
	p0 =	sne.s32 s2, $0x2400  }
.Ltmp13:
0x180: {  	s2 =	sadd.s32 $0x80, s2;
	(pc) =	sbr.rel @p0 .LBB2_28-.Ltmp13, $2  }
0x181: {  	_ =	sdelay $0x2  }
0x182: {  	s28 =	sadd.s32 $0x100, s28;
	s3 =	sadd.s32 s3, s6  }
0x183: {  	[tilespmem:s0], [sflag:$0x2] =	stream.linear.gather [hbm4b:s3+s1], $0x80, $0x38;
	[tilespmem:$0xFA00] =	vst v63  }
0x184: {  	s4 =	simm.s32 $0x1  }
0x185: {  	_ =	swait.ge [sflag:s4], $0x2480  }
0x186: {  	[sflag:s4] =	ssyncset.done $0x0  }
0x187: {  	s5 =	simm.s32 $0x6840;
	[sflag:s4] =	ssyncadd.s32 $0xFFFFDB80  }
0x188: {  	v11 =	vld [tilespmem:s5+$0x30]  }
0x189: {  	v12 =	vld [tilespmem:s5+$0xFFFFFFD0]  }
0x18a: {  	v13 =	vld [tilespmem:s5+$0xFFFFFFE0]  }
0x18b: {  	v14 =	vld [tilespmem:s5+$0xFFFFFFF0]  }
0x18c: {  	v15 =	vld [tilespmem:s5+$0x0]  }
0x18d: {  	v16 =	vld [tilespmem:s5+$0x10];
	v11 =	vadd.s32 v3, v11  }
0x18e: {  	v12 =	vadd.s32 v3, v12  }
0x18f: {  	v13 =	vadd.s32 v3, v13  }
0x190: {  	v17 =	vld [tilespmem:s5+$0x20];
	v14 =	vadd.s32 v3, v14  }
0x191: {  	v19 =	vld [tilespmem:s5+$0xFFFFFFC0];
	v20 =	vadd.s32 v3, v15  }
0x192: {  	v21 =	vadd.s32 v3, v16;
	v18 =	vld.idx.msk [tilespmem:v11+s1+$0x0], $0xffff  }
0x193: {  	v15 =	vld.idx.msk [tilespmem:v12+s1+$0x0], $0xffff  }
0x194: {  	v16 =	vld.idx.msk [tilespmem:v13+s1+$0x0], $0xffff  }
0x195: {  	v14 =	vld.idx.msk [tilespmem:v14+s1+$0x0], $0xffff  }
0x196: {  	v13 =	vld.idx.msk [tilespmem:v20+s1+$0x0], $0xffff  }
0x197: {  	s0 =	simm.s32 $0xB140;
	s28 =	simm.s32 $0x0;
	s2 =	simm.s32 $0x6940;
	v11 =	vadd.s32 v3, v17;
	v12 =	vadd.s32 v3, v19;
	v17 =	vld.idx.msk [tilespmem:v21+s1+$0x0], $0xffff  }
.LBB2_30:
0x198: {  	v19 =	vld [tilespmem:s2+$0x30];
	s28 =	sadd.s32 $0x8, s28;
	[tilespmem:s0+$0x30] =	vst v18  }
0x199: {  	v18 =	vld [tilespmem:s2+$0xFFFFFFD0];
	p0 =	slt.u32 s28, $0x238;
	[tilespmem:s0+$0xFFFFFFD0] =	vst v15  }
0x19a: {  	v15 =	vld [tilespmem:s2+$0xFFFFFFE0];
	[tilespmem:s0+$0xFFFFFFE0] =	vst v16  }
0x19b: {  	v16 =	vld [tilespmem:s2+$0xFFFFFFF0];
	[tilespmem:s0+$0xFFFFFFF0] =	vst v14  }
0x19c: {  	v14 =	vld [tilespmem:s2+$0x0];
	[tilespmem:s0+$0x0] =	vst v13  }
0x19d: {  	v13 =	vld [tilespmem:s2+$0x10];
	v19 =	vadd.s32 v3, v19;
	[tilespmem:s0+$0x10] =	vst v17  }
0x19e: {  	v17 =	vadd.s32 v3, v18;
	v20 =	vld [tilespmem:s2+$0x20]  }
0x19f: {  	v21 =	vld [tilespmem:s2+$0xFFFFFFC0];
	v22 =	vadd.s32 v3, v15  }
0x1a0: {  	v23 =	vadd.s32 v3, v16;
	v24 =	vld.idx.msk [tilespmem:v12+s1+$0x0], $0xffff  }
0x1a1: {  	v25 =	vadd.s32 v3, v14;
	v26 =	vld.idx.msk [tilespmem:v11+s1+$0x0], $0xffff  }
0x1a2: {  	v27 =	vadd.s32 v3, v13;
	v18 =	vld.idx.msk [tilespmem:v19+s1+$0x0], $0xffff  }
.Ltmp14:
0x1a3: {  	v15 =	vld.idx.msk [tilespmem:v17+s1+$0x0], $0xffff;
	v11 =	vadd.s32 v3, v20;
	(pc) =	sbr.rel @p0 .LBB2_30-.Ltmp14, $4  }
0x1a4: {  	v12 =	vadd.s32 v3, v21;
	v16 =	vld.idx.msk [tilespmem:v22+s1+$0x0], $0xffff  }
0x1a5: {  	v14 =	vld.idx.msk [tilespmem:v23+s1+$0x0], $0xffff  }
0x1a6: {  	v13 =	vld.idx.msk [tilespmem:v25+s1+$0x0], $0xffff;
	[tilespmem:s0+$0xFFFFFFC0] =	vst v24  }
0x1a7: {  	s2 =	sadd.s32 $0x100, s2;
	v17 =	vld.idx.msk [tilespmem:v27+s1+$0x0], $0xffff;
	[tilespmem:s0+$0x20] =	vst v26;
	s0 =	sadd.s32 $0x100, s0  }
0x1a8: {  	_ =	sdelay $0x2  }
0x1a9: {  	[tilespmem:s0+$0x30] =	vst v18  }
0x1aa: {  	[tilespmem:s0+$0xFFFFFFD0] =	vst v15;
	v12 =	vld.idx.msk [tilespmem:v12+s1+$0x0], $0xffff  }
0x1ab: {  	v11 =	vld.idx.msk [tilespmem:v11+s1+$0x0], $0xffff;
	[tilespmem:s0+$0xFFFFFFE0] =	vst v16  }
0x1ac: {  	[tilespmem:s0+$0xFFFFFFF0] =	vst v14  }
0x1ad: {  	[tilespmem:s0+$0x0] =	vst v13  }
0x1ae: {  	[tilespmem:s0+$0x10] =	vst v17  }
0x1af: {  	[tilespmem:s0+$0xFFFFFFC0] =	vst v12  }
0x1b0: {  	[tilespmem:s0+$0x20] =	vst v11  }
0x1b1: {  	v11 =	vld [tilespmem:$0xB000];
	_ =	sdelay $0x4  }
0x1b2: {  	v11 =	vadd.s32 v3, v11;
	_ =	sdelay $0x3  }
0x1b3: {  	s4 =	simm.s32 $0x0  }
0x1b4: {  	v11 =	vld.idx.msk [tilespmem:v11+s4+$0x0], $0xffff;
	_ =	sdelay $0x4  }
0x1b5: {  	s5 =	simm.s32 $0x4;
	[tilespmem:$0xF900] =	vst v11  }
0x1b6: {  	_ =	swait.ge [sflag:s5], $0x2480  }
0x1b7: {  	s2 =	simm.s32 $0x80;
	s3 =	sadd.s32 $0x0, s20;
	[sflag:s5] =	ssyncset.done $0x0  }
0x1b8: {  	s28 =	simm.s32 $0xB200;
	s0 =	simm.s32 $0xB100;
	[sflag:s5] =	ssyncadd.s32 $0xFFFFDB80  }
.LBB2_32:
0x1b9: {  	[hbm4b:s3+s1] =	stream.linear.scatter [tilespmem:s0], [sflag:$0x3], $0x80, $0x38;
	[tilespmem:$0xFA00] =	vst v63  }
0x1ba: {  	s3 =	smov.u32 s2;
	s0 =	smov.u32 s28;
	p0 =	sne.s32 s2, $0x2400  }
.Ltmp15:
0x1bb: {  	s2 =	sadd.s32 $0x80, s2;
	(pc) =	sbr.rel @p0 .LBB2_32-.Ltmp15, $2  }
0x1bc: {  	_ =	sdelay $0x2  }
0x1bd: {  	s28 =	sadd.s32 $0x100, s28;
	s3 =	sadd.s32 s3, s20  }
0x1be: {  	[hbm4b:s3+s1] =	stream.linear.scatter [tilespmem:s0], [sflag:$0x3], $0x80, $0x38;
	[tilespmem:$0xFA00] =	vst v63  }
0x1bf: {  	s0 =	simm.s32 $0x6800  }
0x1c0: {  	s2 =	simm.s32 $0x80;
	s3 =	sadd.s32 $0x0, s7;
	s28 =	simm.s32 $0x6900  }
.LBB2_34:
0x1c1: {  	[tilespmem:s0], [sflag:$0x1] =	stream.linear.gather [hbm4b:s3+s1], $0x80, $0x38;
	[tilespmem:$0xFA00] =	vst v63  }
0x1c2: {  	s3 =	smov.u32 s2;
	s0 =	smov.u32 s28;
	p0 =	sne.s32 s2, $0x2400  }
.Ltmp16:
0x1c3: {  	s2 =	sadd.s32 $0x80, s2;
	(pc) =	sbr.rel @p0 .LBB2_34-.Ltmp16, $2  }
0x1c4: {  	_ =	sdelay $0x2  }
0x1c5: {  	s28 =	sadd.s32 $0x100, s28;
	s3 =	sadd.s32 s3, s7  }
0x1c6: {  	[tilespmem:s0], [sflag:$0x1] =	stream.linear.gather [hbm4b:s3+s1], $0x80, $0x38;
	[tilespmem:$0xFA00] =	vst v63  }
0x1c7: {  	s4 =	simm.s32 $0x2  }
0x1c8: {  	_ =	swait.ge [sflag:s4], $0x2480  }
0x1c9: {  	[sflag:s4] =	ssyncset.done $0x0  }
0x1ca: {  	s5 =	simm.s32 $0x68F0;
	[sflag:s4] =	ssyncadd.s32 $0xFFFFDB80  }
0x1cb: {  	v11 =	vld [tilespmem:s5+$0x0]  }
0x1cc: {  	v12 =	vld [tilespmem:s5+$0xFFFFFFA0]  }
0x1cd: {  	v13 =	vld [tilespmem:s5+$0xFFFFFFB0]  }
0x1ce: {  	v14 =	vld [tilespmem:s5+$0xFFFFFFC0]  }
0x1cf: {  	v15 =	vld [tilespmem:s5+$0xFFFFFFD0]  }
0x1d0: {  	v16 =	vld [tilespmem:s5+$0xFFFFFFE0];
	v11 =	vadd.s32 v4, v11  }
0x1d1: {  	v12 =	vadd.s32 v4, v12  }
0x1d2: {  	v13 =	vadd.s32 v4, v13  }
0x1d3: {  	v17 =	vld [tilespmem:s5+$0xFFFFFFF0];
	v14 =	vadd.s32 v4, v14  }
0x1d4: {  	v19 =	vld [tilespmem:s5+$0xFFFFFF90];
	v20 =	vadd.s32 v4, v15  }
0x1d5: {  	v21 =	vadd.s32 v4, v16;
	v18 =	vld.idx.msk [tilespmem:v11+s1+$0x0], $0xffff  }
0x1d6: {  	v15 =	vld.idx.msk [tilespmem:v12+s1+$0x0], $0xffff  }
0x1d7: {  	v16 =	vld.idx.msk [tilespmem:v13+s1+$0x0], $0xffff  }
0x1d8: {  	v14 =	vld.idx.msk [tilespmem:v14+s1+$0x0], $0xffff  }
0x1d9: {  	v13 =	vld.idx.msk [tilespmem:v20+s1+$0x0], $0xffff  }
0x1da: {  	s0 =	simm.s32 $0xB1F0;
	s28 =	simm.s32 $0x0;
	s2 =	simm.s32 $0x69F0;
	v11 =	vadd.s32 v4, v17;
	v12 =	vadd.s32 v4, v19;
	v17 =	vld.idx.msk [tilespmem:v21+s1+$0x0], $0xffff  }
.LBB2_36:
0x1db: {  	v19 =	vld [tilespmem:s2+$0x0];
	s28 =	sadd.s32 $0x8, s28;
	[tilespmem:s0+$0x0] =	vst v18  }
0x1dc: {  	v18 =	vld [tilespmem:s2+$0xFFFFFFA0];
	p0 =	slt.u32 s28, $0x238;
	[tilespmem:s0+$0xFFFFFFA0] =	vst v15  }
0x1dd: {  	v15 =	vld [tilespmem:s2+$0xFFFFFFB0];
	[tilespmem:s0+$0xFFFFFFB0] =	vst v16  }
0x1de: {  	v16 =	vld [tilespmem:s2+$0xFFFFFFC0];
	[tilespmem:s0+$0xFFFFFFC0] =	vst v14  }
0x1df: {  	v14 =	vld [tilespmem:s2+$0xFFFFFFD0];
	[tilespmem:s0+$0xFFFFFFD0] =	vst v13  }
0x1e0: {  	v13 =	vld [tilespmem:s2+$0xFFFFFFE0];
	v19 =	vadd.s32 v4, v19;
	[tilespmem:s0+$0xFFFFFFE0] =	vst v17  }
0x1e1: {  	v17 =	vadd.s32 v4, v18;
	v20 =	vld [tilespmem:s2+$0xFFFFFFF0]  }
0x1e2: {  	v21 =	vld [tilespmem:s2+$0xFFFFFF90];
	v22 =	vadd.s32 v4, v15  }
0x1e3: {  	v23 =	vadd.s32 v4, v16;
	v24 =	vld.idx.msk [tilespmem:v12+s1+$0x0], $0xffff  }
0x1e4: {  	v25 =	vadd.s32 v4, v14;
	v26 =	vld.idx.msk [tilespmem:v11+s1+$0x0], $0xffff  }
0x1e5: {  	v27 =	vadd.s32 v4, v13;
	v18 =	vld.idx.msk [tilespmem:v19+s1+$0x0], $0xffff  }
.Ltmp17:
0x1e6: {  	v15 =	vld.idx.msk [tilespmem:v17+s1+$0x0], $0xffff;
	v11 =	vadd.s32 v4, v20;
	(pc) =	sbr.rel @p0 .LBB2_36-.Ltmp17, $4  }
0x1e7: {  	v12 =	vadd.s32 v4, v21;
	v16 =	vld.idx.msk [tilespmem:v22+s1+$0x0], $0xffff  }
0x1e8: {  	v14 =	vld.idx.msk [tilespmem:v23+s1+$0x0], $0xffff  }
0x1e9: {  	v13 =	vld.idx.msk [tilespmem:v25+s1+$0x0], $0xffff;
	[tilespmem:s0+$0xFFFFFF90] =	vst v24  }
0x1ea: {  	s2 =	sadd.s32 $0x100, s2;
	v17 =	vld.idx.msk [tilespmem:v27+s1+$0x0], $0xffff;
	[tilespmem:s0+$0xFFFFFFF0] =	vst v26;
	s0 =	sadd.s32 $0x100, s0  }
0x1eb: {  	_ =	sdelay $0x2  }
0x1ec: {  	[tilespmem:s0+$0x0] =	vst v18  }
0x1ed: {  	[tilespmem:s0+$0xFFFFFFA0] =	vst v15;
	v12 =	vld.idx.msk [tilespmem:v12+s1+$0x0], $0xffff  }
0x1ee: {  	v11 =	vld.idx.msk [tilespmem:v11+s1+$0x0], $0xffff;
	[tilespmem:s0+$0xFFFFFFB0] =	vst v16  }
0x1ef: {  	[tilespmem:s0+$0xFFFFFFC0] =	vst v14  }
0x1f0: {  	[tilespmem:s0+$0xFFFFFFD0] =	vst v13  }
0x1f1: {  	[tilespmem:s0+$0xFFFFFFE0] =	vst v17  }
0x1f2: {  	[tilespmem:s0+$0xFFFFFF90] =	vst v12  }
0x1f3: {  	[tilespmem:s0+$0xFFFFFFF0] =	vst v11  }
0x1f4: {  	v11 =	vld [tilespmem:$0xB080];
	_ =	sdelay $0x4  }
0x1f5: {  	v11 =	vadd.s32 v4, v11;
	_ =	sdelay $0x3  }
0x1f6: {  	s4 =	simm.s32 $0x0  }
0x1f7: {  	v11 =	vld.idx.msk [tilespmem:v11+s4+$0x0], $0xffff;
	_ =	sdelay $0x4  }
0x1f8: {  	s5 =	simm.s32 $0x3;
	[tilespmem:$0xF980] =	vst v11  }
0x1f9: {  	_ =	swait.ge [sflag:s5], $0x2480  }
0x1fa: {  	s2 =	simm.s32 $0x80;
	s3 =	sadd.s32 $0x0, s21;
	[sflag:s5] =	ssyncset.done $0x0  }
0x1fb: {  	s28 =	simm.s32 $0xB280;
	s0 =	simm.s32 $0xB180;
	[sflag:s5] =	ssyncadd.s32 $0xFFFFDB80  }
.LBB2_38:
0x1fc: {  	[hbm4b:s3+s1] =	stream.linear.scatter [tilespmem:s0], [sflag:$0x4], $0x80, $0x38;
	[tilespmem:$0xFA00] =	vst v63  }
0x1fd: {  	s3 =	smov.u32 s2;
	s0 =	smov.u32 s28;
	p0 =	sne.s32 s2, $0x2400  }
.Ltmp18:
0x1fe: {  	s2 =	sadd.s32 $0x80, s2;
	(pc) =	sbr.rel @p0 .LBB2_38-.Ltmp18, $2  }
0x1ff: {  	_ =	sdelay $0x2  }
0x200: {  	s28 =	sadd.s32 $0x100, s28;
	s3 =	sadd.s32 s3, s21  }
0x201: {  	[hbm4b:s3+s1] =	stream.linear.scatter [tilespmem:s0], [sflag:$0x4], $0x80, $0x38;
	[tilespmem:$0xFA00] =	vst v63  }
0x202: {  	s0 =	simm.s32 $0x6880  }
0x203: {  	s2 =	simm.s32 $0x80;
	s3 =	sadd.s32 $0x0, s8;
	s28 =	simm.s32 $0x6980  }
.LBB2_40:
0x204: {  	[tilespmem:s0], [sflag:$0x2] =	stream.linear.gather [hbm4b:s3+s1], $0x80, $0x38;
	[tilespmem:$0xFA00] =	vst v63  }
0x205: {  	s3 =	smov.u32 s2;
	s0 =	smov.u32 s28;
	p0 =	sne.s32 s2, $0x2400  }
.Ltmp19:
0x206: {  	s2 =	sadd.s32 $0x80, s2;
	(pc) =	sbr.rel @p0 .LBB2_40-.Ltmp19, $2  }
0x207: {  	_ =	sdelay $0x2  }
0x208: {  	s28 =	sadd.s32 $0x100, s28;
	s3 =	sadd.s32 s3, s8  }
0x209: {  	[tilespmem:s0], [sflag:$0x2] =	stream.linear.gather [hbm4b:s3+s1], $0x80, $0x38;
	[tilespmem:$0xFA00] =	vst v63  }
0x20a: {  	s4 =	simm.s32 $0x1  }
0x20b: {  	_ =	swait.ge [sflag:s4], $0x2480  }
0x20c: {  	[sflag:s4] =	ssyncset.done $0x0  }
0x20d: {  	s5 =	simm.s32 $0x6840;
	[sflag:s4] =	ssyncadd.s32 $0xFFFFDB80  }
0x20e: {  	v11 =	vld [tilespmem:s5+$0x30]  }
0x20f: {  	v12 =	vld [tilespmem:s5+$0xFFFFFFD0]  }
0x210: {  	v13 =	vld [tilespmem:s5+$0xFFFFFFE0]  }
0x211: {  	v14 =	vld [tilespmem:s5+$0xFFFFFFF0]  }
0x212: {  	v15 =	vld [tilespmem:s5+$0x0]  }
0x213: {  	v16 =	vld [tilespmem:s5+$0x10];
	v11 =	vadd.s32 v5, v11  }
0x214: {  	v12 =	vadd.s32 v5, v12  }
0x215: {  	v13 =	vadd.s32 v5, v13  }
0x216: {  	v17 =	vld [tilespmem:s5+$0x20];
	v14 =	vadd.s32 v5, v14  }
0x217: {  	v19 =	vld [tilespmem:s5+$0xFFFFFFC0];
	v20 =	vadd.s32 v5, v15  }
0x218: {  	v21 =	vadd.s32 v5, v16;
	v18 =	vld.idx.msk [tilespmem:v11+s1+$0x0], $0xffff  }
0x219: {  	v15 =	vld.idx.msk [tilespmem:v12+s1+$0x0], $0xffff  }
0x21a: {  	v16 =	vld.idx.msk [tilespmem:v13+s1+$0x0], $0xffff  }
0x21b: {  	v14 =	vld.idx.msk [tilespmem:v14+s1+$0x0], $0xffff  }
0x21c: {  	v13 =	vld.idx.msk [tilespmem:v20+s1+$0x0], $0xffff  }
0x21d: {  	s0 =	simm.s32 $0xB140;
	s28 =	simm.s32 $0x0;
	s2 =	simm.s32 $0x6940;
	v11 =	vadd.s32 v5, v17;
	v12 =	vadd.s32 v5, v19;
	v17 =	vld.idx.msk [tilespmem:v21+s1+$0x0], $0xffff  }
.LBB2_42:
0x21e: {  	v19 =	vld [tilespmem:s2+$0x30];
	s28 =	sadd.s32 $0x8, s28;
	[tilespmem:s0+$0x30] =	vst v18  }
0x21f: {  	v18 =	vld [tilespmem:s2+$0xFFFFFFD0];
	p0 =	slt.u32 s28, $0x238;
	[tilespmem:s0+$0xFFFFFFD0] =	vst v15  }
0x220: {  	v15 =	vld [tilespmem:s2+$0xFFFFFFE0];
	[tilespmem:s0+$0xFFFFFFE0] =	vst v16  }
0x221: {  	v16 =	vld [tilespmem:s2+$0xFFFFFFF0];
	[tilespmem:s0+$0xFFFFFFF0] =	vst v14  }
0x222: {  	v14 =	vld [tilespmem:s2+$0x0];
	[tilespmem:s0+$0x0] =	vst v13  }
0x223: {  	v13 =	vld [tilespmem:s2+$0x10];
	v19 =	vadd.s32 v5, v19;
	[tilespmem:s0+$0x10] =	vst v17  }
0x224: {  	v17 =	vadd.s32 v5, v18;
	v20 =	vld [tilespmem:s2+$0x20]  }
0x225: {  	v21 =	vld [tilespmem:s2+$0xFFFFFFC0];
	v22 =	vadd.s32 v5, v15  }
0x226: {  	v23 =	vadd.s32 v5, v16;
	v24 =	vld.idx.msk [tilespmem:v12+s1+$0x0], $0xffff  }
0x227: {  	v25 =	vadd.s32 v5, v14;
	v26 =	vld.idx.msk [tilespmem:v11+s1+$0x0], $0xffff  }
0x228: {  	v27 =	vadd.s32 v5, v13;
	v18 =	vld.idx.msk [tilespmem:v19+s1+$0x0], $0xffff  }
.Ltmp20:
0x229: {  	v15 =	vld.idx.msk [tilespmem:v17+s1+$0x0], $0xffff;
	v11 =	vadd.s32 v5, v20;
	(pc) =	sbr.rel @p0 .LBB2_42-.Ltmp20, $4  }
0x22a: {  	v12 =	vadd.s32 v5, v21;
	v16 =	vld.idx.msk [tilespmem:v22+s1+$0x0], $0xffff  }
0x22b: {  	v14 =	vld.idx.msk [tilespmem:v23+s1+$0x0], $0xffff  }
0x22c: {  	v13 =	vld.idx.msk [tilespmem:v25+s1+$0x0], $0xffff;
	[tilespmem:s0+$0xFFFFFFC0] =	vst v24  }
0x22d: {  	s2 =	sadd.s32 $0x100, s2;
	v17 =	vld.idx.msk [tilespmem:v27+s1+$0x0], $0xffff;
	[tilespmem:s0+$0x20] =	vst v26;
	s0 =	sadd.s32 $0x100, s0  }
0x22e: {  	_ =	sdelay $0x2  }
0x22f: {  	[tilespmem:s0+$0x30] =	vst v18  }
0x230: {  	[tilespmem:s0+$0xFFFFFFD0] =	vst v15;
	v12 =	vld.idx.msk [tilespmem:v12+s1+$0x0], $0xffff  }
0x231: {  	v11 =	vld.idx.msk [tilespmem:v11+s1+$0x0], $0xffff;
	[tilespmem:s0+$0xFFFFFFE0] =	vst v16  }
0x232: {  	[tilespmem:s0+$0xFFFFFFF0] =	vst v14  }
0x233: {  	[tilespmem:s0+$0x0] =	vst v13  }
0x234: {  	[tilespmem:s0+$0x10] =	vst v17  }
0x235: {  	[tilespmem:s0+$0xFFFFFFC0] =	vst v12  }
0x236: {  	[tilespmem:s0+$0x20] =	vst v11  }
0x237: {  	v11 =	vld [tilespmem:$0xB000];
	_ =	sdelay $0x4  }
0x238: {  	v11 =	vadd.s32 v5, v11;
	_ =	sdelay $0x3  }
0x239: {  	s4 =	simm.s32 $0x0  }
0x23a: {  	v11 =	vld.idx.msk [tilespmem:v11+s4+$0x0], $0xffff;
	_ =	sdelay $0x4  }
0x23b: {  	s5 =	simm.s32 $0x4;
	[tilespmem:$0xF900] =	vst v11  }
0x23c: {  	_ =	swait.ge [sflag:s5], $0x2480  }
0x23d: {  	s2 =	simm.s32 $0x80;
	s3 =	sadd.s32 $0x0, s22;
	[sflag:s5] =	ssyncset.done $0x0  }
0x23e: {  	s28 =	simm.s32 $0xB200;
	s0 =	simm.s32 $0xB100;
	[sflag:s5] =	ssyncadd.s32 $0xFFFFDB80  }
.LBB2_44:
0x23f: {  	[hbm4b:s3+s1] =	stream.linear.scatter [tilespmem:s0], [sflag:$0x3], $0x80, $0x38;
	[tilespmem:$0xFA00] =	vst v63  }
0x240: {  	s3 =	smov.u32 s2;
	s0 =	smov.u32 s28;
	p0 =	sne.s32 s2, $0x2400  }
.Ltmp21:
0x241: {  	s2 =	sadd.s32 $0x80, s2;
	(pc) =	sbr.rel @p0 .LBB2_44-.Ltmp21, $2  }
0x242: {  	_ =	sdelay $0x2  }
0x243: {  	s28 =	sadd.s32 $0x100, s28;
	s3 =	sadd.s32 s3, s22  }
0x244: {  	[hbm4b:s3+s1] =	stream.linear.scatter [tilespmem:s0], [sflag:$0x3], $0x80, $0x38;
	[tilespmem:$0xFA00] =	vst v63  }
0x245: {  	s0 =	simm.s32 $0x6800  }
0x246: {  	s2 =	simm.s32 $0x80;
	s3 =	sadd.s32 $0x0, s9;
	s28 =	simm.s32 $0x6900  }
.LBB2_46:
0x247: {  	[tilespmem:s0], [sflag:$0x1] =	stream.linear.gather [hbm4b:s3+s1], $0x80, $0x38;
	[tilespmem:$0xFA00] =	vst v63  }
0x248: {  	s3 =	smov.u32 s2;
	s0 =	smov.u32 s28;
	p0 =	sne.s32 s2, $0x2400  }
.Ltmp22:
0x249: {  	s2 =	sadd.s32 $0x80, s2;
	(pc) =	sbr.rel @p0 .LBB2_46-.Ltmp22, $2  }
0x24a: {  	_ =	sdelay $0x2  }
0x24b: {  	s28 =	sadd.s32 $0x100, s28;
	s3 =	sadd.s32 s3, s9  }
0x24c: {  	[tilespmem:s0], [sflag:$0x1] =	stream.linear.gather [hbm4b:s3+s1], $0x80, $0x38;
	[tilespmem:$0xFA00] =	vst v63  }
0x24d: {  	s4 =	simm.s32 $0x2  }
0x24e: {  	_ =	swait.ge [sflag:s4], $0x2480  }
0x24f: {  	[sflag:s4] =	ssyncset.done $0x0  }
0x250: {  	s5 =	simm.s32 $0x68F0;
	[sflag:s4] =	ssyncadd.s32 $0xFFFFDB80  }
0x251: {  	v11 =	vld [tilespmem:s5+$0x0]  }
0x252: {  	v12 =	vld [tilespmem:s5+$0xFFFFFFA0]  }
0x253: {  	v13 =	vld [tilespmem:s5+$0xFFFFFFB0]  }
0x254: {  	v14 =	vld [tilespmem:s5+$0xFFFFFFC0]  }
0x255: {  	v15 =	vld [tilespmem:s5+$0xFFFFFFD0]  }
0x256: {  	v16 =	vld [tilespmem:s5+$0xFFFFFFE0];
	v11 =	vadd.s32 $0x33D8, v11  }
0x257: {  	v12 =	vadd.s32 $0x33D8, v12  }
0x258: {  	v13 =	vadd.s32 $0x33D8, v13  }
0x259: {  	v17 =	vld [tilespmem:s5+$0xFFFFFFF0];
	v14 =	vadd.s32 $0x33D8, v14  }
0x25a: {  	v19 =	vld [tilespmem:s5+$0xFFFFFF90];
	v20 =	vadd.s32 $0x33D8, v15  }
0x25b: {  	v21 =	vadd.s32 $0x33D8, v16;
	v18 =	vld.idx.msk [tilespmem:v11+s1+$0x0], $0xffff  }
0x25c: {  	v15 =	vld.idx.msk [tilespmem:v12+s1+$0x0], $0xffff  }
0x25d: {  	v16 =	vld.idx.msk [tilespmem:v13+s1+$0x0], $0xffff  }
0x25e: {  	v14 =	vld.idx.msk [tilespmem:v14+s1+$0x0], $0xffff  }
0x25f: {  	v13 =	vld.idx.msk [tilespmem:v20+s1+$0x0], $0xffff  }
0x260: {  	s0 =	simm.s32 $0xB1F0;
	s28 =	simm.s32 $0x0;
	s2 =	simm.s32 $0x69F0;
	v11 =	vadd.s32 $0x33D8, v17;
	v12 =	vadd.s32 $0x33D8, v19;
	v17 =	vld.idx.msk [tilespmem:v21+s1+$0x0], $0xffff  }
.LBB2_48:
0x261: {  	v19 =	vld [tilespmem:s2+$0x0];
	s28 =	sadd.s32 $0x8, s28;
	[tilespmem:s0+$0x0] =	vst v18  }
0x262: {  	v18 =	vld [tilespmem:s2+$0xFFFFFFA0];
	p0 =	slt.u32 s28, $0x238;
	[tilespmem:s0+$0xFFFFFFA0] =	vst v15  }
0x263: {  	v15 =	vld [tilespmem:s2+$0xFFFFFFB0];
	[tilespmem:s0+$0xFFFFFFB0] =	vst v16  }
0x264: {  	v16 =	vld [tilespmem:s2+$0xFFFFFFC0];
	[tilespmem:s0+$0xFFFFFFC0] =	vst v14  }
0x265: {  	v14 =	vld [tilespmem:s2+$0xFFFFFFD0];
	[tilespmem:s0+$0xFFFFFFD0] =	vst v13  }
0x266: {  	v13 =	vld [tilespmem:s2+$0xFFFFFFE0];
	v19 =	vadd.s32 $0x33D8, v19;
	[tilespmem:s0+$0xFFFFFFE0] =	vst v17  }
0x267: {  	v17 =	vadd.s32 $0x33D8, v18;
	v20 =	vld [tilespmem:s2+$0xFFFFFFF0]  }
0x268: {  	v21 =	vld [tilespmem:s2+$0xFFFFFF90];
	v22 =	vadd.s32 $0x33D8, v15  }
0x269: {  	v23 =	vadd.s32 $0x33D8, v16;
	v24 =	vld.idx.msk [tilespmem:v12+s1+$0x0], $0xffff  }
0x26a: {  	v25 =	vadd.s32 $0x33D8, v14;
	v26 =	vld.idx.msk [tilespmem:v11+s1+$0x0], $0xffff  }
0x26b: {  	v27 =	vadd.s32 $0x33D8, v13;
	v18 =	vld.idx.msk [tilespmem:v19+s1+$0x0], $0xffff  }
.Ltmp23:
0x26c: {  	v15 =	vld.idx.msk [tilespmem:v17+s1+$0x0], $0xffff;
	v11 =	vadd.s32 $0x33D8, v20;
	(pc) =	sbr.rel @p0 .LBB2_48-.Ltmp23, $4  }
0x26d: {  	v12 =	vadd.s32 $0x33D8, v21;
	v16 =	vld.idx.msk [tilespmem:v22+s1+$0x0], $0xffff  }
0x26e: {  	v14 =	vld.idx.msk [tilespmem:v23+s1+$0x0], $0xffff  }
0x26f: {  	v13 =	vld.idx.msk [tilespmem:v25+s1+$0x0], $0xffff;
	[tilespmem:s0+$0xFFFFFF90] =	vst v24  }
0x270: {  	s2 =	sadd.s32 $0x100, s2;
	v17 =	vld.idx.msk [tilespmem:v27+s1+$0x0], $0xffff;
	[tilespmem:s0+$0xFFFFFFF0] =	vst v26;
	s0 =	sadd.s32 $0x100, s0  }
0x271: {  	_ =	sdelay $0x2  }
0x272: {  	[tilespmem:s0+$0x0] =	vst v18  }
0x273: {  	[tilespmem:s0+$0xFFFFFFA0] =	vst v15;
	v12 =	vld.idx.msk [tilespmem:v12+s1+$0x0], $0xffff  }
0x274: {  	v11 =	vld.idx.msk [tilespmem:v11+s1+$0x0], $0xffff;
	[tilespmem:s0+$0xFFFFFFB0] =	vst v16  }
0x275: {  	[tilespmem:s0+$0xFFFFFFC0] =	vst v14  }
0x276: {  	[tilespmem:s0+$0xFFFFFFD0] =	vst v13  }
0x277: {  	[tilespmem:s0+$0xFFFFFFE0] =	vst v17  }
0x278: {  	[tilespmem:s0+$0xFFFFFF90] =	vst v12  }
0x279: {  	[tilespmem:s0+$0xFFFFFFF0] =	vst v11  }
0x27a: {  	v11 =	vld [tilespmem:$0xB080];
	_ =	sdelay $0x4  }
0x27b: {  	v11 =	vadd.s32 $0x33D8, v11;
	_ =	sdelay $0x3  }
0x27c: {  	s4 =	simm.s32 $0x0  }
0x27d: {  	v11 =	vld.idx.msk [tilespmem:v11+s4+$0x0], $0xffff;
	_ =	sdelay $0x4  }
0x27e: {  	s5 =	simm.s32 $0x3;
	[tilespmem:$0xF980] =	vst v11  }
0x27f: {  	_ =	swait.ge [sflag:s5], $0x2480  }
0x280: {  	s2 =	simm.s32 $0x80;
	s3 =	sadd.s32 $0x0, s23;
	[sflag:s5] =	ssyncset.done $0x0  }
0x281: {  	s28 =	simm.s32 $0xB280;
	s0 =	simm.s32 $0xB180;
	[sflag:s5] =	ssyncadd.s32 $0xFFFFDB80  }
.LBB2_50:
0x282: {  	[hbm4b:s3+s1] =	stream.linear.scatter [tilespmem:s0], [sflag:$0x4], $0x80, $0x38;
	[tilespmem:$0xFA00] =	vst v63  }
0x283: {  	s3 =	smov.u32 s2;
	s0 =	smov.u32 s28;
	p0 =	sne.s32 s2, $0x2400  }
.Ltmp24:
0x284: {  	s2 =	sadd.s32 $0x80, s2;
	(pc) =	sbr.rel @p0 .LBB2_50-.Ltmp24, $2  }
0x285: {  	_ =	sdelay $0x2  }
0x286: {  	s28 =	sadd.s32 $0x100, s28;
	s3 =	sadd.s32 s3, s23  }
0x287: {  	[hbm4b:s3+s1] =	stream.linear.scatter [tilespmem:s0], [sflag:$0x4], $0x80, $0x38;
	[tilespmem:$0xFA00] =	vst v63  }
0x288: {  	s0 =	simm.s32 $0x6880  }
0x289: {  	s2 =	simm.s32 $0x80;
	s3 =	sadd.s32 $0x0, s10;
	s28 =	simm.s32 $0x6980  }
.LBB2_52:
0x28a: {  	[tilespmem:s0], [sflag:$0x2] =	stream.linear.gather [hbm4b:s3+s1], $0x80, $0x38;
	[tilespmem:$0xFA00] =	vst v63  }
0x28b: {  	s3 =	smov.u32 s2;
	s0 =	smov.u32 s28;
	p0 =	sne.s32 s2, $0x2400  }
.Ltmp25:
0x28c: {  	s2 =	sadd.s32 $0x80, s2;
	(pc) =	sbr.rel @p0 .LBB2_52-.Ltmp25, $2  }
0x28d: {  	_ =	sdelay $0x2  }
0x28e: {  	s28 =	sadd.s32 $0x100, s28;
	s3 =	sadd.s32 s3, s10  }
0x28f: {  	[tilespmem:s0], [sflag:$0x2] =	stream.linear.gather [hbm4b:s3+s1], $0x80, $0x38;
	[tilespmem:$0xFA00] =	vst v63  }
0x290: {  	s4 =	simm.s32 $0x1  }
0x291: {  	_ =	swait.ge [sflag:s4], $0x2480  }
0x292: {  	[sflag:s4] =	ssyncset.done $0x0  }
0x293: {  	s5 =	simm.s32 $0x6840;
	[sflag:s4] =	ssyncadd.s32 $0xFFFFDB80  }
0x294: {  	v11 =	vld [tilespmem:s5+$0x30]  }
0x295: {  	v12 =	vld [tilespmem:s5+$0xFFFFFFD0]  }
0x296: {  	v13 =	vld [tilespmem:s5+$0xFFFFFFE0]  }
0x297: {  	v14 =	vld [tilespmem:s5+$0xFFFFFFF0]  }
0x298: {  	v15 =	vld [tilespmem:s5+$0x0]  }
0x299: {  	v16 =	vld [tilespmem:s5+$0x10];
	v11 =	vadd.s32 v6, v11  }
0x29a: {  	v12 =	vadd.s32 v6, v12  }
0x29b: {  	v13 =	vadd.s32 v6, v13  }
0x29c: {  	v17 =	vld [tilespmem:s5+$0x20];
	v14 =	vadd.s32 v6, v14  }
0x29d: {  	v19 =	vld [tilespmem:s5+$0xFFFFFFC0];
	v20 =	vadd.s32 v6, v15  }
0x29e: {  	v21 =	vadd.s32 v6, v16;
	v18 =	vld.idx.msk [tilespmem:v11+s1+$0x0], $0xffff  }
0x29f: {  	v15 =	vld.idx.msk [tilespmem:v12+s1+$0x0], $0xffff  }
0x2a0: {  	v16 =	vld.idx.msk [tilespmem:v13+s1+$0x0], $0xffff  }
0x2a1: {  	v14 =	vld.idx.msk [tilespmem:v14+s1+$0x0], $0xffff  }
0x2a2: {  	v13 =	vld.idx.msk [tilespmem:v20+s1+$0x0], $0xffff  }
0x2a3: {  	s0 =	simm.s32 $0xB140;
	s28 =	simm.s32 $0x0;
	s2 =	simm.s32 $0x6940;
	v11 =	vadd.s32 v6, v17;
	v12 =	vadd.s32 v6, v19;
	v17 =	vld.idx.msk [tilespmem:v21+s1+$0x0], $0xffff  }
.LBB2_54:
0x2a4: {  	v19 =	vld [tilespmem:s2+$0x30];
	s28 =	sadd.s32 $0x8, s28;
	[tilespmem:s0+$0x30] =	vst v18  }
0x2a5: {  	v18 =	vld [tilespmem:s2+$0xFFFFFFD0];
	p0 =	slt.u32 s28, $0x238;
	[tilespmem:s0+$0xFFFFFFD0] =	vst v15  }
0x2a6: {  	v15 =	vld [tilespmem:s2+$0xFFFFFFE0];
	[tilespmem:s0+$0xFFFFFFE0] =	vst v16  }
0x2a7: {  	v16 =	vld [tilespmem:s2+$0xFFFFFFF0];
	[tilespmem:s0+$0xFFFFFFF0] =	vst v14  }
0x2a8: {  	v14 =	vld [tilespmem:s2+$0x0];
	[tilespmem:s0+$0x0] =	vst v13  }
0x2a9: {  	v13 =	vld [tilespmem:s2+$0x10];
	v19 =	vadd.s32 v6, v19;
	[tilespmem:s0+$0x10] =	vst v17  }
0x2aa: {  	v17 =	vadd.s32 v6, v18;
	v20 =	vld [tilespmem:s2+$0x20]  }
0x2ab: {  	v21 =	vld [tilespmem:s2+$0xFFFFFFC0];
	v22 =	vadd.s32 v6, v15  }
0x2ac: {  	v23 =	vadd.s32 v6, v16;
	v24 =	vld.idx.msk [tilespmem:v12+s1+$0x0], $0xffff  }
0x2ad: {  	v25 =	vadd.s32 v6, v14;
	v26 =	vld.idx.msk [tilespmem:v11+s1+$0x0], $0xffff  }
0x2ae: {  	v27 =	vadd.s32 v6, v13;
	v18 =	vld.idx.msk [tilespmem:v19+s1+$0x0], $0xffff  }
.Ltmp26:
0x2af: {  	v15 =	vld.idx.msk [tilespmem:v17+s1+$0x0], $0xffff;
	v11 =	vadd.s32 v6, v20;
	(pc) =	sbr.rel @p0 .LBB2_54-.Ltmp26, $4  }
0x2b0: {  	v12 =	vadd.s32 v6, v21;
	v16 =	vld.idx.msk [tilespmem:v22+s1+$0x0], $0xffff  }
0x2b1: {  	v14 =	vld.idx.msk [tilespmem:v23+s1+$0x0], $0xffff  }
0x2b2: {  	v13 =	vld.idx.msk [tilespmem:v25+s1+$0x0], $0xffff;
	[tilespmem:s0+$0xFFFFFFC0] =	vst v24  }
0x2b3: {  	s2 =	sadd.s32 $0x100, s2;
	v17 =	vld.idx.msk [tilespmem:v27+s1+$0x0], $0xffff;
	[tilespmem:s0+$0x20] =	vst v26;
	s0 =	sadd.s32 $0x100, s0  }
0x2b4: {  	_ =	sdelay $0x2  }
0x2b5: {  	[tilespmem:s0+$0x30] =	vst v18  }
0x2b6: {  	[tilespmem:s0+$0xFFFFFFD0] =	vst v15;
	v12 =	vld.idx.msk [tilespmem:v12+s1+$0x0], $0xffff  }
0x2b7: {  	v11 =	vld.idx.msk [tilespmem:v11+s1+$0x0], $0xffff;
	[tilespmem:s0+$0xFFFFFFE0] =	vst v16  }
0x2b8: {  	[tilespmem:s0+$0xFFFFFFF0] =	vst v14  }
0x2b9: {  	[tilespmem:s0+$0x0] =	vst v13  }
0x2ba: {  	[tilespmem:s0+$0x10] =	vst v17  }
0x2bb: {  	[tilespmem:s0+$0xFFFFFFC0] =	vst v12  }
0x2bc: {  	[tilespmem:s0+$0x20] =	vst v11  }
0x2bd: {  	v11 =	vld [tilespmem:$0xB000];
	_ =	sdelay $0x4  }
0x2be: {  	v11 =	vadd.s32 v6, v11;
	_ =	sdelay $0x3  }
0x2bf: {  	s4 =	simm.s32 $0x0  }
0x2c0: {  	v11 =	vld.idx.msk [tilespmem:v11+s4+$0x0], $0xffff;
	_ =	sdelay $0x4  }
0x2c1: {  	s5 =	simm.s32 $0x4;
	[tilespmem:$0xF900] =	vst v11  }
0x2c2: {  	_ =	swait.ge [sflag:s5], $0x2480  }
0x2c3: {  	s2 =	simm.s32 $0x80;
	s3 =	sadd.s32 $0x0, s24;
	[sflag:s5] =	ssyncset.done $0x0  }
0x2c4: {  	s28 =	simm.s32 $0xB200;
	s0 =	simm.s32 $0xB100;
	[sflag:s5] =	ssyncadd.s32 $0xFFFFDB80  }
.LBB2_56:
0x2c5: {  	[hbm4b:s3+s1] =	stream.linear.scatter [tilespmem:s0], [sflag:$0x3], $0x80, $0x38;
	[tilespmem:$0xFA00] =	vst v63  }
0x2c6: {  	s3 =	smov.u32 s2;
	s0 =	smov.u32 s28;
	p0 =	sne.s32 s2, $0x2400  }
.Ltmp27:
0x2c7: {  	s2 =	sadd.s32 $0x80, s2;
	(pc) =	sbr.rel @p0 .LBB2_56-.Ltmp27, $2  }
0x2c8: {  	_ =	sdelay $0x2  }
0x2c9: {  	s28 =	sadd.s32 $0x100, s28;
	s3 =	sadd.s32 s3, s24  }
0x2ca: {  	[hbm4b:s3+s1] =	stream.linear.scatter [tilespmem:s0], [sflag:$0x3], $0x80, $0x38;
	[tilespmem:$0xFA00] =	vst v63  }
0x2cb: {  	s0 =	simm.s32 $0x6800  }
0x2cc: {  	s2 =	simm.s32 $0x80;
	s3 =	sadd.s32 $0x0, s11;
	s28 =	simm.s32 $0x6900  }
.LBB2_58:
0x2cd: {  	[tilespmem:s0], [sflag:$0x1] =	stream.linear.gather [hbm4b:s3+s1], $0x80, $0x38;
	[tilespmem:$0xFA00] =	vst v63  }
0x2ce: {  	s3 =	smov.u32 s2;
	s0 =	smov.u32 s28;
	p0 =	sne.s32 s2, $0x2400  }
.Ltmp28:
0x2cf: {  	s2 =	sadd.s32 $0x80, s2;
	(pc) =	sbr.rel @p0 .LBB2_58-.Ltmp28, $2  }
0x2d0: {  	_ =	sdelay $0x2  }
0x2d1: {  	s28 =	sadd.s32 $0x100, s28;
	s3 =	sadd.s32 s3, s11  }
0x2d2: {  	[tilespmem:s0], [sflag:$0x1] =	stream.linear.gather [hbm4b:s3+s1], $0x80, $0x38;
	[tilespmem:$0xFA00] =	vst v63  }
0x2d3: {  	s4 =	simm.s32 $0x2  }
0x2d4: {  	_ =	swait.ge [sflag:s4], $0x2480  }
0x2d5: {  	[sflag:s4] =	ssyncset.done $0x0  }
0x2d6: {  	s5 =	simm.s32 $0x68F0;
	[sflag:s4] =	ssyncadd.s32 $0xFFFFDB80  }
0x2d7: {  	v11 =	vld [tilespmem:s5+$0x0]  }
0x2d8: {  	v12 =	vld [tilespmem:s5+$0xFFFFFFA0]  }
0x2d9: {  	v13 =	vld [tilespmem:s5+$0xFFFFFFB0]  }
0x2da: {  	v14 =	vld [tilespmem:s5+$0xFFFFFFC0]  }
0x2db: {  	v15 =	vld [tilespmem:s5+$0xFFFFFFD0]  }
0x2dc: {  	v16 =	vld [tilespmem:s5+$0xFFFFFFE0];
	v11 =	vadd.s32 v7, v11  }
0x2dd: {  	v12 =	vadd.s32 v7, v12  }
0x2de: {  	v13 =	vadd.s32 v7, v13  }
0x2df: {  	v17 =	vld [tilespmem:s5+$0xFFFFFFF0];
	v14 =	vadd.s32 v7, v14  }
0x2e0: {  	v19 =	vld [tilespmem:s5+$0xFFFFFF90];
	v20 =	vadd.s32 v7, v15  }
0x2e1: {  	v21 =	vadd.s32 v7, v16;
	v18 =	vld.idx.msk [tilespmem:v11+s1+$0x0], $0xffff  }
0x2e2: {  	v15 =	vld.idx.msk [tilespmem:v12+s1+$0x0], $0xffff  }
0x2e3: {  	v16 =	vld.idx.msk [tilespmem:v13+s1+$0x0], $0xffff  }
0x2e4: {  	v14 =	vld.idx.msk [tilespmem:v14+s1+$0x0], $0xffff  }
0x2e5: {  	v13 =	vld.idx.msk [tilespmem:v20+s1+$0x0], $0xffff  }
0x2e6: {  	s0 =	simm.s32 $0xB1F0;
	s28 =	simm.s32 $0x0;
	s2 =	simm.s32 $0x69F0;
	v11 =	vadd.s32 v7, v17;
	v12 =	vadd.s32 v7, v19;
	v17 =	vld.idx.msk [tilespmem:v21+s1+$0x0], $0xffff  }
.LBB2_60:
0x2e7: {  	v19 =	vld [tilespmem:s2+$0x0];
	s28 =	sadd.s32 $0x8, s28;
	[tilespmem:s0+$0x0] =	vst v18  }
0x2e8: {  	v18 =	vld [tilespmem:s2+$0xFFFFFFA0];
	p0 =	slt.u32 s28, $0x238;
	[tilespmem:s0+$0xFFFFFFA0] =	vst v15  }
0x2e9: {  	v15 =	vld [tilespmem:s2+$0xFFFFFFB0];
	[tilespmem:s0+$0xFFFFFFB0] =	vst v16  }
0x2ea: {  	v16 =	vld [tilespmem:s2+$0xFFFFFFC0];
	[tilespmem:s0+$0xFFFFFFC0] =	vst v14  }
0x2eb: {  	v14 =	vld [tilespmem:s2+$0xFFFFFFD0];
	[tilespmem:s0+$0xFFFFFFD0] =	vst v13  }
0x2ec: {  	v13 =	vld [tilespmem:s2+$0xFFFFFFE0];
	v19 =	vadd.s32 v7, v19;
	[tilespmem:s0+$0xFFFFFFE0] =	vst v17  }
0x2ed: {  	v17 =	vadd.s32 v7, v18;
	v20 =	vld [tilespmem:s2+$0xFFFFFFF0]  }
0x2ee: {  	v21 =	vld [tilespmem:s2+$0xFFFFFF90];
	v22 =	vadd.s32 v7, v15  }
0x2ef: {  	v23 =	vadd.s32 v7, v16;
	v24 =	vld.idx.msk [tilespmem:v12+s1+$0x0], $0xffff  }
0x2f0: {  	v25 =	vadd.s32 v7, v14;
	v26 =	vld.idx.msk [tilespmem:v11+s1+$0x0], $0xffff  }
0x2f1: {  	v27 =	vadd.s32 v7, v13;
	v18 =	vld.idx.msk [tilespmem:v19+s1+$0x0], $0xffff  }
.Ltmp29:
0x2f2: {  	v15 =	vld.idx.msk [tilespmem:v17+s1+$0x0], $0xffff;
	v11 =	vadd.s32 v7, v20;
	(pc) =	sbr.rel @p0 .LBB2_60-.Ltmp29, $4  }
0x2f3: {  	v12 =	vadd.s32 v7, v21;
	v16 =	vld.idx.msk [tilespmem:v22+s1+$0x0], $0xffff  }
0x2f4: {  	v14 =	vld.idx.msk [tilespmem:v23+s1+$0x0], $0xffff  }
0x2f5: {  	v13 =	vld.idx.msk [tilespmem:v25+s1+$0x0], $0xffff;
	[tilespmem:s0+$0xFFFFFF90] =	vst v24  }
0x2f6: {  	s2 =	sadd.s32 $0x100, s2;
	v17 =	vld.idx.msk [tilespmem:v27+s1+$0x0], $0xffff;
	[tilespmem:s0+$0xFFFFFFF0] =	vst v26;
	s0 =	sadd.s32 $0x100, s0  }
0x2f7: {  	_ =	sdelay $0x2  }
0x2f8: {  	[tilespmem:s0+$0x0] =	vst v18  }
0x2f9: {  	[tilespmem:s0+$0xFFFFFFA0] =	vst v15;
	v12 =	vld.idx.msk [tilespmem:v12+s1+$0x0], $0xffff  }
0x2fa: {  	v11 =	vld.idx.msk [tilespmem:v11+s1+$0x0], $0xffff;
	[tilespmem:s0+$0xFFFFFFB0] =	vst v16  }
0x2fb: {  	[tilespmem:s0+$0xFFFFFFC0] =	vst v14  }
0x2fc: {  	[tilespmem:s0+$0xFFFFFFD0] =	vst v13  }
0x2fd: {  	[tilespmem:s0+$0xFFFFFFE0] =	vst v17  }
0x2fe: {  	[tilespmem:s0+$0xFFFFFF90] =	vst v12  }
0x2ff: {  	[tilespmem:s0+$0xFFFFFFF0] =	vst v11  }
0x300: {  	v11 =	vld [tilespmem:$0xB080];
	_ =	sdelay $0x4  }
0x301: {  	v11 =	vadd.s32 v7, v11;
	_ =	sdelay $0x3  }
0x302: {  	s4 =	simm.s32 $0x0  }
0x303: {  	v11 =	vld.idx.msk [tilespmem:v11+s4+$0x0], $0xffff;
	_ =	sdelay $0x4  }
0x304: {  	s5 =	simm.s32 $0x3;
	[tilespmem:$0xF980] =	vst v11  }
0x305: {  	_ =	swait.ge [sflag:s5], $0x2480  }
0x306: {  	s2 =	simm.s32 $0x80;
	s3 =	sadd.s32 $0x0, s25;
	[sflag:s5] =	ssyncset.done $0x0  }
0x307: {  	s28 =	simm.s32 $0xB280;
	s0 =	simm.s32 $0xB180;
	[sflag:s5] =	ssyncadd.s32 $0xFFFFDB80  }
.LBB2_62:
0x308: {  	[hbm4b:s3+s1] =	stream.linear.scatter [tilespmem:s0], [sflag:$0x4], $0x80, $0x38;
	[tilespmem:$0xFA00] =	vst v63  }
0x309: {  	s3 =	smov.u32 s2;
	s0 =	smov.u32 s28;
	p0 =	sne.s32 s2, $0x2400  }
.Ltmp30:
0x30a: {  	s2 =	sadd.s32 $0x80, s2;
	(pc) =	sbr.rel @p0 .LBB2_62-.Ltmp30, $2  }
0x30b: {  	_ =	sdelay $0x2  }
0x30c: {  	s28 =	sadd.s32 $0x100, s28;
	s3 =	sadd.s32 s3, s25  }
0x30d: {  	[hbm4b:s3+s1] =	stream.linear.scatter [tilespmem:s0], [sflag:$0x4], $0x80, $0x38;
	[tilespmem:$0xFA00] =	vst v63  }
0x30e: {  	s0 =	simm.s32 $0x6880  }
0x30f: {  	s2 =	simm.s32 $0x80;
	s3 =	sadd.s32 $0x0, s12;
	s28 =	simm.s32 $0x6980  }
.LBB2_64:
0x310: {  	[tilespmem:s0], [sflag:$0x2] =	stream.linear.gather [hbm4b:s3+s1], $0x80, $0x38;
	[tilespmem:$0xFA00] =	vst v63  }
0x311: {  	s3 =	smov.u32 s2;
	s0 =	smov.u32 s28;
	p0 =	sne.s32 s2, $0x2400  }
.Ltmp31:
0x312: {  	s2 =	sadd.s32 $0x80, s2;
	(pc) =	sbr.rel @p0 .LBB2_64-.Ltmp31, $2  }
0x313: {  	_ =	sdelay $0x2  }
0x314: {  	s28 =	sadd.s32 $0x100, s28;
	s3 =	sadd.s32 s3, s12  }
0x315: {  	[tilespmem:s0], [sflag:$0x2] =	stream.linear.gather [hbm4b:s3+s1], $0x80, $0x38;
	[tilespmem:$0xFA00] =	vst v63  }
0x316: {  	s4 =	simm.s32 $0x1  }
0x317: {  	_ =	swait.ge [sflag:s4], $0x2480  }
0x318: {  	[sflag:s4] =	ssyncset.done $0x0  }
0x319: {  	s5 =	simm.s32 $0x6840;
	[sflag:s4] =	ssyncadd.s32 $0xFFFFDB80  }
0x31a: {  	v11 =	vld [tilespmem:s5+$0x30]  }
0x31b: {  	v12 =	vld [tilespmem:s5+$0xFFFFFFD0]  }
0x31c: {  	v13 =	vld [tilespmem:s5+$0xFFFFFFE0]  }
0x31d: {  	v14 =	vld [tilespmem:s5+$0xFFFFFFF0]  }
0x31e: {  	v15 =	vld [tilespmem:s5+$0x0]  }
0x31f: {  	v16 =	vld [tilespmem:s5+$0x10];
	v11 =	vadd.s32 v8, v11  }
0x320: {  	v12 =	vadd.s32 v8, v12  }
0x321: {  	v13 =	vadd.s32 v8, v13  }
0x322: {  	v17 =	vld [tilespmem:s5+$0x20];
	v14 =	vadd.s32 v8, v14  }
0x323: {  	v19 =	vld [tilespmem:s5+$0xFFFFFFC0];
	v20 =	vadd.s32 v8, v15  }
0x324: {  	v21 =	vadd.s32 v8, v16;
	v18 =	vld.idx.msk [tilespmem:v11+s1+$0x0], $0xffff  }
0x325: {  	v15 =	vld.idx.msk [tilespmem:v12+s1+$0x0], $0xffff  }
0x326: {  	v16 =	vld.idx.msk [tilespmem:v13+s1+$0x0], $0xffff  }
0x327: {  	v14 =	vld.idx.msk [tilespmem:v14+s1+$0x0], $0xffff  }
0x328: {  	v13 =	vld.idx.msk [tilespmem:v20+s1+$0x0], $0xffff  }
0x329: {  	s0 =	simm.s32 $0xB140;
	s28 =	simm.s32 $0x0;
	s2 =	simm.s32 $0x6940;
	v11 =	vadd.s32 v8, v17;
	v12 =	vadd.s32 v8, v19;
	v17 =	vld.idx.msk [tilespmem:v21+s1+$0x0], $0xffff  }
.LBB2_66:
0x32a: {  	v19 =	vld [tilespmem:s2+$0x30];
	s28 =	sadd.s32 $0x8, s28;
	[tilespmem:s0+$0x30] =	vst v18  }
0x32b: {  	v18 =	vld [tilespmem:s2+$0xFFFFFFD0];
	p0 =	slt.u32 s28, $0x238;
	[tilespmem:s0+$0xFFFFFFD0] =	vst v15  }
0x32c: {  	v15 =	vld [tilespmem:s2+$0xFFFFFFE0];
	[tilespmem:s0+$0xFFFFFFE0] =	vst v16  }
0x32d: {  	v16 =	vld [tilespmem:s2+$0xFFFFFFF0];
	[tilespmem:s0+$0xFFFFFFF0] =	vst v14  }
0x32e: {  	v14 =	vld [tilespmem:s2+$0x0];
	[tilespmem:s0+$0x0] =	vst v13  }
0x32f: {  	v13 =	vld [tilespmem:s2+$0x10];
	v19 =	vadd.s32 v8, v19;
	[tilespmem:s0+$0x10] =	vst v17  }
0x330: {  	v17 =	vadd.s32 v8, v18;
	v20 =	vld [tilespmem:s2+$0x20]  }
0x331: {  	v21 =	vld [tilespmem:s2+$0xFFFFFFC0];
	v22 =	vadd.s32 v8, v15  }
0x332: {  	v23 =	vadd.s32 v8, v16;
	v24 =	vld.idx.msk [tilespmem:v12+s1+$0x0], $0xffff  }
0x333: {  	v25 =	vadd.s32 v8, v14;
	v26 =	vld.idx.msk [tilespmem:v11+s1+$0x0], $0xffff  }
0x334: {  	v27 =	vadd.s32 v8, v13;
	v18 =	vld.idx.msk [tilespmem:v19+s1+$0x0], $0xffff  }
.Ltmp32:
0x335: {  	v15 =	vld.idx.msk [tilespmem:v17+s1+$0x0], $0xffff;
	v11 =	vadd.s32 v8, v20;
	(pc) =	sbr.rel @p0 .LBB2_66-.Ltmp32, $4  }
0x336: {  	v12 =	vadd.s32 v8, v21;
	v16 =	vld.idx.msk [tilespmem:v22+s1+$0x0], $0xffff  }
0x337: {  	v14 =	vld.idx.msk [tilespmem:v23+s1+$0x0], $0xffff  }
0x338: {  	v13 =	vld.idx.msk [tilespmem:v25+s1+$0x0], $0xffff;
	[tilespmem:s0+$0xFFFFFFC0] =	vst v24  }
0x339: {  	s2 =	sadd.s32 $0x100, s2;
	v17 =	vld.idx.msk [tilespmem:v27+s1+$0x0], $0xffff;
	[tilespmem:s0+$0x20] =	vst v26;
	s0 =	sadd.s32 $0x100, s0  }
0x33a: {  	_ =	sdelay $0x2  }
0x33b: {  	[tilespmem:s0+$0x30] =	vst v18  }
0x33c: {  	[tilespmem:s0+$0xFFFFFFD0] =	vst v15;
	v12 =	vld.idx.msk [tilespmem:v12+s1+$0x0], $0xffff  }
0x33d: {  	v11 =	vld.idx.msk [tilespmem:v11+s1+$0x0], $0xffff;
	[tilespmem:s0+$0xFFFFFFE0] =	vst v16  }
0x33e: {  	[tilespmem:s0+$0xFFFFFFF0] =	vst v14  }
0x33f: {  	[tilespmem:s0+$0x0] =	vst v13  }
0x340: {  	[tilespmem:s0+$0x10] =	vst v17  }
0x341: {  	[tilespmem:s0+$0xFFFFFFC0] =	vst v12  }
0x342: {  	[tilespmem:s0+$0x20] =	vst v11  }
0x343: {  	v11 =	vld [tilespmem:$0xB000];
	_ =	sdelay $0x4  }
0x344: {  	v11 =	vadd.s32 v8, v11;
	_ =	sdelay $0x3  }
0x345: {  	s4 =	simm.s32 $0x0  }
0x346: {  	v11 =	vld.idx.msk [tilespmem:v11+s4+$0x0], $0xffff;
	_ =	sdelay $0x4  }
0x347: {  	s5 =	simm.s32 $0x4;
	[tilespmem:$0xF900] =	vst v11  }
0x348: {  	_ =	swait.ge [sflag:s5], $0x2480  }
0x349: {  	s2 =	simm.s32 $0x80;
	s3 =	sadd.s32 $0x0, s26;
	[sflag:s5] =	ssyncset.done $0x0  }
0x34a: {  	s28 =	simm.s32 $0xB200;
	s0 =	simm.s32 $0xB100;
	[sflag:s5] =	ssyncadd.s32 $0xFFFFDB80  }
.LBB2_68:
0x34b: {  	[hbm4b:s3+s1] =	stream.linear.scatter [tilespmem:s0], [sflag:$0x3], $0x80, $0x38;
	[tilespmem:$0xFA00] =	vst v63  }
0x34c: {  	s3 =	smov.u32 s2;
	s0 =	smov.u32 s28;
	p0 =	sne.s32 s2, $0x2400  }
.Ltmp33:
0x34d: {  	s2 =	sadd.s32 $0x80, s2;
	(pc) =	sbr.rel @p0 .LBB2_68-.Ltmp33, $2  }
0x34e: {  	_ =	sdelay $0x2  }
0x34f: {  	s28 =	sadd.s32 $0x100, s28;
	s3 =	sadd.s32 s3, s26  }
0x350: {  	[hbm4b:s3+s1] =	stream.linear.scatter [tilespmem:s0], [sflag:$0x3], $0x80, $0x38;
	[tilespmem:$0xFA00] =	vst v63  }
0x351: {  	s0 =	simm.s32 $0x6800  }
0x352: {  	s2 =	simm.s32 $0x80;
	s3 =	sadd.s32 $0x0, s13;
	s28 =	simm.s32 $0x6900  }
.LBB2_70:
0x353: {  	[tilespmem:s0], [sflag:$0x1] =	stream.linear.gather [hbm4b:s3+s1], $0x80, $0x38;
	[tilespmem:$0xFA00] =	vst v63  }
0x354: {  	s3 =	smov.u32 s2;
	s0 =	smov.u32 s28;
	p0 =	sne.s32 s2, $0x2400  }
.Ltmp34:
0x355: {  	s2 =	sadd.s32 $0x80, s2;
	(pc) =	sbr.rel @p0 .LBB2_70-.Ltmp34, $2  }
0x356: {  	_ =	sdelay $0x2  }
0x357: {  	s28 =	sadd.s32 $0x100, s28;
	s3 =	sadd.s32 s3, s13  }
0x358: {  	[tilespmem:s0], [sflag:$0x1] =	stream.linear.gather [hbm4b:s3+s1], $0x80, $0x38;
	[tilespmem:$0xFA00] =	vst v63  }
0x359: {  	s4 =	simm.s32 $0x2  }
0x35a: {  	_ =	swait.ge [sflag:s4], $0x2480  }
0x35b: {  	[sflag:s4] =	ssyncset.done $0x0  }
0x35c: {  	s5 =	simm.s32 $0x68F0;
	[sflag:s4] =	ssyncadd.s32 $0xFFFFDB80  }
0x35d: {  	v11 =	vld [tilespmem:s5+$0x0]  }
0x35e: {  	v12 =	vld [tilespmem:s5+$0xFFFFFFA0]  }
0x35f: {  	v13 =	vld [tilespmem:s5+$0xFFFFFFB0]  }
0x360: {  	v14 =	vld [tilespmem:s5+$0xFFFFFFC0]  }
0x361: {  	v15 =	vld [tilespmem:s5+$0xFFFFFFD0]  }
0x362: {  	v16 =	vld [tilespmem:s5+$0xFFFFFFE0];
	v11 =	vadd.s32 v9, v11  }
0x363: {  	v12 =	vadd.s32 v9, v12  }
0x364: {  	v13 =	vadd.s32 v9, v13  }
0x365: {  	v17 =	vld [tilespmem:s5+$0xFFFFFFF0];
	v14 =	vadd.s32 v9, v14  }
0x366: {  	v19 =	vld [tilespmem:s5+$0xFFFFFF90];
	v20 =	vadd.s32 v9, v15  }
0x367: {  	v21 =	vadd.s32 v9, v16;
	v18 =	vld.idx.msk [tilespmem:v11+s1+$0x0], $0xffff  }
0x368: {  	v15 =	vld.idx.msk [tilespmem:v12+s1+$0x0], $0xffff  }
0x369: {  	v16 =	vld.idx.msk [tilespmem:v13+s1+$0x0], $0xffff  }
0x36a: {  	v14 =	vld.idx.msk [tilespmem:v14+s1+$0x0], $0xffff  }
0x36b: {  	v13 =	vld.idx.msk [tilespmem:v20+s1+$0x0], $0xffff  }
0x36c: {  	s0 =	simm.s32 $0xB1F0;
	s28 =	simm.s32 $0x0;
	s2 =	simm.s32 $0x69F0;
	v11 =	vadd.s32 v9, v17;
	v12 =	vadd.s32 v9, v19;
	v17 =	vld.idx.msk [tilespmem:v21+s1+$0x0], $0xffff  }
.LBB2_72:
0x36d: {  	v19 =	vld [tilespmem:s2+$0x0];
	s28 =	sadd.s32 $0x8, s28;
	[tilespmem:s0+$0x0] =	vst v18  }
0x36e: {  	v18 =	vld [tilespmem:s2+$0xFFFFFFA0];
	p0 =	slt.u32 s28, $0x238;
	[tilespmem:s0+$0xFFFFFFA0] =	vst v15  }
0x36f: {  	v15 =	vld [tilespmem:s2+$0xFFFFFFB0];
	[tilespmem:s0+$0xFFFFFFB0] =	vst v16  }
0x370: {  	v16 =	vld [tilespmem:s2+$0xFFFFFFC0];
	[tilespmem:s0+$0xFFFFFFC0] =	vst v14  }
0x371: {  	v14 =	vld [tilespmem:s2+$0xFFFFFFD0];
	[tilespmem:s0+$0xFFFFFFD0] =	vst v13  }
0x372: {  	v13 =	vld [tilespmem:s2+$0xFFFFFFE0];
	v19 =	vadd.s32 v9, v19;
	[tilespmem:s0+$0xFFFFFFE0] =	vst v17  }
0x373: {  	v17 =	vadd.s32 v9, v18;
	v20 =	vld [tilespmem:s2+$0xFFFFFFF0]  }
0x374: {  	v21 =	vld [tilespmem:s2+$0xFFFFFF90];
	v22 =	vadd.s32 v9, v15  }
0x375: {  	v23 =	vadd.s32 v9, v16;
	v24 =	vld.idx.msk [tilespmem:v12+s1+$0x0], $0xffff  }
0x376: {  	v25 =	vadd.s32 v9, v14;
	v26 =	vld.idx.msk [tilespmem:v11+s1+$0x0], $0xffff  }
0x377: {  	v27 =	vadd.s32 v9, v13;
	v18 =	vld.idx.msk [tilespmem:v19+s1+$0x0], $0xffff  }
.Ltmp35:
0x378: {  	v15 =	vld.idx.msk [tilespmem:v17+s1+$0x0], $0xffff;
	v11 =	vadd.s32 v9, v20;
	(pc) =	sbr.rel @p0 .LBB2_72-.Ltmp35, $4  }
0x379: {  	v12 =	vadd.s32 v9, v21;
	v16 =	vld.idx.msk [tilespmem:v22+s1+$0x0], $0xffff  }
0x37a: {  	v14 =	vld.idx.msk [tilespmem:v23+s1+$0x0], $0xffff  }
0x37b: {  	v13 =	vld.idx.msk [tilespmem:v25+s1+$0x0], $0xffff;
	[tilespmem:s0+$0xFFFFFF90] =	vst v24  }
0x37c: {  	s2 =	sadd.s32 $0x100, s2;
	v17 =	vld.idx.msk [tilespmem:v27+s1+$0x0], $0xffff;
	[tilespmem:s0+$0xFFFFFFF0] =	vst v26;
	s0 =	sadd.s32 $0x100, s0  }
0x37d: {  	_ =	sdelay $0x2  }
0x37e: {  	[tilespmem:s0+$0x0] =	vst v18  }
0x37f: {  	[tilespmem:s0+$0xFFFFFFA0] =	vst v15;
	v12 =	vld.idx.msk [tilespmem:v12+s1+$0x0], $0xffff  }
0x380: {  	v11 =	vld.idx.msk [tilespmem:v11+s1+$0x0], $0xffff;
	[tilespmem:s0+$0xFFFFFFB0] =	vst v16  }
0x381: {  	[tilespmem:s0+$0xFFFFFFC0] =	vst v14  }
0x382: {  	[tilespmem:s0+$0xFFFFFFD0] =	vst v13  }
0x383: {  	[tilespmem:s0+$0xFFFFFFE0] =	vst v17  }
0x384: {  	[tilespmem:s0+$0xFFFFFF90] =	vst v12  }
0x385: {  	[tilespmem:s0+$0xFFFFFFF0] =	vst v11  }
0x386: {  	v11 =	vld [tilespmem:$0xB080];
	_ =	sdelay $0x4  }
0x387: {  	v11 =	vadd.s32 v9, v11;
	_ =	sdelay $0x3  }
0x388: {  	s4 =	simm.s32 $0x0  }
0x389: {  	v11 =	vld.idx.msk [tilespmem:v11+s4+$0x0], $0xffff;
	_ =	sdelay $0x4  }
0x38a: {  	s5 =	simm.s32 $0x3;
	[tilespmem:$0xF980] =	vst v11  }
0x38b: {  	_ =	swait.ge [sflag:s5], $0x2480  }
0x38c: {  	s2 =	simm.s32 $0x80;
	s3 =	sadd.s32 $0x0, s29;
	[sflag:s5] =	ssyncset.done $0x0  }
0x38d: {  	s28 =	simm.s32 $0xB280;
	s0 =	simm.s32 $0xB180;
	[sflag:s5] =	ssyncadd.s32 $0xFFFFDB80  }
.LBB2_74:
0x38e: {  	[hbm4b:s3+s1] =	stream.linear.scatter [tilespmem:s0], [sflag:$0x4], $0x80, $0x38;
	[tilespmem:$0xFA00] =	vst v63  }
0x38f: {  	s3 =	smov.u32 s2;
	s0 =	smov.u32 s28;
	p0 =	sne.s32 s2, $0x2400  }
.Ltmp36:
0x390: {  	s2 =	sadd.s32 $0x80, s2;
	(pc) =	sbr.rel @p0 .LBB2_74-.Ltmp36, $2  }
0x391: {  	_ =	sdelay $0x2  }
0x392: {  	s28 =	sadd.s32 $0x100, s28;
	s3 =	sadd.s32 s3, s29  }
0x393: {  	[hbm4b:s3+s1] =	stream.linear.scatter [tilespmem:s0], [sflag:$0x4], $0x80, $0x38;
	[tilespmem:$0xFA00] =	vst v63  }
0x394: {  	s0 =	simm.s32 $0x6880  }
0x395: {  	s2 =	simm.s32 $0x80;
	s3 =	sadd.s32 $0x0, s14;
	s28 =	simm.s32 $0x6980  }
.LBB2_76:
0x396: {  	[tilespmem:s0], [sflag:$0x2] =	stream.linear.gather [hbm4b:s3+s1], $0x80, $0x38;
	[tilespmem:$0xFA00] =	vst v63  }
0x397: {  	s3 =	smov.u32 s2;
	s0 =	smov.u32 s28;
	p0 =	sne.s32 s2, $0x2400  }
.Ltmp37:
0x398: {  	s2 =	sadd.s32 $0x80, s2;
	(pc) =	sbr.rel @p0 .LBB2_76-.Ltmp37, $2  }
0x399: {  	_ =	sdelay $0x2  }
0x39a: {  	s28 =	sadd.s32 $0x100, s28;
	s3 =	sadd.s32 s3, s14  }
0x39b: {  	[tilespmem:s0], [sflag:$0x2] =	stream.linear.gather [hbm4b:s3+s1], $0x80, $0x38;
	[tilespmem:$0xFA00] =	vst v63  }
0x39c: {  	s4 =	simm.s32 $0x1  }
0x39d: {  	_ =	swait.ge [sflag:s4], $0x2480  }
0x39e: {  	[sflag:s4] =	ssyncset.done $0x0  }
0x39f: {  	s5 =	simm.s32 $0x6840;
	[sflag:s4] =	ssyncadd.s32 $0xFFFFDB80  }
0x3a0: {  	v11 =	vld [tilespmem:s5+$0x30]  }
0x3a1: {  	v12 =	vld [tilespmem:s5+$0xFFFFFFD0]  }
0x3a2: {  	v13 =	vld [tilespmem:s5+$0xFFFFFFE0]  }
0x3a3: {  	v14 =	vld [tilespmem:s5+$0xFFFFFFF0]  }
0x3a4: {  	v15 =	vld [tilespmem:s5+$0x0]  }
0x3a5: {  	v16 =	vld [tilespmem:s5+$0x10];
	v11 =	vadd.s32 v10, v11  }
0x3a6: {  	v12 =	vadd.s32 v10, v12  }
0x3a7: {  	v13 =	vadd.s32 v10, v13  }
0x3a8: {  	v17 =	vld [tilespmem:s5+$0x20];
	v14 =	vadd.s32 v10, v14  }
0x3a9: {  	v19 =	vld [tilespmem:s5+$0xFFFFFFC0];
	v20 =	vadd.s32 v10, v15  }
0x3aa: {  	v21 =	vadd.s32 v10, v16;
	v18 =	vld.idx.msk [tilespmem:v11+s1+$0x0], $0xffff  }
0x3ab: {  	v15 =	vld.idx.msk [tilespmem:v12+s1+$0x0], $0xffff  }
0x3ac: {  	v16 =	vld.idx.msk [tilespmem:v13+s1+$0x0], $0xffff  }
0x3ad: {  	v14 =	vld.idx.msk [tilespmem:v14+s1+$0x0], $0xffff  }
0x3ae: {  	v13 =	vld.idx.msk [tilespmem:v20+s1+$0x0], $0xffff  }
0x3af: {  	s0 =	simm.s32 $0xB140;
	s28 =	simm.s32 $0x0;
	s2 =	simm.s32 $0x6940;
	v11 =	vadd.s32 v10, v17;
	v12 =	vadd.s32 v10, v19;
	v17 =	vld.idx.msk [tilespmem:v21+s1+$0x0], $0xffff  }
.LBB2_78:
0x3b0: {  	v19 =	vld [tilespmem:s2+$0x30];
	s28 =	sadd.s32 $0x8, s28;
	[tilespmem:s0+$0x30] =	vst v18  }
0x3b1: {  	v18 =	vld [tilespmem:s2+$0xFFFFFFD0];
	p0 =	slt.u32 s28, $0x238;
	[tilespmem:s0+$0xFFFFFFD0] =	vst v15  }
0x3b2: {  	v15 =	vld [tilespmem:s2+$0xFFFFFFE0];
	[tilespmem:s0+$0xFFFFFFE0] =	vst v16  }
0x3b3: {  	v16 =	vld [tilespmem:s2+$0xFFFFFFF0];
	[tilespmem:s0+$0xFFFFFFF0] =	vst v14  }
0x3b4: {  	v14 =	vld [tilespmem:s2+$0x0];
	[tilespmem:s0+$0x0] =	vst v13  }
0x3b5: {  	v13 =	vld [tilespmem:s2+$0x10];
	v19 =	vadd.s32 v10, v19;
	[tilespmem:s0+$0x10] =	vst v17  }
0x3b6: {  	v17 =	vadd.s32 v10, v18;
	v20 =	vld [tilespmem:s2+$0x20]  }
0x3b7: {  	v21 =	vld [tilespmem:s2+$0xFFFFFFC0];
	v22 =	vadd.s32 v10, v15  }
0x3b8: {  	v23 =	vadd.s32 v10, v16;
	v24 =	vld.idx.msk [tilespmem:v12+s1+$0x0], $0xffff  }
0x3b9: {  	v25 =	vadd.s32 v10, v14;
	v26 =	vld.idx.msk [tilespmem:v11+s1+$0x0], $0xffff  }
0x3ba: {  	v27 =	vadd.s32 v10, v13;
	v18 =	vld.idx.msk [tilespmem:v19+s1+$0x0], $0xffff  }
.Ltmp38:
0x3bb: {  	v15 =	vld.idx.msk [tilespmem:v17+s1+$0x0], $0xffff;
	v11 =	vadd.s32 v10, v20;
	(pc) =	sbr.rel @p0 .LBB2_78-.Ltmp38, $4  }
0x3bc: {  	v12 =	vadd.s32 v10, v21;
	v16 =	vld.idx.msk [tilespmem:v22+s1+$0x0], $0xffff  }
0x3bd: {  	v14 =	vld.idx.msk [tilespmem:v23+s1+$0x0], $0xffff  }
0x3be: {  	v13 =	vld.idx.msk [tilespmem:v25+s1+$0x0], $0xffff;
	[tilespmem:s0+$0xFFFFFFC0] =	vst v24  }
0x3bf: {  	s2 =	sadd.s32 $0x100, s2;
	v17 =	vld.idx.msk [tilespmem:v27+s1+$0x0], $0xffff;
	[tilespmem:s0+$0x20] =	vst v26;
	s0 =	sadd.s32 $0x100, s0  }
0x3c0: {  	_ =	sdelay $0x2  }
0x3c1: {  	[tilespmem:s0+$0x30] =	vst v18  }
0x3c2: {  	[tilespmem:s0+$0xFFFFFFD0] =	vst v15;
	v12 =	vld.idx.msk [tilespmem:v12+s1+$0x0], $0xffff  }
0x3c3: {  	v11 =	vld.idx.msk [tilespmem:v11+s1+$0x0], $0xffff;
	[tilespmem:s0+$0xFFFFFFE0] =	vst v16  }
0x3c4: {  	[tilespmem:s0+$0xFFFFFFF0] =	vst v14  }
0x3c5: {  	[tilespmem:s0+$0x0] =	vst v13  }
0x3c6: {  	[tilespmem:s0+$0x10] =	vst v17  }
0x3c7: {  	[tilespmem:s0+$0xFFFFFFC0] =	vst v12  }
0x3c8: {  	[tilespmem:s0+$0x20] =	vst v11  }
0x3c9: {  	v11 =	vld [tilespmem:$0xB000];
	_ =	sdelay $0x4  }
0x3ca: {  	v11 =	vadd.s32 v10, v11;
	_ =	sdelay $0x3  }
0x3cb: {  	s4 =	simm.s32 $0x0  }
0x3cc: {  	v11 =	vld.idx.msk [tilespmem:v11+s4+$0x0], $0xffff;
	_ =	sdelay $0x4  }
0x3cd: {  	s5 =	simm.s32 $0x4;
	[tilespmem:$0xF900] =	vst v11  }
0x3ce: {  	_ =	swait.ge [sflag:s5], $0x2480  }
0x3cf: {  	s2 =	simm.s32 $0x80;
	s3 =	sadd.s32 $0x0, s30;
	[sflag:s5] =	ssyncset.done $0x0  }
0x3d0: {  	s28 =	simm.s32 $0xB200;
	s0 =	simm.s32 $0xB100;
	[sflag:s5] =	ssyncadd.s32 $0xFFFFDB80  }
.LBB2_80:
0x3d1: {  	[hbm4b:s3+s1] =	stream.linear.scatter [tilespmem:s0], [sflag:$0x3], $0x80, $0x38;
	[tilespmem:$0xFA00] =	vst v63  }
0x3d2: {  	s3 =	smov.u32 s2;
	s0 =	smov.u32 s28;
	p0 =	sne.s32 s2, $0x2400  }
.Ltmp39:
0x3d3: {  	s2 =	sadd.s32 $0x80, s2;
	(pc) =	sbr.rel @p0 .LBB2_80-.Ltmp39, $2  }
0x3d4: {  	_ =	sdelay $0x2  }
0x3d5: {  	s28 =	sadd.s32 $0x100, s28;
	s3 =	sadd.s32 s3, s30  }
0x3d6: {  	[hbm4b:s3+s1] =	stream.linear.scatter [tilespmem:s0], [sflag:$0x3], $0x80, $0x38;
	[tilespmem:$0xFA00] =	vst v63  }
0x3d7: {  	s4 =	simm.s32 $0x2  }
0x3d8: {  	_ =	swait.ge [sflag:s4], $0x2480  }
0x3d9: {  	[sflag:s4] =	ssyncset.done $0x0  }
0x3da: {  	s5 =	simm.s32 $0x68F0;
	[sflag:s4] =	ssyncadd.s32 $0xFFFFDB80  }
0x3db: {  	v11 =	vld [tilespmem:s5+$0x0]  }
0x3dc: {  	v12 =	vld [tilespmem:s5+$0xFFFFFFA0]  }
0x3dd: {  	v13 =	vld [tilespmem:s5+$0xFFFFFFB0]  }
0x3de: {  	v14 =	vld [tilespmem:s5+$0xFFFFFFC0]  }
0x3df: {  	v15 =	vld [tilespmem:s5+$0xFFFFFFD0]  }
0x3e0: {  	v16 =	vld [tilespmem:s5+$0xFFFFFFE0];
	v11 =	vadd.s32 $0x5F0C, v11  }
0x3e1: {  	v12 =	vadd.s32 $0x5F0C, v12  }
0x3e2: {  	v13 =	vadd.s32 $0x5F0C, v13  }
0x3e3: {  	v17 =	vld [tilespmem:s5+$0xFFFFFFF0];
	v14 =	vadd.s32 $0x5F0C, v14  }
0x3e4: {  	v19 =	vld [tilespmem:s5+$0xFFFFFF90];
	v20 =	vadd.s32 $0x5F0C, v15  }
0x3e5: {  	v21 =	vadd.s32 $0x5F0C, v16;
	v18 =	vld.idx.msk [tilespmem:v11+s1+$0x0], $0xffff  }
0x3e6: {  	v15 =	vld.idx.msk [tilespmem:v12+s1+$0x0], $0xffff  }
0x3e7: {  	v16 =	vld.idx.msk [tilespmem:v13+s1+$0x0], $0xffff  }
0x3e8: {  	v14 =	vld.idx.msk [tilespmem:v14+s1+$0x0], $0xffff  }
0x3e9: {  	v13 =	vld.idx.msk [tilespmem:v20+s1+$0x0], $0xffff  }
0x3ea: {  	s0 =	simm.s32 $0xB1F0;
	s28 =	simm.s32 $0x0;
	s2 =	simm.s32 $0x69F0;
	v11 =	vadd.s32 $0x5F0C, v17;
	v12 =	vadd.s32 $0x5F0C, v19;
	v17 =	vld.idx.msk [tilespmem:v21+s1+$0x0], $0xffff  }
.LBB2_82:
0x3eb: {  	v19 =	vld [tilespmem:s2+$0x0];
	s28 =	sadd.s32 $0x8, s28;
	[tilespmem:s0+$0x0] =	vst v18  }
0x3ec: {  	v18 =	vld [tilespmem:s2+$0xFFFFFFA0];
	p0 =	slt.u32 s28, $0x238;
	[tilespmem:s0+$0xFFFFFFA0] =	vst v15  }
0x3ed: {  	v15 =	vld [tilespmem:s2+$0xFFFFFFB0];
	[tilespmem:s0+$0xFFFFFFB0] =	vst v16  }
0x3ee: {  	v16 =	vld [tilespmem:s2+$0xFFFFFFC0];
	[tilespmem:s0+$0xFFFFFFC0] =	vst v14  }
0x3ef: {  	v14 =	vld [tilespmem:s2+$0xFFFFFFD0];
	[tilespmem:s0+$0xFFFFFFD0] =	vst v13  }
0x3f0: {  	v13 =	vld [tilespmem:s2+$0xFFFFFFE0];
	v19 =	vadd.s32 $0x5F0C, v19;
	[tilespmem:s0+$0xFFFFFFE0] =	vst v17  }
0x3f1: {  	v17 =	vadd.s32 $0x5F0C, v18;
	v20 =	vld [tilespmem:s2+$0xFFFFFFF0]  }
0x3f2: {  	v21 =	vld [tilespmem:s2+$0xFFFFFF90];
	v22 =	vadd.s32 $0x5F0C, v15  }
0x3f3: {  	v23 =	vadd.s32 $0x5F0C, v16;
	v24 =	vld.idx.msk [tilespmem:v12+s1+$0x0], $0xffff  }
0x3f4: {  	v25 =	vadd.s32 $0x5F0C, v14;
	v26 =	vld.idx.msk [tilespmem:v11+s1+$0x0], $0xffff  }
0x3f5: {  	v27 =	vadd.s32 $0x5F0C, v13;
	v18 =	vld.idx.msk [tilespmem:v19+s1+$0x0], $0xffff  }
.Ltmp40:
0x3f6: {  	v15 =	vld.idx.msk [tilespmem:v17+s1+$0x0], $0xffff;
	v11 =	vadd.s32 $0x5F0C, v20;
	(pc) =	sbr.rel @p0 .LBB2_82-.Ltmp40, $4  }
0x3f7: {  	v12 =	vadd.s32 $0x5F0C, v21;
	v16 =	vld.idx.msk [tilespmem:v22+s1+$0x0], $0xffff  }
0x3f8: {  	v14 =	vld.idx.msk [tilespmem:v23+s1+$0x0], $0xffff  }
0x3f9: {  	v13 =	vld.idx.msk [tilespmem:v25+s1+$0x0], $0xffff;
	[tilespmem:s0+$0xFFFFFF90] =	vst v24  }
0x3fa: {  	s2 =	sadd.s32 $0x100, s2;
	v17 =	vld.idx.msk [tilespmem:v27+s1+$0x0], $0xffff;
	[tilespmem:s0+$0xFFFFFFF0] =	vst v26;
	s0 =	sadd.s32 $0x100, s0  }
0x3fb: {  	_ =	sdelay $0x2  }
0x3fc: {  	[tilespmem:s0+$0x0] =	vst v18  }
0x3fd: {  	[tilespmem:s0+$0xFFFFFFA0] =	vst v15;
	v12 =	vld.idx.msk [tilespmem:v12+s1+$0x0], $0xffff  }
0x3fe: {  	v11 =	vld.idx.msk [tilespmem:v11+s1+$0x0], $0xffff;
	[tilespmem:s0+$0xFFFFFFB0] =	vst v16  }
0x3ff: {  	[tilespmem:s0+$0xFFFFFFC0] =	vst v14  }
0x400: {  	[tilespmem:s0+$0xFFFFFFD0] =	vst v13  }
0x401: {  	[tilespmem:s0+$0xFFFFFFE0] =	vst v17  }
0x402: {  	[tilespmem:s0+$0xFFFFFF90] =	vst v12  }
0x403: {  	[tilespmem:s0+$0xFFFFFFF0] =	vst v11  }
0x404: {  	v11 =	vld [tilespmem:$0xB080];
	_ =	sdelay $0x4  }
0x405: {  	v11 =	vadd.s32 $0x5F0C, v11;
	_ =	sdelay $0x3  }
0x406: {  	s4 =	simm.s32 $0x0  }
0x407: {  	v11 =	vld.idx.msk [tilespmem:v11+s4+$0x0], $0xffff;
	_ =	sdelay $0x4  }
0x408: {  	s5 =	simm.s32 $0x3;
	[tilespmem:$0xF980] =	vst v11  }
0x409: {  	_ =	swait.ge [sflag:s5], $0x2480  }
0x40a: {  	s2 =	simm.s32 $0x80;
	s3 =	sadd.s32 $0x0, s31;
	[sflag:s5] =	ssyncset.done $0x0  }
0x40b: {  	s28 =	simm.s32 $0xB280;
	s0 =	simm.s32 $0xB180;
	[sflag:s5] =	ssyncadd.s32 $0xFFFFDB80  }
.LBB2_84:
0x40c: {  	[hbm4b:s3+s1] =	stream.linear.scatter [tilespmem:s0], [sflag:$0x4], $0x80, $0x38;
	[tilespmem:$0xFA00] =	vst v63  }
0x40d: {  	s3 =	smov.u32 s2;
	s0 =	smov.u32 s28;
	p0 =	sne.s32 s2, $0x2400  }
.Ltmp41:
0x40e: {  	s2 =	sadd.s32 $0x80, s2;
	(pc) =	sbr.rel @p0 .LBB2_84-.Ltmp41, $2  }
0x40f: {  	_ =	sdelay $0x2  }
0x410: {  	s28 =	sadd.s32 $0x100, s28;
	s3 =	sadd.s32 s3, s31  }
0x411: {  	[hbm4b:s3+s1] =	stream.linear.scatter [tilespmem:s0], [sflag:$0x4], $0x80, $0x38;
	[tilespmem:$0xFA00] =	vst v63  }
0x412: {  	s2 =	simm.s32 $0x4  }
0x413: {  	_ =	swait.ge [sflag:s2], $0x2480  }
0x414: {  	s5 =	rddreg [dreg:$0x9]  }
0x415: {  	s28 =	rddreg [dreg:$0x8];
	s3 =	sadd.s32 $0x1, s5  }
0x416: {  	p0 =	sne.s32 s3, s28  }
.Ltmp42:
0x417: {  	_ = 	snop;
	(pc) =	sbr.rel @p0 .LBB2_1-.Ltmp42, $3  }
0x418: {  	_ =	sdelay $0x1  }
0x419: {  	[sflag:s2] =	ssyncset.done $0x0  }
0x41a: {  	[sflag:s2] =	ssyncadd.s32 $0xFFFFDB80  }
0x41b: {  	_ =	sfence.sel $0x180000  }
0x41c: {  	[bflag:$0x0] =	sbarrier.arrive $0xFFFF  }
0x41d: {  	_ =	strace $0x90000047  }
0x41e: {  	s0 =	stileid.u32;
	[bflag:$0x2] =	sbarrier.arrive $0xFFFF  }
0x41f: {  	p0 =	sne.s32 s0, $0x0;
	s0 =	rddreg [dreg:$0x2]  }
0x420: {  	s0 =	sadd.s32 @!p0 $0x100000, s0  }
0x421: {  	[sflag:s0] =	ssyncadd.tile.s32 @!p0 $0x1;
	_ =	shalt  }
.Lfunc_end2:
_tile_overlayer_lowered:
.L_overlay_start_2:
0x422: {  	(tag) =	ssettag $0x2  }
0x423: {  	s0 =	rddreg [dreg:$0x0];
	s2 =	stileid.u32  }
0x424: {  	s1 =	rddreg [dreg:$0x1];
	p0 =	sne.s32 s2, $0x0  }
0x425: {  	s3 =	rddreg [dreg:$0x2];
	[bflag:$0x3] =	sbarrier.arrive $0xFFFF;
	s2 =	simm.s32 @!p0 $0x1C05  }
0x426: {  	[timem:s3], [sflag:s2] =	dma.local @!p0 [hbm:s0], s1  }
0x427: {  	s0 =	simm.s32 @!p0 $0x5  }
0x428: {  	_ =	swait.ge @!p0 [sflag:s0], s1  }
0x429: {  	s1 =	ssub.s32 @!p0 $0x0, s1;
	[sflag:s0] =	ssyncset.done @!p0 $0x0  }
0x42a: {  	[sflag:s0] =	ssyncadd.s32 @!p0 s1  }
0x42b: {  	[bflag:$0x3] =	sbarrier.arrive $0xFFFF  }
0x42c: {  	_ =	shalt  }

</sc_bundles>
